<compile_context>
chip_gen: v7x
topology: tpu7x:2x2x1
jax: 0.10.2.dev20260603
libtpu: 0.0.44.dev20260713+nightly
codegen_flags: <defaults>
</compile_context>

<pallas_src>
import functools

import jax
import jax.numpy as jnp
from jax import lax
from jax.experimental import pallas as pl
from jax.experimental.pallas import tpu as pltpu
from jax.experimental.pallas import tpu_sc as plsc

N = 10000
D = 128
R = 8
E = 40000

NC = 2
NS = 16
NW = NC * NS
EPT = (R * E) // NW
CH = 80
NCHUNK = EPT // CH
LASTC = NCHUNK - 1
RPT = 624
ZR = 208
BT = 1000

_F32 = jnp.float32
_DOT_T = functools.partial(
    lax.dot_general,
    dimension_numbers=(((1,), (1,)), ((), ())),
    preferred_element_type=_F32,
)
_DOT = functools.partial(
    lax.dot_general,
    dimension_numbers=(((1,), (0,)), ((), ())),
    preferred_element_type=_F32,
)


def _tables_body(x_ref, w_in_ref, b_in_ref, w_big_ref, b_self_ref,
                 out0_ref, table_ref):
    h = jnp.maximum(_DOT_T(x_ref[...], w_in_ref[...]) + b_in_ref[...], 0.0)
    big = _DOT(h, w_big_ref[...])
    out0_ref[...] = big[:, :D] + b_self_ref[...]
    for r in range(R):
        table_ref[r] = big[:, (r + 1) * D:(r + 2) * D]


def _tables_call(x, W_in, b_in, W_big, b_self):
    return pl.pallas_call(
        _tables_body,
        grid=(N // BT,),
        in_specs=[
            pl.BlockSpec((BT, D), lambda i: (i, 0)),
            pl.BlockSpec((D, D), lambda i: (0, 0)),
            pl.BlockSpec((1, D), lambda i: (0, 0)),
            pl.BlockSpec((D, (R + 1) * D), lambda i: (0, 0)),
            pl.BlockSpec((1, D), lambda i: (0, 0)),
        ],
        out_specs=[
            pl.BlockSpec((BT, D), lambda i: (i, 0)),
            pl.BlockSpec((R, BT, D), lambda i: (0, i, 0)),
        ],
        out_shape=[
            jax.ShapeDtypeStruct((N, D), _F32),
            jax.ShapeDtypeStruct((R, N, D), _F32),
        ],
    )(x, W_in, b_in, W_big, b_self)


_MESH = plsc.VectorSubcoreMesh(core_axis_name="c", subcore_axis_name="s")


@functools.partial(
    pl.kernel,
    out_type=jax.ShapeDtypeStruct((NC, N, D), _F32),
    mesh=_MESH,
    scratch_types=[
        pltpu.VMEM_SHARED((N, D), _F32),
        pltpu.VMEM((CH, D), _F32),
        pltpu.VMEM((CH, D), _F32),
        pltpu.VMEM((3, CH), jnp.int32),
        pltpu.VMEM((3, CH), jnp.int32),
        pltpu.VMEM((CH,), jnp.int32),
        pltpu.VMEM((CH,), jnp.int32),
        pltpu.VMEM((CH,), _F32),
        pltpu.VMEM((CH,), _F32),
        pltpu.VMEM((ZR, D), _F32),
        pltpu.SemaphoreType.DMA,
        pltpu.SemaphoreType.DMA,
        pltpu.SemaphoreType.DMA,
        pltpu.SemaphoreType.DMA,
        pltpu.SemaphoreType.DMA,
    ],
    compiler_params=pltpu.CompilerParams(needs_layout_passes=False),
)
def _sc_agg(table_hbm, pk_hbm, out_hbm,
            acc, rows0, rows1, pk0, pk1, sidx0, sidx1, sval0, sval1, zbuf,
            gsem, psem0, psem1, ssem0, ssem1):
    cid = lax.axis_index("c")
    sid = lax.axis_index("s")
    wid = cid * NS + sid
    row0 = sid * RPT

    pkb = (pk0, pk1)
    rowsb = (rows0, rows1)
    sidxb = (sidx0, sidx1)
    svalb = (sval0, sval1)
    psemb = (psem0, psem1)
    ssemb = (ssem0, ssem1)

    pltpu.async_copy(pk_hbm.at[wid, 0], pk0, psem0)
    pltpu.async_copy(pk_hbm.at[wid, 1], pk1, psem1)

    zv = jnp.zeros((16,), _F32)

    def _zrow(i, carry):
        for j in range(D // 16):
            zbuf[i, pl.ds(j * 16, 16)] = zv
        return carry

    lax.fori_loop(0, ZR, _zrow, 0)
    for kk in range(RPT // ZR):
        pltpu.sync_copy(zbuf, acc.at[pl.ds(row0 + kk * ZR, ZR)])

    @pl.when(sid == NS - 1)
    def _ztail():
        pltpu.sync_copy(zbuf.at[pl.ds(0, N - NS * RPT)],
                        acc.at[pl.ds(NS * RPT, N - NS * RPT)])
    plsc.subcore_barrier()

    pltpu.make_async_copy(pk_hbm.at[wid, 0], pk0, psem0).wait()
    pltpu.async_copy(table_hbm.at[pk0.at[0]], rows0, gsem)

    def _chunk(c, b, wait_scatter, guard_pk2, guard_next):
        pk_b, pk_o = pkb[b], pkb[1 - b]
        rows_b, rows_o = rowsb[b], rowsb[1 - b]
        sidx_b, sidx_o = sidxb[b], sidxb[1 - b]
        sval_b = svalb[b]
        psem_o = psemb[1 - b]
        ssem_b, ssem_o = ssemb[b], ssemb[1 - b]

        pltpu.make_async_copy(table_hbm.at[pk_b.at[0]], rows_b, gsem).wait()
        for i in range(CH // 16):
            sidx_b[pl.ds(16 * i, 16)] = pk_b[1, pl.ds(16 * i, 16)]
            sval_b[pl.ds(16 * i, 16)] = plsc.bitcast(
                pk_b[2, pl.ds(16 * i, 16)], _F32)

        def _pk2():
            pltpu.async_copy(pk_hbm.at[wid, c + 2], pk_b, psemb[b])
        if guard_pk2 is None:
            _pk2()
        else:
            pl.when(guard_pk2)(_pk2)

        def _next():
            pltpu.make_async_copy(pk_hbm.at[wid, c + 1], pk_o, psem_o).wait()

            def _ws():
                pltpu.make_async_copy(rows_o, acc.at[sidx_o], ssem_o).wait()
            if wait_scatter:
                _ws()
            pltpu.async_copy(table_hbm.at[pk_o.at[0]], rows_o, gsem)
        if guard_next is None:
            _next()
        else:
            pl.when(guard_next)(_next)

        def _scale(i, carry):
            for u in range(4):
                e = 4 * i + u
                sv = plsc.load_gather(sval_b, [jnp.full((16,), e, jnp.int32)])
                for j in range(D // 16):
                    rows_b[e, pl.ds(j * 16, 16)] = (
                        rows_b[e, pl.ds(j * 16, 16)] * sv)
            return carry

        lax.fori_loop(0, CH // 4, _scale, 0)
        pltpu.async_copy(rows_b, acc.at[sidx_b], ssem_b, add=True)

    _chunk(0, 0, wait_scatter=False, guard_pk2=None, guard_next=None)

    def _pair(t, carry):
        not_last = t < (NCHUNK - 3) // 2
        _chunk(2 * t + 1, 1, wait_scatter=True, guard_pk2=not_last,
               guard_next=None)
        _chunk(2 * t + 2, 0, wait_scatter=True, guard_pk2=not_last,
               guard_next=not_last)
        return carry

    lax.fori_loop(0, (NCHUNK - 1) // 2, _pair, 0)

    pltpu.make_async_copy(rows1, acc.at[sidx1], ssem1).wait()
    pltpu.make_async_copy(rows0, acc.at[sidx0], ssem0).wait()
    plsc.subcore_barrier()

    pltpu.sync_copy(acc.at[pl.ds(row0, RPT)], out_hbm.at[cid, pl.ds(row0, RPT)])

    @pl.when(sid == NS - 1)
    def _wtail():
        pltpu.sync_copy(acc.at[pl.ds(NS * RPT, N - NS * RPT)],
                        out_hbm.at[cid, pl.ds(NS * RPT, N - NS * RPT)])


def _final_body(out0_ref, part_ref, w_out_ref, b_out_ref, y_ref):
    z = jnp.maximum(out0_ref[...] + part_ref[0] + part_ref[1], 0.0)
    y_ref[...] = _DOT_T(z, w_out_ref[...]) + b_out_ref[...]


def _final_call(out0, partials, W_out, b_out):
    return pl.pallas_call(
        _final_body,
        grid=(N // BT,),
        in_specs=[
            pl.BlockSpec((BT, D), lambda i: (i, 0)),
            pl.BlockSpec((NC, BT, D), lambda i: (0, i, 0)),
            pl.BlockSpec((D, D), lambda i: (0, 0)),
            pl.BlockSpec((1, D), lambda i: (0, 0)),
        ],
        out_specs=pl.BlockSpec((BT, D), lambda i: (i, 0)),
        out_shape=jax.ShapeDtypeStruct((N, D), _F32),
    )(out0, partials, W_out, b_out)


def kernel(x, edge_index, adj_values, W_in, b_in, rel_W, W_self, b_self,
           W_out, b_out):
    src = (edge_index[:, 0, :]
           + (jnp.arange(R, dtype=jnp.int32) * N)[:, None]).reshape(
               NW, NCHUNK, CH)
    dst = edge_index[:, 1, :].reshape(NW, NCHUNK, CH)
    val = lax.bitcast_convert_type(adj_values, jnp.int32).reshape(
        NW, NCHUNK, CH)
    packed = jnp.stack([src, dst, val], axis=2)

    W_big = jnp.concatenate(
        [W_self.T, rel_W.transpose(2, 0, 1).reshape(D, R * D)], axis=1)
    out0, table = _tables_call(x, W_in, b_in.reshape(1, D), W_big,
                               b_self.reshape(1, D))
    partials = _sc_agg(table.reshape(R * N, D), packed)
    return _final_call(out0, partials, W_out, b_out.reshape(1, D))

# --- scband reference (transcript-rebuilt; emitter-appended) ---
"""Pipeline reference for scband-rgcn-63582695850893 (READ-ONLY COPY).

The authoritative reference and input builder live on the scoring server;
editing this copy changes nothing except your own understanding.
"""

import jax, jax.numpy as jnp
import numpy as np

N = 10000
D_IN = 128
D_HID = 128
D_OUT = 128
R = 8
E = 40000

def _glorot(key, shape):
    fan_out, fan_in = shape[0], shape[1]
    limit = np.sqrt(6.0 / (fan_in + fan_out))
    return jax.random.uniform(key, shape, dtype=jnp.float32, minval=-limit, maxval=limit)

def setup_inputs(seed: int = 0):
    key = jax.random.key(seed)
    ks = jax.random.split(key, 10)
    x = jax.random.normal(ks[0], (N, D_IN), dtype=jnp.float32)
    edge_index = jax.random.randint(ks[1], (R, 2, E), 0, N, dtype=jnp.int32)
    adj_values = jax.random.uniform(ks[2], (R, E), dtype=jnp.float32)
    W_in = _glorot(ks[3], (D_HID, D_IN))
    b_in = jnp.zeros((D_HID,), dtype=jnp.float32)
    rel_W = jnp.stack([_glorot(jax.random.fold_in(ks[4], r), (D_HID, D_HID)) for r in range(R)])
    W_self = _glorot(ks[5], (D_HID, D_HID))
    b_self = jnp.zeros((D_HID,), dtype=jnp.float32)
    W_out = _glorot(ks[6], (D_OUT, D_HID))
    b_out = jnp.zeros((D_OUT,), dtype=jnp.float32)
    return {"x": x, "edge_index": edge_index, "adj_values": adj_values,
            "W_in": W_in, "b_in": b_in, "rel_W": rel_W,
            "W_self": W_self, "b_self": b_self, "W_out": W_out, "b_out": b_out}

def reference(x, edge_index, adj_values, W_in, b_in, rel_W, W_self, b_self, W_out, b_out):
    # layer 0: plain Linear + relu (dropout p=0.0 -> identity)
    h = jax.nn.relu(x @ W_in.T + b_in)
    # layer 1: RelationAggregator
    out = h @ W_self.T + b_self
    for r in range(R):
        src = edge_index[r, 0]
        dst = edge_index[r, 1]
        # sparse.mm(adj_r, h): gather src rows, weight by edge values, scatter-add to dst
        agg = jax.ops.segment_sum(adj_values[r][:, None] * jnp.take(h, src, axis=0), dst, num_segments=N)
        out = out + agg @ rel_W[r].T
    h2 = jax.nn.relu(out)
    # output projection
    return h2 @ W_out.T + b_out

if __name__ == "__main__":
    import jax
    _d = setup_inputs()
    print(jax.jit(kernel)(*tuple(_d.values())))

</pallas_src>

<mosaic_0001>
#map = affine_map<(d0, d1) -> (0, 0)>
#map1 = affine_map<(d0, d1) -> (0, 0, 0, 0)>
#map2 = affine_map<(d0, d1) -> (0, 0, 0)>
module attributes {stable_mosaic.version = 14 : i64} {
  func.func @_sc_agg(%arg0: i32, %arg1: i32, %arg2: memref<80000x128xf32, #tpu.memory_space<hbm>>, %arg3: memref<32x125x3x80xi32, #tpu.memory_space<hbm>>, %arg4: memref<2x10000x128xf32, #tpu.memory_space<hbm>>, %arg5: memref<10000x128xf32, #tpu.memory_space<vmem_shared>>, %arg6: memref<80x128xf32, #tpu.memory_space<vmem>>, %arg7: memref<80x128xf32, #tpu.memory_space<vmem>>, %arg8: memref<3x80xi32, #tpu.memory_space<vmem>>, %arg9: memref<3x80xi32, #tpu.memory_space<vmem>>, %arg10: memref<80xi32, #tpu.memory_space<vmem>>, %arg11: memref<80xi32, #tpu.memory_space<vmem>>, %arg12: memref<80xf32, #tpu.memory_space<vmem>>, %arg13: memref<80xf32, #tpu.memory_space<vmem>>, %arg14: memref<208x128xf32, #tpu.memory_space<vmem>>, %arg15: memref<!tpu.dma_semaphore, #tpu.memory_space<semaphore_mem>>, %arg16: memref<!tpu.dma_semaphore, #tpu.memory_space<semaphore_mem>>, %arg17: memref<!tpu.dma_semaphore, #tpu.memory_space<semaphore_mem>>, %arg18: memref<!tpu.dma_semaphore, #tpu.memory_space<semaphore_mem>>, %arg19: memref<!tpu.dma_semaphore, #tpu.memory_space<semaphore_mem>>) attributes {dimension_semantics = [#tpu.dimension_semantics<core_parallel>, #tpu.dimension_semantics<subcore_parallel>], iteration_bounds = array<i64: 2, 16>, scalar_prefetch = 0 : i64, scratch_operands = 15 : i64, tpu.core_type = #tpu.core_type<sc_vector_subcore>, window_params = [{transform_indices = #map}, {transform_indices = #map1}, {transform_indices = #map2}]} {
    %mul3A = arith.constant 16 : i32
    %mul3A_0 = arith.muli %arg0, %mul3A : i32
    %add3A = arith.addi %mul3A_0, %arg1 : i32
    %mul3A_1 = arith.constant 624 : i32
    %mul3A_2 = arith.muli %arg1, %mul3A_1 : i32
    %dma_start3A = arith.constant 0 : i32
    %dma_start3A_3 = arith.constant 0 : i32
    %dma_start3A_4 = arith.constant 0 : i32
    %dma_start3A_5 = tpu.memref_slice %arg3[%add3A, %dma_start3A, %dma_start3A_3, %dma_start3A_4] : memref<32x125x3x80xi32, #tpu.memory_space<hbm>> -> memref<1x1x3x80xi32, #tpu.memory_space<hbm>>
    %dma_start3A_6 = tpu.memref_squeeze %dma_start3A_5 : memref<1x1x3x80xi32, #tpu.memory_space<hbm>> -> memref<3x80xi32, #tpu.memory_space<hbm>>
    %dma_start3A_7 = arith.constant 0 : i32
    %dma_start3A_8 = arith.constant 0 : i32
    %dma_start3A_9 = tpu.memref_slice %arg3[%add3A, %dma_start3A, %dma_start3A_7, %dma_start3A_8] : memref<32x125x3x80xi32, #tpu.memory_space<hbm>> -> memref<1x1x3x80xi32, #tpu.memory_space<hbm>>
    %dma_start3A_10 = tpu.memref_squeeze %dma_start3A_9 : memref<1x1x3x80xi32, #tpu.memory_space<hbm>> -> memref<3x80xi32, #tpu.memory_space<hbm>>
    tpu.enqueue_dma source(%dma_start3A_10 : memref<3x80xi32, #tpu.memory_space<hbm>>) target(%arg8 : memref<3x80xi32, #tpu.memory_space<vmem>>) target_semaphore(%arg16 : memref<!tpu.dma_semaphore, #tpu.memory_space<semaphore_mem>>)
    %dma_start3A_11 = arith.constant 1 : i32
    %dma_start3A_12 = arith.constant 0 : i32
    %dma_start3A_13 = arith.constant 0 : i32
    %dma_start3A_14 = tpu.memref_slice %arg3[%add3A, %dma_start3A_11, %dma_start3A_12, %dma_start3A_13] : memref<32x125x3x80xi32, #tpu.memory_space<hbm>> -> memref<1x1x3x80xi32, #tpu.memory_space<hbm>>
    %dma_start3A_15 = tpu.memref_squeeze %dma_start3A_14 : memref<1x1x3x80xi32, #tpu.memory_space<hbm>> -> memref<3x80xi32, #tpu.memory_space<hbm>>
    %dma_start3A_16 = arith.constant 0 : i32
    %dma_start3A_17 = arith.constant 0 : i32
    %dma_start3A_18 = tpu.memref_slice %arg3[%add3A, %dma_start3A_11, %dma_start3A_16, %dma_start3A_17] : memref<32x125x3x80xi32, #tpu.memory_space<hbm>> -> memref<1x1x3x80xi32, #tpu.memory_space<hbm>>
    %dma_start3A_19 = tpu.memref_squeeze %dma_start3A_18 : memref<1x1x3x80xi32, #tpu.memory_space<hbm>> -> memref<3x80xi32, #tpu.memory_space<hbm>>
    tpu.enqueue_dma source(%dma_start3A_19 : memref<3x80xi32, #tpu.memory_space<hbm>>) target(%arg9 : memref<3x80xi32, #tpu.memory_space<vmem>>) target_semaphore(%arg17 : memref<!tpu.dma_semaphore, #tpu.memory_space<semaphore_mem>>)
    %broadcast_in_dim3A = arith.constant 0.000000e+00 : f32
    %broadcast_in_dim3A_20 = vector.broadcast %broadcast_in_dim3A : f32 to vector<16xf32>
    %scan3A = arith.constant 0 : i32
    %scan3A_21 = arith.constant 0 : i32
    %scan3A_22 = arith.constant 208 : i32
    %scan3A_23 = arith.addi %scan3A_21, %scan3A_22 : i32
    %scan3A_24 = arith.constant 1 : i32
    scf.for %scan3A_170 = %scan3A_21 to %scan3A_23 step %scan3A_24  : i32 {
      %swap3A_171 = arith.index_cast %scan3A_170 : i32 to index
      %swap3A_172 = arith.constant 0 : index
      %swap3A_173 = tpu.vector_load %arg14[%swap3A_171, %swap3A_172] {strides = array<i32>} : memref<208x128xf32, #tpu.memory_space<vmem>>, vector<16xf32>,
      tpu.vector_store %arg14[%swap3A_171, %swap3A_172], %broadcast_in_dim3A_20 {strides = array<i32>} : memref<208x128xf32, #tpu.memory_space<vmem>>, vector<16xf32>,
      %swap3A_174 = arith.index_cast %scan3A_170 : i32 to index
      %swap3A_175 = arith.constant 16 : index
      %swap3A_176 = tpu.vector_load %arg14[%swap3A_174, %swap3A_175] {strides = array<i32>} : memref<208x128xf32, #tpu.memory_space<vmem>>, vector<16xf32>,
      tpu.vector_store %arg14[%swap3A_174, %swap3A_175], %broadcast_in_dim3A_20 {strides = array<i32>} : memref<208x128xf32, #tpu.memory_space<vmem>>, vector<16xf32>,
      %swap3A_177 = arith.index_cast %scan3A_170 : i32 to index
      %swap3A_178 = arith.constant 32 : index
      %swap3A_179 = tpu.vector_load %arg14[%swap3A_177, %swap3A_178] {strides = array<i32>} : memref<208x128xf32, #tpu.memory_space<vmem>>, vector<16xf32>,
      tpu.vector_store %arg14[%swap3A_177, %swap3A_178], %broadcast_in_dim3A_20 {strides = array<i32>} : memref<208x128xf32, #tpu.memory_space<vmem>>, vector<16xf32>,
      %swap3A_180 = arith.index_cast %scan3A_170 : i32 to index
      %swap3A_181 = arith.constant 48 : index
      %swap3A_182 = tpu.vector_load %arg14[%swap3A_180, %swap3A_181] {strides = array<i32>} : memref<208x128xf32, #tpu.memory_space<vmem>>, vector<16xf32>,
      tpu.vector_store %arg14[%swap3A_180, %swap3A_181], %broadcast_in_dim3A_20 {strides = array<i32>} : memref<208x128xf32, #tpu.memory_space<vmem>>, vector<16xf32>,
      %swap3A_183 = arith.index_cast %scan3A_170 : i32 to index
      %swap3A_184 = arith.constant 64 : index
      %swap3A_185 = tpu.vector_load %arg14[%swap3A_183, %swap3A_184] {strides = array<i32>} : memref<208x128xf32, #tpu.memory_space<vmem>>, vector<16xf32>,
      tpu.vector_store %arg14[%swap3A_183, %swap3A_184], %broadcast_in_dim3A_20 {strides = array<i32>} : memref<208x128xf32, #tpu.memory_space<vmem>>, vector<16xf32>,
      %swap3A_186 = arith.index_cast %scan3A_170 : i32 to index
      %swap3A_187 = arith.constant 80 : index
      %swap3A_188 = tpu.vector_load %arg14[%swap3A_186, %swap3A_187] {strides = array<i32>} : memref<208x128xf32, #tpu.memory_space<vmem>>, vector<16xf32>,
      tpu.vector_store %arg14[%swap3A_186, %swap3A_187], %broadcast_in_dim3A_20 {strides = array<i32>} : memref<208x128xf32, #tpu.memory_space<vmem>>, vector<16xf32>,
      %swap3A_189 = arith.index_cast %scan3A_170 : i32 to index
      %swap3A_190 = arith.constant 96 : index
      %swap3A_191 = tpu.vector_load %arg14[%swap3A_189, %swap3A_190] {strides = array<i32>} : memref<208x128xf32, #tpu.memory_space<vmem>>, vector<16xf32>,
      tpu.vector_store %arg14[%swap3A_189, %swap3A_190], %broadcast_in_dim3A_20 {strides = array<i32>} : memref<208x128xf32, #tpu.memory_space<vmem>>, vector<16xf32>,
      %swap3A_192 = arith.index_cast %scan3A_170 : i32 to index
      %swap3A_193 = arith.constant 112 : index
      %swap3A_194 = tpu.vector_load %arg14[%swap3A_192, %swap3A_193] {strides = array<i32>} : memref<208x128xf32, #tpu.memory_space<vmem>>, vector<16xf32>,
      tpu.vector_store %arg14[%swap3A_192, %swap3A_193], %broadcast_in_dim3A_20 {strides = array<i32>} : memref<208x128xf32, #tpu.memory_space<vmem>>, vector<16xf32>,
    }
    %scan3A_25 = arith.constant 208 : i32
    %add3A_26 = arith.constant 0 : i32
    %add3A_27 = arith.addi %mul3A_2, %add3A_26 : i32
    "tpu.region"() ({
      %run_scoped3A = tpu.sem_alloc : memref<!tpu.dma_semaphore, #tpu.memory_space<semaphore_mem>>
      %dma_start3A_170 = arith.constant 0 : i32
      %dma_start3A_171 = tpu.memref_slice %arg5[%add3A_27, %dma_start3A_170] : memref<10000x128xf32, #tpu.memory_space<vmem_shared>> -> memref<208x128xf32, #tpu.memory_space<vmem_shared>>
      %dma_start3A_172 = arith.constant 0 : i32
      %dma_start3A_173 = tpu.memref_slice %arg5[%add3A_27, %dma_start3A_172] : memref<10000x128xf32, #tpu.memory_space<vmem_shared>> -> memref<208x128xf32, #tpu.memory_space<vmem_shared>>
      tpu.enqueue_dma source(%arg14 : memref<208x128xf32, #tpu.memory_space<vmem>>) target(%dma_start3A_173 : memref<208x128xf32, #tpu.memory_space<vmem_shared>>) target_semaphore(%run_scoped3A : memref<!tpu.dma_semaphore, #tpu.memory_space<semaphore_mem>>)
      %dma_wait3A_174 = arith.constant 0 : i32
      %dma_wait3A_175 = tpu.memref_slice %arg5[%add3A_27, %dma_wait3A_174] : memref<10000x128xf32, #tpu.memory_space<vmem_shared>> -> memref<208x128xf32, #tpu.memory_space<vmem_shared>>
      %dma_wait3A_176 = arith.constant 0 : i32
      %dma_wait3A_177 = tpu.memref_slice %arg5[%add3A_27, %dma_wait3A_176] : memref<10000x128xf32, #tpu.memory_space<vmem_shared>> -> memref<208x128xf32, #tpu.memory_space<vmem_shared>>
      tpu.wait_dma2 semaphore(%run_scoped3A : memref<!tpu.dma_semaphore, #tpu.memory_space<semaphore_mem>>) src(%arg14 : memref<208x128xf32, #tpu.memory_space<vmem>>) dst(%dma_wait3A_177 : memref<208x128xf32, #tpu.memory_space<vmem_shared>>)
      tpu.yield
    }) : () -> ()
    %add3A_28 = arith.constant 208 : i32
    %add3A_29 = arith.addi %mul3A_2, %add3A_28 : i32
    "tpu.region"() ({
      %run_scoped3A = tpu.sem_alloc : memref<!tpu.dma_semaphore, #tpu.memory_space<semaphore_mem>>
      %dma_start3A_170 = arith.constant 0 : i32
      %dma_start3A_171 = tpu.memref_slice %arg5[%add3A_29, %dma_start3A_170] : memref<10000x128xf32, #tpu.memory_space<vmem_shared>> -> memref<208x128xf32, #tpu.memory_space<vmem_shared>>
      %dma_start3A_172 = arith.constant 0 : i32
      %dma_start3A_173 = tpu.memref_slice %arg5[%add3A_29, %dma_start3A_172] : memref<10000x128xf32, #tpu.memory_space<vmem_shared>> -> memref<208x128xf32, #tpu.memory_space<vmem_shared>>
      tpu.enqueue_dma source(%arg14 : memref<208x128xf32, #tpu.memory_space<vmem>>) target(%dma_start3A_173 : memref<208x128xf32, #tpu.memory_space<vmem_shared>>) target_semaphore(%run_scoped3A : memref<!tpu.dma_semaphore, #tpu.memory_space<semaphore_mem>>)
      %dma_wait3A_174 = arith.constant 0 : i32
      %dma_wait3A_175 = tpu.memref_slice %arg5[%add3A_29, %dma_wait3A_174] : memref<10000x128xf32, #tpu.memory_space<vmem_shared>> -> memref<208x128xf32, #tpu.memory_space<vmem_shared>>
      %dma_wait3A_176 = arith.constant 0 : i32
      %dma_wait3A_177 = tpu.memref_slice %arg5[%add3A_29, %dma_wait3A_176] : memref<10000x128xf32, #tpu.memory_space<vmem_shared>> -> memref<208x128xf32, #tpu.memory_space<vmem_shared>>
      tpu.wait_dma2 semaphore(%run_scoped3A : memref<!tpu.dma_semaphore, #tpu.memory_space<semaphore_mem>>) src(%arg14 : memref<208x128xf32, #tpu.memory_space<vmem>>) dst(%dma_wait3A_177 : memref<208x128xf32, #tpu.memory_space<vmem_shared>>)
      tpu.yield
    }) : () -> ()
    %add3A_30 = arith.constant 416 : i32
    %add3A_31 = arith.addi %mul3A_2, %add3A_30 : i32
    "tpu.region"() ({
      %run_scoped3A = tpu.sem_alloc : memref<!tpu.dma_semaphore, #tpu.memory_space<semaphore_mem>>
      %dma_start3A_170 = arith.constant 0 : i32
      %dma_start3A_171 = tpu.memref_slice %arg5[%add3A_31, %dma_start3A_170] : memref<10000x128xf32, #tpu.memory_space<vmem_shared>> -> memref<208x128xf32, #tpu.memory_space<vmem_shared>>
      %dma_start3A_172 = arith.constant 0 : i32
      %dma_start3A_173 = tpu.memref_slice %arg5[%add3A_31, %dma_start3A_172] : memref<10000x128xf32, #tpu.memory_space<vmem_shared>> -> memref<208x128xf32, #tpu.memory_space<vmem_shared>>
      tpu.enqueue_dma source(%arg14 : memref<208x128xf32, #tpu.memory_space<vmem>>) target(%dma_start3A_173 : memref<208x128xf32, #tpu.memory_space<vmem_shared>>) target_semaphore(%run_scoped3A : memref<!tpu.dma_semaphore, #tpu.memory_space<semaphore_mem>>)
      %dma_wait3A_174 = arith.constant 0 : i32
      %dma_wait3A_175 = tpu.memref_slice %arg5[%add3A_31, %dma_wait3A_174] : memref<10000x128xf32, #tpu.memory_space<vmem_shared>> -> memref<208x128xf32, #tpu.memory_space<vmem_shared>>
      %dma_wait3A_176 = arith.constant 0 : i32
      %dma_wait3A_177 = tpu.memref_slice %arg5[%add3A_31, %dma_wait3A_176] : memref<10000x128xf32, #tpu.memory_space<vmem_shared>> -> memref<208x128xf32, #tpu.memory_space<vmem_shared>>
      tpu.wait_dma2 semaphore(%run_scoped3A : memref<!tpu.dma_semaphore, #tpu.memory_space<semaphore_mem>>) src(%arg14 : memref<208x128xf32, #tpu.memory_space<vmem>>) dst(%dma_wait3A_177 : memref<208x128xf32, #tpu.memory_space<vmem_shared>>)
      tpu.yield
    }) : () -> ()
    %eq3A = arith.constant 15 : i32
    %eq3A_32 = arith.cmpi eq, %arg1, %eq3A : i32
    %convert_element_type3A = arith.extui %eq3A_32 : i1 to i32
    %cond3A = arith.constant 0 : i32
    %cond3A_33 = arith.cmpi ne, %convert_element_type3A, %cond3A : i32
    scf.if %cond3A_33 {
      "tpu.region"() ({
        %run_scoped3A = tpu.sem_alloc : memref<!tpu.dma_semaphore, #tpu.memory_space<semaphore_mem>>
        %dma_start3A_170 = arith.constant 0 : i32
        %dma_start3A_171 = arith.constant 0 : i32
        %dma_start3A_172 = tpu.memref_slice %arg14[%dma_start3A_170, %dma_start3A_171] : memref<208x128xf32, #tpu.memory_space<vmem>> -> memref<16x128xf32, #tpu.memory_space<vmem>>
        %dma_start3A_173 = arith.constant 9984 : i32
        %dma_start3A_174 = arith.constant 0 : i32
        %dma_start3A_175 = tpu.memref_slice %arg5[%dma_start3A_173, %dma_start3A_174] : memref<10000x128xf32, #tpu.memory_space<vmem_shared>> -> memref<16x128xf32, #tpu.memory_space<vmem_shared>>
        %dma_start3A_176 = arith.constant 9984 : i32
        %dma_start3A_177 = arith.constant 0 : i32
        %dma_start3A_178 = tpu.memref_slice %arg5[%dma_start3A_176, %dma_start3A_177] : memref<10000x128xf32, #tpu.memory_space<vmem_shared>> -> memref<16x128xf32, #tpu.memory_space<vmem_shared>>
        %dma_start3A_179 = arith.constant 0 : i32
        %dma_start3A_180 = arith.constant 0 : i32
        %dma_start3A_181 = tpu.memref_slice %arg14[%dma_start3A_179, %dma_start3A_180] : memref<208x128xf32, #tpu.memory_space<vmem>> -> memref<16x128xf32, #tpu.memory_space<vmem>>
        tpu.enqueue_dma source(%dma_start3A_181 : memref<16x128xf32, #tpu.memory_space<vmem>>) target(%dma_start3A_178 : memref<16x128xf32, #tpu.memory_space<vmem_shared>>) target_semaphore(%run_scoped3A : memref<!tpu.dma_semaphore, #tpu.memory_space<semaphore_mem>>)
        %dma_wait3A_182 = arith.constant 0 : i32
        %dma_wait3A_183 = arith.constant 0 : i32
        %dma_wait3A_184 = tpu.memref_slice %arg14[%dma_wait3A_182, %dma_wait3A_183] : memref<208x128xf32, #tpu.memory_space<vmem>> -> memref<16x128xf32, #tpu.memory_space<vmem>>
        %dma_wait3A_185 = arith.constant 9984 : i32
        %dma_wait3A_186 = arith.constant 0 : i32
        %dma_wait3A_187 = tpu.memref_slice %arg5[%dma_wait3A_185, %dma_wait3A_186] : memref<10000x128xf32, #tpu.memory_space<vmem_shared>> -> memref<16x128xf32, #tpu.memory_space<vmem_shared>>
        %dma_wait3A_188 = arith.constant 9984 : i32
        %dma_wait3A_189 = arith.constant 0 : i32
        %dma_wait3A_190 = tpu.memref_slice %arg5[%dma_wait3A_188, %dma_wait3A_189] : memref<10000x128xf32, #tpu.memory_space<vmem_shared>> -> memref<16x128xf32, #tpu.memory_space<vmem_shared>>
        %dma_wait3A_191 = arith.constant 0 : i32
        %dma_wait3A_192 = arith.constant 0 : i32
        %dma_wait3A_193 = tpu.memref_slice %arg14[%dma_wait3A_191, %dma_wait3A_192] : memref<208x128xf32, #tpu.memory_space<vmem>> -> memref<16x128xf32, #tpu.memory_space<vmem>>
        tpu.wait_dma2 semaphore(%run_scoped3A : memref<!tpu.dma_semaphore, #tpu.memory_space<semaphore_mem>>) src(%dma_wait3A_193 : memref<16x128xf32, #tpu.memory_space<vmem>>) dst(%dma_wait3A_190 : memref<16x128xf32, #tpu.memory_space<vmem_shared>>)
        tpu.yield
      }) : () -> ()
    } else {
    }
    %barrier3A = arith.constant 0 : index
    tpu.barrier barrier_id(%barrier3A)
    %dma_wait3A = arith.constant 0 : i32
    %dma_wait3A_34 = arith.constant 0 : i32
    %dma_wait3A_35 = arith.constant 0 : i32
    %dma_wait3A_36 = tpu.memref_slice %arg3[%add3A, %dma_wait3A, %dma_wait3A_34, %dma_wait3A_35] : memref<32x125x3x80xi32, #tpu.memory_space<hbm>> -> memref<1x1x3x80xi32, #tpu.memory_space<hbm>>
    %dma_wait3A_37 = tpu.memref_squeeze %dma_wait3A_36 : memref<1x1x3x80xi32, #tpu.memory_space<hbm>> -> memref<3x80xi32, #tpu.memory_space<hbm>>
    %dma_wait3A_38 = arith.constant 0 : i32
    %dma_wait3A_39 = arith.constant 0 : i32
    %dma_wait3A_40 = tpu.memref_slice %arg3[%add3A, %dma_wait3A, %dma_wait3A_38, %dma_wait3A_39] : memref<32x125x3x80xi32, #tpu.memory_space<hbm>> -> memref<1x1x3x80xi32, #tpu.memory_space<hbm>>
    %dma_wait3A_41 = tpu.memref_squeeze %dma_wait3A_40 : memref<1x1x3x80xi32, #tpu.memory_space<hbm>> -> memref<3x80xi32, #tpu.memory_space<hbm>>
    tpu.wait_dma2 semaphore(%arg16 : memref<!tpu.dma_semaphore, #tpu.memory_space<semaphore_mem>>) src(%dma_wait3A_41 : memref<3x80xi32, #tpu.memory_space<hbm>>) dst(%arg8 : memref<3x80xi32, #tpu.memory_space<vmem>>)
    %dma_start3A_42 = arith.constant 0 : i32
    %dma_start3A_43 = arith.constant 0 : i32
    %dma_start3A_44 = tpu.memref_slice %arg8[%dma_start3A_42, %dma_start3A_43] : memref<3x80xi32, #tpu.memory_space<vmem>> -> memref<1x80xi32, #tpu.memory_space<vmem>>
    %dma_start3A_45 = tpu.memref_squeeze %dma_start3A_44 : memref<1x80xi32, #tpu.memory_space<vmem>> -> memref<80xi32, #tpu.memory_space<vmem>>
    %dma_start3A_46 = arith.constant 0 : i32
    %dma_start3A_47 = arith.constant 0 : i32
    %dma_start3A_48 = tpu.memref_slice %arg2[%dma_start3A_46, %dma_start3A_47] : memref<80000x128xf32, #tpu.memory_space<hbm>> -> memref<80000x128xf32, #tpu.memory_space<hbm>>
    tpu.enqueue_indirect_dma source(%dma_start3A_48 : memref<80000x128xf32, #tpu.memory_space<hbm>>) target(%arg6 : memref<80x128xf32, #tpu.memory_space<vmem>>) offsets(%dma_start3A_45 : memref<80xi32, #tpu.memory_space<vmem>>) semaphore(%arg15 : memref<!tpu.dma_semaphore, #tpu.memory_space<semaphore_mem>>)
    %dma_wait3A_49 = arith.constant 0 : i32
    %dma_wait3A_50 = arith.constant 0 : i32
    %dma_wait3A_51 = tpu.memref_slice %arg8[%dma_wait3A_49, %dma_wait3A_50] : memref<3x80xi32, #tpu.memory_space<vmem>> -> memref<1x80xi32, #tpu.memory_space<vmem>>
    %dma_wait3A_52 = tpu.memref_squeeze %dma_wait3A_51 : memref<1x80xi32, #tpu.memory_space<vmem>> -> memref<80xi32, #tpu.memory_space<vmem>>
    %dma_wait3A_53 = arith.constant 0 : i32
    %dma_wait3A_54 = arith.constant 0 : i32
    %dma_wait3A_55 = tpu.memref_slice %arg2[%dma_wait3A_53, %dma_wait3A_54] : memref<80000x128xf32, #tpu.memory_space<hbm>> -> memref<80000x128xf32, #tpu.memory_space<hbm>>
    tpu.wait_indirect_dma semaphore(%arg15 : memref<!tpu.dma_semaphore, #tpu.memory_space<semaphore_mem>>) src(%dma_wait3A_55 : memref<80000x128xf32, #tpu.memory_space<hbm>>) dst(%arg6 : memref<80x128xf32, #tpu.memory_space<vmem>>)
    %get3A = arith.constant 1 : i32
    %get3A_56 = arith.index_cast %get3A : i32 to index
    %get3A_57 = arith.constant 0 : index
    %get3A_58 = tpu.vector_load %arg8[%get3A_56, %get3A_57] {strides = array<i32>} : memref<3x80xi32, #tpu.memory_space<vmem>>, vector<16xi32>,
    %swap3A = arith.constant 0 : index
    %swap3A_59 = tpu.vector_load %arg10[%swap3A] {strides = array<i32>} : memref<80xi32, #tpu.memory_space<vmem>>, vector<16xi32>,
    tpu.vector_store %arg10[%swap3A], %get3A_58 {strides = array<i32>} : memref<80xi32, #tpu.memory_space<vmem>>, vector<16xi32>,
    %get3A_60 = arith.constant 2 : i32
    %get3A_61 = arith.index_cast %get3A_60 : i32 to index
    %get3A_62 = arith.constant 0 : index
    %get3A_63 = tpu.vector_load %arg8[%get3A_61, %get3A_62] {strides = array<i32>} : memref<3x80xi32, #tpu.memory_space<vmem>>, vector<16xi32>,
    %bitcast3A = vector.bitcast %get3A_63 : vector<16xi32> to vector<16xf32>
    %swap3A_64 = arith.constant 0 : index
    %swap3A_65 = tpu.vector_load %arg12[%swap3A_64] {strides = array<i32>} : memref<80xf32, #tpu.memory_space<vmem>>, vector<16xf32>,
    tpu.vector_store %arg12[%swap3A_64], %bitcast3A {strides = array<i32>} : memref<80xf32, #tpu.memory_space<vmem>>, vector<16xf32>,
    %get3A_66 = arith.constant 1 : i32
    %get3A_67 = arith.index_cast %get3A_66 : i32 to index
    %get3A_68 = arith.constant 16 : index
    %get3A_69 = tpu.vector_load %arg8[%get3A_67, %get3A_68] {strides = array<i32>} : memref<3x80xi32, #tpu.memory_space<vmem>>, vector<16xi32>,
    %swap3A_70 = arith.constant 16 : index
    %swap3A_71 = tpu.vector_load %arg10[%swap3A_70] {strides = array<i32>} : memref<80xi32, #tpu.memory_space<vmem>>, vector<16xi32>,
    tpu.vector_store %arg10[%swap3A_70], %get3A_69 {strides = array<i32>} : memref<80xi32, #tpu.memory_space<vmem>>, vector<16xi32>,
    %get3A_72 = arith.constant 2 : i32
    %get3A_73 = arith.index_cast %get3A_72 : i32 to index
    %get3A_74 = arith.constant 16 : index
    %get3A_75 = tpu.vector_load %arg8[%get3A_73, %get3A_74] {strides = array<i32>} : memref<3x80xi32, #tpu.memory_space<vmem>>, vector<16xi32>,
    %bitcast3A_76 = vector.bitcast %get3A_75 : vector<16xi32> to vector<16xf32>
    %swap3A_77 = arith.constant 16 : index
    %swap3A_78 = tpu.vector_load %arg12[%swap3A_77] {strides = array<i32>} : memref<80xf32, #tpu.memory_space<vmem>>, vector<16xf32>,
    tpu.vector_store %arg12[%swap3A_77], %bitcast3A_76 {strides = array<i32>} : memref<80xf32, #tpu.memory_space<vmem>>, vector<16xf32>,
    %get3A_79 = arith.constant 1 : i32
    %get3A_80 = arith.index_cast %get3A_79 : i32 to index
    %get3A_81 = arith.constant 32 : index
    %get3A_82 = tpu.vector_load %arg8[%get3A_80, %get3A_81] {strides = array<i32>} : memref<3x80xi32, #tpu.memory_space<vmem>>, vector<16xi32>,
    %swap3A_83 = arith.constant 32 : index
    %swap3A_84 = tpu.vector_load %arg10[%swap3A_83] {strides = array<i32>} : memref<80xi32, #tpu.memory_space<vmem>>, vector<16xi32>,
    tpu.vector_store %arg10[%swap3A_83], %get3A_82 {strides = array<i32>} : memref<80xi32, #tpu.memory_space<vmem>>, vector<16xi32>,
    %get3A_85 = arith.constant 2 : i32
    %get3A_86 = arith.index_cast %get3A_85 : i32 to index
    %get3A_87 = arith.constant 32 : index
    %get3A_88 = tpu.vector_load %arg8[%get3A_86, %get3A_87] {strides = array<i32>} : memref<3x80xi32, #tpu.memory_space<vmem>>, vector<16xi32>,
    %bitcast3A_89 = vector.bitcast %get3A_88 : vector<16xi32> to vector<16xf32>
    %swap3A_90 = arith.constant 32 : index
    %swap3A_91 = tpu.vector_load %arg12[%swap3A_90] {strides = array<i32>} : memref<80xf32, #tpu.memory_space<vmem>>, vector<16xf32>,
    tpu.vector_store %arg12[%swap3A_90], %bitcast3A_89 {strides = array<i32>} : memref<80xf32, #tpu.memory_space<vmem>>, vector<16xf32>,
    %get3A_92 = arith.constant 1 : i32
    %get3A_93 = arith.index_cast %get3A_92 : i32 to index
    %get3A_94 = arith.constant 48 : index
    %get3A_95 = tpu.vector_load %arg8[%get3A_93, %get3A_94] {strides = array<i32>} : memref<3x80xi32, #tpu.memory_space<vmem>>, vector<16xi32>,
    %swap3A_96 = arith.constant 48 : index
    %swap3A_97 = tpu.vector_load %arg10[%swap3A_96] {strides = array<i32>} : memref<80xi32, #tpu.memory_space<vmem>>, vector<16xi32>,
    tpu.vector_store %arg10[%swap3A_96], %get3A_95 {strides = array<i32>} : memref<80xi32, #tpu.memory_space<vmem>>, vector<16xi32>,
    %get3A_98 = arith.constant 2 : i32
    %get3A_99 = arith.index_cast %get3A_98 : i32 to index
    %get3A_100 = arith.constant 48 : index
    %get3A_101 = tpu.vector_load %arg8[%get3A_99, %get3A_100] {strides = array<i32>} : memref<3x80xi32, #tpu.memory_space<vmem>>, vector<16xi32>,
    %bitcast3A_102 = vector.bitcast %get3A_101 : vector<16xi32> to vector<16xf32>
    %swap3A_103 = arith.constant 48 : index
    %swap3A_104 = tpu.vector_load %arg12[%swap3A_103] {strides = array<i32>} : memref<80xf32, #tpu.memory_space<vmem>>, vector<16xf32>,
    tpu.vector_store %arg12[%swap3A_103], %bitcast3A_102 {strides = array<i32>} : memref<80xf32, #tpu.memory_space<vmem>>, vector<16xf32>,
    %get3A_105 = arith.constant 1 : i32
    %get3A_106 = arith.index_cast %get3A_105 : i32 to index
    %get3A_107 = arith.constant 64 : index
    %get3A_108 = tpu.vector_load %arg8[%get3A_106, %get3A_107] {strides = array<i32>} : memref<3x80xi32, #tpu.memory_space<vmem>>, vector<16xi32>,
    %swap3A_109 = arith.constant 64 : index
    %swap3A_110 = tpu.vector_load %arg10[%swap3A_109] {strides = array<i32>} : memref<80xi32, #tpu.memory_space<vmem>>, vector<16xi32>,
    tpu.vector_store %arg10[%swap3A_109], %get3A_108 {strides = array<i32>} : memref<80xi32, #tpu.memory_space<vmem>>, vector<16xi32>,
    %get3A_111 = arith.constant 2 : i32
    %get3A_112 = arith.index_cast %get3A_111 : i32 to index
    %get3A_113 = arith.constant 64 : index
    %get3A_114 = tpu.vector_load %arg8[%get3A_112, %get3A_113] {strides = array<i32>} : memref<3x80xi32, #tpu.memory_space<vmem>>, vector<16xi32>,
    %bitcast3A_115 = vector.bitcast %get3A_114 : vector<16xi32> to vector<16xf32>
    %swap3A_116 = arith.constant 64 : index
    %swap3A_117 = tpu.vector_load %arg12[%swap3A_116] {strides = array<i32>} : memref<80xf32, #tpu.memory_space<vmem>>, vector<16xf32>,
    tpu.vector_store %arg12[%swap3A_116], %bitcast3A_115 {strides = array<i32>} : memref<80xf32, #tpu.memory_space<vmem>>, vector<16xf32>,
    %dma_start3A_118 = arith.constant 2 : i32
    %dma_start3A_119 = arith.constant 0 : i32
    %dma_start3A_120 = arith.constant 0 : i32
    %dma_start3A_121 = tpu.memref_slice %arg3[%add3A, %dma_start3A_118, %dma_start3A_119, %dma_start3A_120] : memref<32x125x3x80xi32, #tpu.memory_space<hbm>> -> memref<1x1x3x80xi32, #tpu.memory_space<hbm>>
    %dma_start3A_122 = tpu.memref_squeeze %dma_start3A_121 : memref<1x1x3x80xi32, #tpu.memory_space<hbm>> -> memref<3x80xi32, #tpu.memory_space<hbm>>
    %dma_start3A_123 = arith.constant 0 : i32
    %dma_start3A_124 = arith.constant 0 : i32
    %dma_start3A_125 = tpu.memref_slice %arg3[%add3A, %dma_start3A_118, %dma_start3A_123, %dma_start3A_124] : memref<32x125x3x80xi32, #tpu.memory_space<hbm>> -> memref<1x1x3x80xi32, #tpu.memory_space<hbm>>
    %dma_start3A_126 = tpu.memref_squeeze %dma_start3A_125 : memref<1x1x3x80xi32, #tpu.memory_space<hbm>> -> memref<3x80xi32, #tpu.memory_space<hbm>>
    tpu.enqueue_dma source(%dma_start3A_126 : memref<3x80xi32, #tpu.memory_space<hbm>>) target(%arg8 : memref<3x80xi32, #tpu.memory_space<vmem>>) target_semaphore(%arg16 : memref<!tpu.dma_semaphore, #tpu.memory_space<semaphore_mem>>)
    %dma_wait3A_127 = arith.constant 1 : i32
    %dma_wait3A_128 = arith.constant 0 : i32
    %dma_wait3A_129 = arith.constant 0 : i32
    %dma_wait3A_130 = tpu.memref_slice %arg3[%add3A, %dma_wait3A_127, %dma_wait3A_128, %dma_wait3A_129] : memref<32x125x3x80xi32, #tpu.memory_space<hbm>> -> memref<1x1x3x80xi32, #tpu.memory_space<hbm>>
    %dma_wait3A_131 = tpu.memref_squeeze %dma_wait3A_130 : memref<1x1x3x80xi32, #tpu.memory_space<hbm>> -> memref<3x80xi32, #tpu.memory_space<hbm>>
    %dma_wait3A_132 = arith.constant 0 : i32
    %dma_wait3A_133 = arith.constant 0 : i32
    %dma_wait3A_134 = tpu.memref_slice %arg3[%add3A, %dma_wait3A_127, %dma_wait3A_132, %dma_wait3A_133] : memref<32x125x3x80xi32, #tpu.memory_space<hbm>> -> memref<1x1x3x80xi32, #tpu.memory_space<hbm>>
    %dma_wait3A_135 = tpu.memref_squeeze %dma_wait3A_134 : memref<1x1x3x80xi32, #tpu.memory_space<hbm>> -> memref<3x80xi32, #tpu.memory_space<hbm>>
    tpu.wait_dma2 semaphore(%arg17 : memref<!tpu.dma_semaphore, #tpu.memory_space<semaphore_mem>>) src(%dma_wait3A_135 : memref<3x80xi32, #tpu.memory_space<hbm>>) dst(%arg9 : memref<3x80xi32, #tpu.memory_space<vmem>>)
    %dma_start3A_136 = arith.constant 0 : i32
    %dma_start3A_137 = arith.constant 0 : i32
    %dma_start3A_138 = tpu.memref_slice %arg9[%dma_start3A_136, %dma_start3A_137] : memref<3x80xi32, #tpu.memory_space<vmem>> -> memref<1x80xi32, #tpu.memory_space<vmem>>
    %dma_start3A_139 = tpu.memref_squeeze %dma_start3A_138 : memref<1x80xi32, #tpu.memory_space<vmem>> -> memref<80xi32, #tpu.memory_space<vmem>>
    %dma_start3A_140 = arith.constant 0 : i32
    %dma_start3A_141 = arith.constant 0 : i32
    %dma_start3A_142 = tpu.memref_slice %arg2[%dma_start3A_140, %dma_start3A_141] : memref<80000x128xf32, #tpu.memory_space<hbm>> -> memref<80000x128xf32, #tpu.memory_space<hbm>>
    tpu.enqueue_indirect_dma source(%dma_start3A_142 : memref<80000x128xf32, #tpu.memory_space<hbm>>) target(%arg7 : memref<80x128xf32, #tpu.memory_space<vmem>>) offsets(%dma_start3A_139 : memref<80xi32, #tpu.memory_space<vmem>>) semaphore(%arg15 : memref<!tpu.dma_semaphore, #tpu.memory_space<semaphore_mem>>)
    %scan3A_143 = arith.constant 0 : i32
    %scan3A_144 = arith.constant 0 : i32
    %scan3A_145 = arith.constant 20 : i32
    %scan3A_146 = arith.addi %scan3A_144, %scan3A_145 : i32
    %scan3A_147 = arith.constant 1 : i32
    scf.for %scan3A_170 = %scan3A_144 to %scan3A_146 step %scan3A_147  : i32 {
      %mul3A_171 = arith.constant 4 : i32
      %mul3A_172 = arith.muli %mul3A_171, %scan3A_170 : i32
      %add3A_173 = arith.constant 0 : i32
      %add3A_174 = arith.addi %mul3A_172, %add3A_173 : i32
      %broadcast_in_dim3A_175 = vector.broadcast %add3A_174 : i32 to vector<16xi32>
      %gather3A = tpu.vector_load_idx %arg12[%broadcast_in_dim3A_175] : memref<80xf32, #tpu.memory_space<vmem>>[vector<16xi32>], vector<16xf32>,
      %get3A_176 = arith.index_cast %add3A_174 : i32 to index
      %get3A_177 = arith.constant 0 : index
      %get3A_178 = tpu.vector_load %arg6[%get3A_176, %get3A_177] {strides = array<i32>} : memref<80x128xf32, #tpu.memory_space<vmem>>, vector<16xf32>,
      %mul3A_179 = arith.mulf %get3A_178, %gather3A : vector<16xf32>
      %swap3A_180 = arith.index_cast %add3A_174 : i32 to index
      %swap3A_181 = arith.constant 0 : index
      %swap3A_182 = tpu.vector_load %arg6[%swap3A_180, %swap3A_181] {strides = array<i32>} : memref<80x128xf32, #tpu.memory_space<vmem>>, vector<16xf32>,
      tpu.vector_store %arg6[%swap3A_180, %swap3A_181], %mul3A_179 {strides = array<i32>} : memref<80x128xf32, #tpu.memory_space<vmem>>, vector<16xf32>,
      %get3A_183 = arith.index_cast %add3A_174 : i32 to index
      %get3A_184 = arith.constant 16 : index
      %get3A_185 = tpu.vector_load %arg6[%get3A_183, %get3A_184] {strides = array<i32>} : memref<80x128xf32, #tpu.memory_space<vmem>>, vector<16xf32>,
      %mul3A_186 = arith.mulf %get3A_185, %gather3A : vector<16xf32>
      %swap3A_187 = arith.index_cast %add3A_174 : i32 to index
      %swap3A_188 = arith.constant 16 : index
      %swap3A_189 = tpu.vector_load %arg6[%swap3A_187, %swap3A_188] {strides = array<i32>} : memref<80x128xf32, #tpu.memory_space<vmem>>, vector<16xf32>,
      tpu.vector_store %arg6[%swap3A_187, %swap3A_188], %mul3A_186 {strides = array<i32>} : memref<80x128xf32, #tpu.memory_space<vmem>>, vector<16xf32>,
      %get3A_190 = arith.index_cast %add3A_174 : i32 to index
      %get3A_191 = arith.constant 32 : index
      %get3A_192 = tpu.vector_load %arg6[%get3A_190, %get3A_191] {strides = array<i32>} : memref<80x128xf32, #tpu.memory_space<vmem>>, vector<16xf32>,
      %mul3A_193 = arith.mulf %get3A_192, %gather3A : vector<16xf32>
      %swap3A_194 = arith.index_cast %add3A_174 : i32 to index
      %swap3A_195 = arith.constant 32 : index
      %swap3A_196 = tpu.vector_load %arg6[%swap3A_194, %swap3A_195] {strides = array<i32>} : memref<80x128xf32, #tpu.memory_space<vmem>>, vector<16xf32>,
      tpu.vector_store %arg6[%swap3A_194, %swap3A_195], %mul3A_193 {strides = array<i32>} : memref<80x128xf32, #tpu.memory_space<vmem>>, vector<16xf32>,
      %get3A_197 = arith.index_cast %add3A_174 : i32 to index
      %get3A_198 = arith.constant 48 : index
      %get3A_199 = tpu.vector_load %arg6[%get3A_197, %get3A_198] {strides = array<i32>} : memref<80x128xf32, #tpu.memory_space<vmem>>, vector<16xf32>,
      %mul3A_200 = arith.mulf %get3A_199, %gather3A : vector<16xf32>
      %swap3A_201 = arith.index_cast %add3A_174 : i32 to index
      %swap3A_202 = arith.constant 48 : index
      %swap3A_203 = tpu.vector_load %arg6[%swap3A_201, %swap3A_202] {strides = array<i32>} : memref<80x128xf32, #tpu.memory_space<vmem>>, vector<16xf32>,
      tpu.vector_store %arg6[%swap3A_201, %swap3A_202], %mul3A_200 {strides = array<i32>} : memref<80x128xf32, #tpu.memory_space<vmem>>, vector<16xf32>,
      %get3A_204 = arith.index_cast %add3A_174 : i32 to index
      %get3A_205 = arith.constant 64 : index
      %get3A_206 = tpu.vector_load %arg6[%get3A_204, %get3A_205] {strides = array<i32>} : memref<80x128xf32, #tpu.memory_space<vmem>>, vector<16xf32>,
      %mul3A_207 = arith.mulf %get3A_206, %gather3A : vector<16xf32>
      %swap3A_208 = arith.index_cast %add3A_174 : i32 to index
      %swap3A_209 = arith.constant 64 : index
      %swap3A_210 = tpu.vector_load %arg6[%swap3A_208, %swap3A_209] {strides = array<i32>} : memref<80x128xf32, #tpu.memory_space<vmem>>, vector<16xf32>,
      tpu.vector_store %arg6[%swap3A_208, %swap3A_209], %mul3A_207 {strides = array<i32>} : memref<80x128xf32, #tpu.memory_space<vmem>>, vector<16xf32>,
      %get3A_211 = arith.index_cast %add3A_174 : i32 to index
      %get3A_212 = arith.constant 80 : index
      %get3A_213 = tpu.vector_load %arg6[%get3A_211, %get3A_212] {strides = array<i32>} : memref<80x128xf32, #tpu.memory_space<vmem>>, vector<16xf32>,
      %mul3A_214 = arith.mulf %get3A_213, %gather3A : vector<16xf32>
      %swap3A_215 = arith.index_cast %add3A_174 : i32 to index
      %swap3A_216 = arith.constant 80 : index
      %swap3A_217 = tpu.vector_load %arg6[%swap3A_215, %swap3A_216] {strides = array<i32>} : memref<80x128xf32, #tpu.memory_space<vmem>>, vector<16xf32>,
      tpu.vector_store %arg6[%swap3A_215, %swap3A_216], %mul3A_214 {strides = array<i32>} : memref<80x128xf32, #tpu.memory_space<vmem>>, vector<16xf32>,
      %get3A_218 = arith.index_cast %add3A_174 : i32 to index
      %get3A_219 = arith.constant 96 : index
      %get3A_220 = tpu.vector_load %arg6[%get3A_218, %get3A_219] {strides = array<i32>} : memref<80x128xf32, #tpu.memory_space<vmem>>, vector<16xf32>,
      %mul3A_221 = arith.mulf %get3A_220, %gather3A : vector<16xf32>
      %swap3A_222 = arith.index_cast %add3A_174 : i32 to index
      %swap3A_223 = arith.constant 96 : index
      %swap3A_224 = tpu.vector_load %arg6[%swap3A_222, %swap3A_223] {strides = array<i32>} : memref<80x128xf32, #tpu.memory_space<vmem>>, vector<16xf32>,
      tpu.vector_store %arg6[%swap3A_222, %swap3A_223], %mul3A_221 {strides = array<i32>} : memref<80x128xf32, #tpu.memory_space<vmem>>, vector<16xf32>,
      %get3A_225 = arith.index_cast %add3A_174 : i32 to index
      %get3A_226 = arith.constant 112 : index
      %get3A_227 = tpu.vector_load %arg6[%get3A_225, %get3A_226] {strides = array<i32>} : memref<80x128xf32, #tpu.memory_space<vmem>>, vector<16xf32>,
      %mul3A_228 = arith.mulf %get3A_227, %gather3A : vector<16xf32>
      %swap3A_229 = arith.index_cast %add3A_174 : i32 to index
      %swap3A_230 = arith.constant 112 : index
      %swap3A_231 = tpu.vector_load %arg6[%swap3A_229, %swap3A_230] {strides = array<i32>} : memref<80x128xf32, #tpu.memory_space<vmem>>, vector<16xf32>,
      tpu.vector_store %arg6[%swap3A_229, %swap3A_230], %mul3A_228 {strides = array<i32>} : memref<80x128xf32, #tpu.memory_space<vmem>>, vector<16xf32>,
      %mul3A_232 = arith.constant 4 : i32
      %mul3A_233 = arith.muli %mul3A_232, %scan3A_170 : i32
      %add3A_234 = arith.constant 1 : i32
      %add3A_235 = arith.addi %mul3A_233, %add3A_234 : i32
      %broadcast_in_dim3A_236 = vector.broadcast %add3A_235 : i32 to vector<16xi32>
      %gather3A_237 = tpu.vector_load_idx %arg12[%broadcast_in_dim3A_236] : memref<80xf32, #tpu.memory_space<vmem>>[vector<16xi32>], vector<16xf32>,
      %get3A_238 = arith.index_cast %add3A_235 : i32 to index
      %get3A_239 = arith.constant 0 : index
      %get3A_240 = tpu.vector_load %arg6[%get3A_238, %get3A_239] {strides = array<i32>} : memref<80x128xf32, #tpu.memory_space<vmem>>, vector<16xf32>,
      %mul3A_241 = arith.mulf %get3A_240, %gather3A_237 : vector<16xf32>
      %swap3A_242 = arith.index_cast %add3A_235 : i32 to index
      %swap3A_243 = arith.constant 0 : index
      %swap3A_244 = tpu.vector_load %arg6[%swap3A_242, %swap3A_243] {strides = array<i32>} : memref<80x128xf32, #tpu.memory_space<vmem>>, vector<16xf32>,
      tpu.vector_store %arg6[%swap3A_242, %swap3A_243], %mul3A_241 {strides = array<i32>} : memref<80x128xf32, #tpu.memory_space<vmem>>, vector<16xf32>,
      %get3A_245 = arith.index_cast %add3A_235 : i32 to index
      %get3A_246 = arith.constant 16 : index
      %get3A_247 = tpu.vector_load %arg6[%get3A_245, %get3A_246] {strides = array<i32>} : memref<80x128xf32, #tpu.memory_space<vmem>>, vector<16xf32>,
      %mul3A_248 = arith.mulf %get3A_247, %gather3A_237 : vector<16xf32>
      %swap3A_249 = arith.index_cast %add3A_235 : i32 to index
      %swap3A_250 = arith.constant 16 : index
      %swap3A_251 = tpu.vector_load %arg6[%swap3A_249, %swap3A_250] {strides = array<i32>} : memref<80x128xf32, #tpu.memory_space<vmem>>, vector<16xf32>,
      tpu.vector_store %arg6[%swap3A_249, %swap3A_250], %mul3A_248 {strides = array<i32>} : memref<80x128xf32, #tpu.memory_space<vmem>>, vector<16xf32>,
      %get3A_252 = arith.index_cast %add3A_235 : i32 to index
      %get3A_253 = arith.constant 32 : index
      %get3A_254 = tpu.vector_load %arg6[%get3A_252, %get3A_253] {strides = array<i32>} : memref<80x128xf32, #tpu.memory_space<vmem>>, vector<16xf32>,
      %mul3A_255 = arith.mulf %get3A_254, %gather3A_237 : vector<16xf32>
      %swap3A_256 = arith.index_cast %add3A_235 : i32 to index
      %swap3A_257 = arith.constant 32 : index
      %swap3A_258 = tpu.vector_load %arg6[%swap3A_256, %swap3A_257] {strides = array<i32>} : memref<80x128xf32, #tpu.memory_space<vmem>>, vector<16xf32>,
      tpu.vector_store %arg6[%swap3A_256, %swap3A_257], %mul3A_255 {strides = array<i32>} : memref<80x128xf32, #tpu.memory_space<vmem>>, vector<16xf32>,
      %get3A_259 = arith.index_cast %add3A_235 : i32 to index
      %get3A_260 = arith.constant 48 : index
      %get3A_261 = tpu.vector_load %arg6[%get3A_259, %get3A_260] {strides = array<i32>} : memref<80x128xf32, #tpu.memory_space<vmem>>, vector<16xf32>,
      %mul3A_262 = arith.mulf %get3A_261, %gather3A_237 : vector<16xf32>
      %swap3A_263 = arith.index_cast %add3A_235 : i32 to index
      %swap3A_264 = arith.constant 48 : index
      %swap3A_265 = tpu.vector_load %arg6[%swap3A_263, %swap3A_264] {strides = array<i32>} : memref<80x128xf32, #tpu.memory_space<vmem>>, vector<16xf32>,
      tpu.vector_store %arg6[%swap3A_263, %swap3A_264], %mul3A_262 {strides = array<i32>} : memref<80x128xf32, #tpu.memory_space<vmem>>, vector<16xf32>,
      %get3A_266 = arith.index_cast %add3A_235 : i32 to index
      %get3A_267 = arith.constant 64 : index
      %get3A_268 = tpu.vector_load %arg6[%get3A_266, %get3A_267] {strides = array<i32>} : memref<80x128xf32, #tpu.memory_space<vmem>>, vector<16xf32>,
      %mul3A_269 = arith.mulf %get3A_268, %gather3A_237 : vector<16xf32>
      %swap3A_270 = arith.index_cast %add3A_235 : i32 to index
      %swap3A_271 = arith.constant 64 : index
      %swap3A_272 = tpu.vector_load %arg6[%swap3A_270, %swap3A_271] {strides = array<i32>} : memref<80x128xf32, #tpu.memory_space<vmem>>, vector<16xf32>,
      tpu.vector_store %arg6[%swap3A_270, %swap3A_271], %mul3A_269 {strides = array<i32>} : memref<80x128xf32, #tpu.memory_space<vmem>>, vector<16xf32>,
      %get3A_273 = arith.index_cast %add3A_235 : i32 to index
      %get3A_274 = arith.constant 80 : index
      %get3A_275 = tpu.vector_load %arg6[%get3A_273, %get3A_274] {strides = array<i32>} : memref<80x128xf32, #tpu.memory_space<vmem>>, vector<16xf32>,
      %mul3A_276 = arith.mulf %get3A_275, %gather3A_237 : vector<16xf32>
      %swap3A_277 = arith.index_cast %add3A_235 : i32 to index
      %swap3A_278 = arith.constant 80 : index
      %swap3A_279 = tpu.vector_load %arg6[%swap3A_277, %swap3A_278] {strides = array<i32>} : memref<80x128xf32, #tpu.memory_space<vmem>>, vector<16xf32>,
      tpu.vector_store %arg6[%swap3A_277, %swap3A_278], %mul3A_276 {strides = array<i32>} : memref<80x128xf32, #tpu.memory_space<vmem>>, vector<16xf32>,
      %get3A_280 = arith.index_cast %add3A_235 : i32 to index
      %get3A_281 = arith.constant 96 : index
      %get3A_282 = tpu.vector_load %arg6[%get3A_280, %get3A_281] {strides = array<i32>} : memref<80x128xf32, #tpu.memory_space<vmem>>, vector<16xf32>,
      %mul3A_283 = arith.mulf %get3A_282, %gather3A_237 : vector<16xf32>
      %swap3A_284 = arith.index_cast %add3A_235 : i32 to index
      %swap3A_285 = arith.constant 96 : index
      %swap3A_286 = tpu.vector_load %arg6[%swap3A_284, %swap3A_285] {strides = array<i32>} : memref<80x128xf32, #tpu.memory_space<vmem>>, vector<16xf32>,
      tpu.vector_store %arg6[%swap3A_284, %swap3A_285], %mul3A_283 {strides = array<i32>} : memref<80x128xf32, #tpu.memory_space<vmem>>, vector<16xf32>,
      %get3A_287 = arith.index_cast %add3A_235 : i32 to index
      %get3A_288 = arith.constant 112 : index
      %get3A_289 = tpu.vector_load %arg6[%get3A_287, %get3A_288] {strides = array<i32>} : memref<80x128xf32, #tpu.memory_space<vmem>>, vector<16xf32>,
      %mul3A_290 = arith.mulf %get3A_289, %gather3A_237 : vector<16xf32>
      %swap3A_291 = arith.index_cast %add3A_235 : i32 to index
      %swap3A_292 = arith.constant 112 : index
      %swap3A_293 = tpu.vector_load %arg6[%swap3A_291, %swap3A_292] {strides = array<i32>} : memref<80x128xf32, #tpu.memory_space<vmem>>, vector<16xf32>,
      tpu.vector_store %arg6[%swap3A_291, %swap3A_292], %mul3A_290 {strides = array<i32>} : memref<80x128xf32, #tpu.memory_space<vmem>>, vector<16xf32>,
      %mul3A_294 = arith.constant 4 : i32
      %mul3A_295 = arith.muli %mul3A_294, %scan3A_170 : i32
      %add3A_296 = arith.constant 2 : i32
      %add3A_297 = arith.addi %mul3A_295, %add3A_296 : i32
      %broadcast_in_dim3A_298 = vector.broadcast %add3A_297 : i32 to vector<16xi32>
      %gather3A_299 = tpu.vector_load_idx %arg12[%broadcast_in_dim3A_298] : memref<80xf32, #tpu.memory_space<vmem>>[vector<16xi32>], vector<16xf32>,
      %get3A_300 = arith.index_cast %add3A_297 : i32 to index
      %get3A_301 = arith.constant 0 : index
      %get3A_302 = tpu.vector_load %arg6[%get3A_300, %get3A_301] {strides = array<i32>} : memref<80x128xf32, #tpu.memory_space<vmem>>, vector<16xf32>,
      %mul3A_303 = arith.mulf %get3A_302, %gather3A_299 : vector<16xf32>
      %swap3A_304 = arith.index_cast %add3A_297 : i32 to index
      %swap3A_305 = arith.constant 0 : index
      %swap3A_306 = tpu.vector_load %arg6[%swap3A_304, %swap3A_305] {strides = array<i32>} : memref<80x128xf32, #tpu.memory_space<vmem>>, vector<16xf32>,
      tpu.vector_store %arg6[%swap3A_304, %swap3A_305], %mul3A_303 {strides = array<i32>} : memref<80x128xf32, #tpu.memory_space<vmem>>, vector<16xf32>,
      %get3A_307 = arith.index_cast %add3A_297 : i32 to index
      %get3A_308 = arith.constant 16 : index
      %get3A_309 = tpu.vector_load %arg6[%get3A_307, %get3A_308] {strides = array<i32>} : memref<80x128xf32, #tpu.memory_space<vmem>>, vector<16xf32>,
      %mul3A_310 = arith.mulf %get3A_309, %gather3A_299 : vector<16xf32>
      %swap3A_311 = arith.index_cast %add3A_297 : i32 to index
      %swap3A_312 = arith.constant 16 : index
      %swap3A_313 = tpu.vector_load %arg6[%swap3A_311, %swap3A_312] {strides = array<i32>} : memref<80x128xf32, #tpu.memory_space<vmem>>, vector<16xf32>,
      tpu.vector_store %arg6[%swap3A_311, %swap3A_312], %mul3A_310 {strides = array<i32>} : memref<80x128xf32, #tpu.memory_space<vmem>>, vector<16xf32>,
      %get3A_314 = arith.index_cast %add3A_297 : i32 to index
      %get3A_315 = arith.constant 32 : index
      %get3A_316 = tpu.vector_load %arg6[%get3A_314, %get3A_315] {strides = array<i32>} : memref<80x128xf32, #tpu.memory_space<vmem>>, vector<16xf32>,
      %mul3A_317 = arith.mulf %get3A_316, %gather3A_299 : vector<16xf32>
      %swap3A_318 = arith.index_cast %add3A_297 : i32 to index
      %swap3A_319 = arith.constant 32 : index
      %swap3A_320 = tpu.vector_load %arg6[%swap3A_318, %swap3A_319] {strides = array<i32>} : memref<80x128xf32, #tpu.memory_space<vmem>>, vector<16xf32>,
      tpu.vector_store %arg6[%swap3A_318, %swap3A_319], %mul3A_317 {strides = array<i32>} : memref<80x128xf32, #tpu.memory_space<vmem>>, vector<16xf32>,
      %get3A_321 = arith.index_cast %add3A_297 : i32 to index
      %get3A_322 = arith.constant 48 : index
      %get3A_323 = tpu.vector_load %arg6[%get3A_321, %get3A_322] {strides = array<i32>} : memref<80x128xf32, #tpu.memory_space<vmem>>, vector<16xf32>,
      %mul3A_324 = arith.mulf %get3A_323, %gather3A_299 : vector<16xf32>
      %swap3A_325 = arith.index_cast %add3A_297 : i32 to index
      %swap3A_326 = arith.constant 48 : index
      %swap3A_327 = tpu.vector_load %arg6[%swap3A_325, %swap3A_326] {strides = array<i32>} : memref<80x128xf32, #tpu.memory_space<vmem>>, vector<16xf32>,
      tpu.vector_store %arg6[%swap3A_325, %swap3A_326], %mul3A_324 {strides = array<i32>} : memref<80x128xf32, #tpu.memory_space<vmem>>, vector<16xf32>,
      %get3A_328 = arith.index_cast %add3A_297 : i32 to index
      %get3A_329 = arith.constant 64 : index
      %get3A_330 = tpu.vector_load %arg6[%get3A_328, %get3A_329] {strides = array<i32>} : memref<80x128xf32, #tpu.memory_space<vmem>>, vector<16xf32>,
      %mul3A_331 = arith.mulf %get3A_330, %gather3A_299 : vector<16xf32>
      %swap3A_332 = arith.index_cast %add3A_297 : i32 to index
      %swap3A_333 = arith.constant 64 : index
      %swap3A_334 = tpu.vector_load %arg6[%swap3A_332, %swap3A_333] {strides = array<i32>} : memref<80x128xf32, #tpu.memory_space<vmem>>, vector<16xf32>,
      tpu.vector_store %arg6[%swap3A_332, %swap3A_333], %mul3A_331 {strides = array<i32>} : memref<80x128xf32, #tpu.memory_space<vmem>>, vector<16xf32>,
      %get3A_335 = arith.index_cast %add3A_297 : i32 to index
      %get3A_336 = arith.constant 80 : index
      %get3A_337 = tpu.vector_load %arg6[%get3A_335, %get3A_336] {strides = array<i32>} : memref<80x128xf32, #tpu.memory_space<vmem>>, vector<16xf32>,
      %mul3A_338 = arith.mulf %get3A_337, %gather3A_299 : vector<16xf32>
      %swap3A_339 = arith.index_cast %add3A_297 : i32 to index
      %swap3A_340 = arith.constant 80 : index
      %swap3A_341 = tpu.vector_load %arg6[%swap3A_339, %swap3A_340] {strides = array<i32>} : memref<80x128xf32, #tpu.memory_space<vmem>>, vector<16xf32>,
      tpu.vector_store %arg6[%swap3A_339, %swap3A_340], %mul3A_338 {strides = array<i32>} : memref<80x128xf32, #tpu.memory_space<vmem>>, vector<16xf32>,
      %get3A_342 = arith.index_cast %add3A_297 : i32 to index
      %get3A_343 = arith.constant 96 : index
      %get3A_344 = tpu.vector_load %arg6[%get3A_342, %get3A_343] {strides = array<i32>} : memref<80x128xf32, #tpu.memory_space<vmem>>, vector<16xf32>,
      %mul3A_345 = arith.mulf %get3A_344, %gather3A_299 : vector<16xf32>
      %swap3A_346 = arith.index_cast %add3A_297 : i32 to index
      %swap3A_347 = arith.constant 96 : index
      %swap3A_348 = tpu.vector_load %arg6[%swap3A_346, %swap3A_347] {strides = array<i32>} : memref<80x128xf32, #tpu.memory_space<vmem>>, vector<16xf32>,
      tpu.vector_store %arg6[%swap3A_346, %swap3A_347], %mul3A_345 {strides = array<i32>} : memref<80x128xf32, #tpu.memory_space<vmem>>, vector<16xf32>,
      %get3A_349 = arith.index_cast %add3A_297 : i32 to index
      %get3A_350 = arith.constant 112 : index
      %get3A_351 = tpu.vector_load %arg6[%get3A_349, %get3A_350] {strides = array<i32>} : memref<80x128xf32, #tpu.memory_space<vmem>>, vector<16xf32>,
      %mul3A_352 = arith.mulf %get3A_351, %gather3A_299 : vector<16xf32>
      %swap3A_353 = arith.index_cast %add3A_297 : i32 to index
      %swap3A_354 = arith.constant 112 : index
      %swap3A_355 = tpu.vector_load %arg6[%swap3A_353, %swap3A_354] {strides = array<i32>} : memref<80x128xf32, #tpu.memory_space<vmem>>, vector<16xf32>,
      tpu.vector_store %arg6[%swap3A_353, %swap3A_354], %mul3A_352 {strides = array<i32>} : memref<80x128xf32, #tpu.memory_space<vmem>>, vector<16xf32>,
      %mul3A_356 = arith.constant 4 : i32
      %mul3A_357 = arith.muli %mul3A_356, %scan3A_170 : i32
      %add3A_358 = arith.constant 3 : i32
      %add3A_359 = arith.addi %mul3A_357, %add3A_358 : i32
      %broadcast_in_dim3A_360 = vector.broadcast %add3A_359 : i32 to vector<16xi32>
      %gather3A_361 = tpu.vector_load_idx %arg12[%broadcast_in_dim3A_360] : memref<80xf32, #tpu.memory_space<vmem>>[vector<16xi32>], vector<16xf32>,
      %get3A_362 = arith.index_cast %add3A_359 : i32 to index
      %get3A_363 = arith.constant 0 : index
      %get3A_364 = tpu.vector_load %arg6[%get3A_362, %get3A_363] {strides = array<i32>} : memref<80x128xf32, #tpu.memory_space<vmem>>, vector<16xf32>,
      %mul3A_365 = arith.mulf %get3A_364, %gather3A_361 : vector<16xf32>
      %swap3A_366 = arith.index_cast %add3A_359 : i32 to index
      %swap3A_367 = arith.constant 0 : index
      %swap3A_368 = tpu.vector_load %arg6[%swap3A_366, %swap3A_367] {strides = array<i32>} : memref<80x128xf32, #tpu.memory_space<vmem>>, vector<16xf32>,
      tpu.vector_store %arg6[%swap3A_366, %swap3A_367], %mul3A_365 {strides = array<i32>} : memref<80x128xf32, #tpu.memory_space<vmem>>, vector<16xf32>,
      %get3A_369 = arith.index_cast %add3A_359 : i32 to index
      %get3A_370 = arith.constant 16 : index
      %get3A_371 = tpu.vector_load %arg6[%get3A_369, %get3A_370] {strides = array<i32>} : memref<80x128xf32, #tpu.memory_space<vmem>>, vector<16xf32>,
      %mul3A_372 = arith.mulf %get3A_371, %gather3A_361 : vector<16xf32>
      %swap3A_373 = arith.index_cast %add3A_359 : i32 to index
      %swap3A_374 = arith.constant 16 : index
      %swap3A_375 = tpu.vector_load %arg6[%swap3A_373, %swap3A_374] {strides = array<i32>} : memref<80x128xf32, #tpu.memory_space<vmem>>, vector<16xf32>,
      tpu.vector_store %arg6[%swap3A_373, %swap3A_374], %mul3A_372 {strides = array<i32>} : memref<80x128xf32, #tpu.memory_space<vmem>>, vector<16xf32>,
      %get3A_376 = arith.index_cast %add3A_359 : i32 to index
      %get3A_377 = arith.constant 32 : index
      %get3A_378 = tpu.vector_load %arg6[%get3A_376, %get3A_377] {strides = array<i32>} : memref<80x128xf32, #tpu.memory_space<vmem>>, vector<16xf32>,
      %mul3A_379 = arith.mulf %get3A_378, %gather3A_361 : vector<16xf32>
      %swap3A_380 = arith.index_cast %add3A_359 : i32 to index
      %swap3A_381 = arith.constant 32 : index
      %swap3A_382 = tpu.vector_load %arg6[%swap3A_380, %swap3A_381] {strides = array<i32>} : memref<80x128xf32, #tpu.memory_space<vmem>>, vector<16xf32>,
      tpu.vector_store %arg6[%swap3A_380, %swap3A_381], %mul3A_379 {strides = array<i32>} : memref<80x128xf32, #tpu.memory_space<vmem>>, vector<16xf32>,
      %get3A_383 = arith.index_cast %add3A_359 : i32 to index
      %get3A_384 = arith.constant 48 : index
      %get3A_385 = tpu.vector_load %arg6[%get3A_383, %get3A_384] {strides = array<i32>} : memref<80x128xf32, #tpu.memory_space<vmem>>, vector<16xf32>,
      %mul3A_386 = arith.mulf %get3A_385, %gather3A_361 : vector<16xf32>
      %swap3A_387 = arith.index_cast %add3A_359 : i32 to index
      %swap3A_388 = arith.constant 48 : index
      %swap3A_389 = tpu.vector_load %arg6[%swap3A_387, %swap3A_388] {strides = array<i32>} : memref<80x128xf32, #tpu.memory_space<vmem>>, vector<16xf32>,
      tpu.vector_store %arg6[%swap3A_387, %swap3A_388], %mul3A_386 {strides = array<i32>} : memref<80x128xf32, #tpu.memory_space<vmem>>, vector<16xf32>,
      %get3A_390 = arith.index_cast %add3A_359 : i32 to index
      %get3A_391 = arith.constant 64 : index
      %get3A_392 = tpu.vector_load %arg6[%get3A_390, %get3A_391] {strides = array<i32>} : memref<80x128xf32, #tpu.memory_space<vmem>>, vector<16xf32>,
      %mul3A_393 = arith.mulf %get3A_392, %gather3A_361 : vector<16xf32>
      %swap3A_394 = arith.index_cast %add3A_359 : i32 to index
      %swap3A_395 = arith.constant 64 : index
      %swap3A_396 = tpu.vector_load %arg6[%swap3A_394, %swap3A_395] {strides = array<i32>} : memref<80x128xf32, #tpu.memory_space<vmem>>, vector<16xf32>,
      tpu.vector_store %arg6[%swap3A_394, %swap3A_395], %mul3A_393 {strides = array<i32>} : memref<80x128xf32, #tpu.memory_space<vmem>>, vector<16xf32>,
      %get3A_397 = arith.index_cast %add3A_359 : i32 to index
      %get3A_398 = arith.constant 80 : index
      %get3A_399 = tpu.vector_load %arg6[%get3A_397, %get3A_398] {strides = array<i32>} : memref<80x128xf32, #tpu.memory_space<vmem>>, vector<16xf32>,
      %mul3A_400 = arith.mulf %get3A_399, %gather3A_361 : vector<16xf32>
      %swap3A_401 = arith.index_cast %add3A_359 : i32 to index
      %swap3A_402 = arith.constant 80 : index
      %swap3A_403 = tpu.vector_load %arg6[%swap3A_401, %swap3A_402] {strides = array<i32>} : memref<80x128xf32, #tpu.memory_space<vmem>>, vector<16xf32>,
      tpu.vector_store %arg6[%swap3A_401, %swap3A_402], %mul3A_400 {strides = array<i32>} : memref<80x128xf32, #tpu.memory_space<vmem>>, vector<16xf32>,
      %get3A_404 = arith.index_cast %add3A_359 : i32 to index
      %get3A_405 = arith.constant 96 : index
      %get3A_406 = tpu.vector_load %arg6[%get3A_404, %get3A_405] {strides = array<i32>} : memref<80x128xf32, #tpu.memory_space<vmem>>, vector<16xf32>,
      %mul3A_407 = arith.mulf %get3A_406, %gather3A_361 : vector<16xf32>
      %swap3A_408 = arith.index_cast %add3A_359 : i32 to index
      %swap3A_409 = arith.constant 96 : index
      %swap3A_410 = tpu.vector_load %arg6[%swap3A_408, %swap3A_409] {strides = array<i32>} : memref<80x128xf32, #tpu.memory_space<vmem>>, vector<16xf32>,
      tpu.vector_store %arg6[%swap3A_408, %swap3A_409], %mul3A_407 {strides = array<i32>} : memref<80x128xf32, #tpu.memory_space<vmem>>, vector<16xf32>,
      %get3A_411 = arith.index_cast %add3A_359 : i32 to index
      %get3A_412 = arith.constant 112 : index
      %get3A_413 = tpu.vector_load %arg6[%get3A_411, %get3A_412] {strides = array<i32>} : memref<80x128xf32, #tpu.memory_space<vmem>>, vector<16xf32>,
      %mul3A_414 = arith.mulf %get3A_413, %gather3A_361 : vector<16xf32>
      %swap3A_415 = arith.index_cast %add3A_359 : i32 to index
      %swap3A_416 = arith.constant 112 : index
      %swap3A_417 = tpu.vector_load %arg6[%swap3A_415, %swap3A_416] {strides = array<i32>} : memref<80x128xf32, #tpu.memory_space<vmem>>, vector<16xf32>,
      tpu.vector_store %arg6[%swap3A_415, %swap3A_416], %mul3A_414 {strides = array<i32>} : memref<80x128xf32, #tpu.memory_space<vmem>>, vector<16xf32>,
    }
    %scan3A_148 = arith.constant 20 : i32
    %dma_start3A_149 = arith.constant 0 : i32
    %dma_start3A_150 = arith.constant 0 : i32
    %dma_start3A_151 = tpu.memref_slice %arg5[%dma_start3A_149, %dma_start3A_150] : memref<10000x128xf32, #tpu.memory_space<vmem_shared>> -> memref<10000x128xf32, #tpu.memory_space<vmem_shared>>
    tpu.enqueue_indirect_dma source(%arg6 : memref<80x128xf32, #tpu.memory_space<vmem>>) target(%dma_start3A_151 : memref<10000x128xf32, #tpu.memory_space<vmem_shared>>) offsets(%arg10 : memref<80xi32, #tpu.memory_space<vmem>>) semaphore(%arg18 : memref<!tpu.dma_semaphore, #tpu.memory_space<semaphore_mem>>) {add = true}
    %scan3A_152 = arith.constant 0 : i32
    %scan3A_153 = arith.constant 0 : i32
    %scan3A_154 = arith.constant 62 : i32
    %scan3A_155 = arith.addi %scan3A_153, %scan3A_154 : i32
    %scan3A_156 = arith.constant 1 : i32
    scf.for %scan3A_170 = %scan3A_153 to %scan3A_155 step %scan3A_156  : i32 {
      %lt3A = arith.constant 61 : i32
      %lt3A_171 = arith.cmpi slt, %scan3A_170, %lt3A : i32
      %mul3A_172 = arith.constant 2 : i32
      %mul3A_173 = arith.muli %mul3A_172, %scan3A_170 : i32
      %add3A_174 = arith.constant 1 : i32
      %add3A_175 = arith.addi %mul3A_173, %add3A_174 : i32
      %dma_wait3A_176 = arith.constant 0 : i32
      %dma_wait3A_177 = arith.constant 0 : i32
      %dma_wait3A_178 = tpu.memref_slice %arg9[%dma_wait3A_176, %dma_wait3A_177] : memref<3x80xi32, #tpu.memory_space<vmem>> -> memref<1x80xi32, #tpu.memory_space<vmem>>
      %dma_wait3A_179 = tpu.memref_squeeze %dma_wait3A_178 : memref<1x80xi32, #tpu.memory_space<vmem>> -> memref<80xi32, #tpu.memory_space<vmem>>
      %dma_wait3A_180 = arith.constant 0 : i32
      %dma_wait3A_181 = arith.constant 0 : i32
      %dma_wait3A_182 = tpu.memref_slice %arg2[%dma_wait3A_180, %dma_wait3A_181] : memref<80000x128xf32, #tpu.memory_space<hbm>> -> memref<80000x128xf32, #tpu.memory_space<hbm>>
      tpu.wait_indirect_dma semaphore(%arg15 : memref<!tpu.dma_semaphore, #tpu.memory_space<semaphore_mem>>) src(%dma_wait3A_182 : memref<80000x128xf32, #tpu.memory_space<hbm>>) dst(%arg7 : memref<80x128xf32, #tpu.memory_space<vmem>>)
      %get3A_183 = arith.constant 1 : i32
      %get3A_184 = arith.index_cast %get3A_183 : i32 to index
      %get3A_185 = arith.constant 0 : index
      %get3A_186 = tpu.vector_load %arg9[%get3A_184, %get3A_185] {strides = array<i32>} : memref<3x80xi32, #tpu.memory_space<vmem>>, vector<16xi32>,
      %swap3A_187 = arith.constant 0 : index
      %swap3A_188 = tpu.vector_load %arg11[%swap3A_187] {strides = array<i32>} : memref<80xi32, #tpu.memory_space<vmem>>, vector<16xi32>,
      tpu.vector_store %arg11[%swap3A_187], %get3A_186 {strides = array<i32>} : memref<80xi32, #tpu.memory_space<vmem>>, vector<16xi32>,
      %get3A_189 = arith.constant 2 : i32
      %get3A_190 = arith.index_cast %get3A_189 : i32 to index
      %get3A_191 = arith.constant 0 : index
      %get3A_192 = tpu.vector_load %arg9[%get3A_190, %get3A_191] {strides = array<i32>} : memref<3x80xi32, #tpu.memory_space<vmem>>, vector<16xi32>,
      %bitcast3A_193 = vector.bitcast %get3A_192 : vector<16xi32> to vector<16xf32>
      %swap3A_194 = arith.constant 0 : index
      %swap3A_195 = tpu.vector_load %arg13[%swap3A_194] {strides = array<i32>} : memref<80xf32, #tpu.memory_space<vmem>>, vector<16xf32>,
      tpu.vector_store %arg13[%swap3A_194], %bitcast3A_193 {strides = array<i32>} : memref<80xf32, #tpu.memory_space<vmem>>, vector<16xf32>,
      %get3A_196 = arith.constant 1 : i32
      %get3A_197 = arith.index_cast %get3A_196 : i32 to index
      %get3A_198 = arith.constant 16 : index
      %get3A_199 = tpu.vector_load %arg9[%get3A_197, %get3A_198] {strides = array<i32>} : memref<3x80xi32, #tpu.memory_space<vmem>>, vector<16xi32>,
      %swap3A_200 = arith.constant 16 : index
      %swap3A_201 = tpu.vector_load %arg11[%swap3A_200] {strides = array<i32>} : memref<80xi32, #tpu.memory_space<vmem>>, vector<16xi32>,
      tpu.vector_store %arg11[%swap3A_200], %get3A_199 {strides = array<i32>} : memref<80xi32, #tpu.memory_space<vmem>>, vector<16xi32>,
      %get3A_202 = arith.constant 2 : i32
      %get3A_203 = arith.index_cast %get3A_202 : i32 to index
      %get3A_204 = arith.constant 16 : index
      %get3A_205 = tpu.vector_load %arg9[%get3A_203, %get3A_204] {strides = array<i32>} : memref<3x80xi32, #tpu.memory_space<vmem>>, vector<16xi32>,
      %bitcast3A_206 = vector.bitcast %get3A_205 : vector<16xi32> to vector<16xf32>
      %swap3A_207 = arith.constant 16 : index
      %swap3A_208 = tpu.vector_load %arg13[%swap3A_207] {strides = array<i32>} : memref<80xf32, #tpu.memory_space<vmem>>, vector<16xf32>,
      tpu.vector_store %arg13[%swap3A_207], %bitcast3A_206 {strides = array<i32>} : memref<80xf32, #tpu.memory_space<vmem>>, vector<16xf32>,
      %get3A_209 = arith.constant 1 : i32
      %get3A_210 = arith.index_cast %get3A_209 : i32 to index
      %get3A_211 = arith.constant 32 : index
      %get3A_212 = tpu.vector_load %arg9[%get3A_210, %get3A_211] {strides = array<i32>} : memref<3x80xi32, #tpu.memory_space<vmem>>, vector<16xi32>,
      %swap3A_213 = arith.constant 32 : index
      %swap3A_214 = tpu.vector_load %arg11[%swap3A_213] {strides = array<i32>} : memref<80xi32, #tpu.memory_space<vmem>>, vector<16xi32>,
      tpu.vector_store %arg11[%swap3A_213], %get3A_212 {strides = array<i32>} : memref<80xi32, #tpu.memory_space<vmem>>, vector<16xi32>,
      %get3A_215 = arith.constant 2 : i32
      %get3A_216 = arith.index_cast %get3A_215 : i32 to index
      %get3A_217 = arith.constant 32 : index
      %get3A_218 = tpu.vector_load %arg9[%get3A_216, %get3A_217] {strides = array<i32>} : memref<3x80xi32, #tpu.memory_space<vmem>>, vector<16xi32>,
      %bitcast3A_219 = vector.bitcast %get3A_218 : vector<16xi32> to vector<16xf32>
      %swap3A_220 = arith.constant 32 : index
      %swap3A_221 = tpu.vector_load %arg13[%swap3A_220] {strides = array<i32>} : memref<80xf32, #tpu.memory_space<vmem>>, vector<16xf32>,
      tpu.vector_store %arg13[%swap3A_220], %bitcast3A_219 {strides = array<i32>} : memref<80xf32, #tpu.memory_space<vmem>>, vector<16xf32>,
      %get3A_222 = arith.constant 1 : i32
      %get3A_223 = arith.index_cast %get3A_222 : i32 to index
      %get3A_224 = arith.constant 48 : index
      %get3A_225 = tpu.vector_load %arg9[%get3A_223, %get3A_224] {strides = array<i32>} : memref<3x80xi32, #tpu.memory_space<vmem>>, vector<16xi32>,
      %swap3A_226 = arith.constant 48 : index
      %swap3A_227 = tpu.vector_load %arg11[%swap3A_226] {strides = array<i32>} : memref<80xi32, #tpu.memory_space<vmem>>, vector<16xi32>,
      tpu.vector_store %arg11[%swap3A_226], %get3A_225 {strides = array<i32>} : memref<80xi32, #tpu.memory_space<vmem>>, vector<16xi32>,
      %get3A_228 = arith.constant 2 : i32
      %get3A_229 = arith.index_cast %get3A_228 : i32 to index
      %get3A_230 = arith.constant 48 : index
      %get3A_231 = tpu.vector_load %arg9[%get3A_229, %get3A_230] {strides = array<i32>} : memref<3x80xi32, #tpu.memory_space<vmem>>, vector<16xi32>,
      %bitcast3A_232 = vector.bitcast %get3A_231 : vector<16xi32> to vector<16xf32>
      %swap3A_233 = arith.constant 48 : index
      %swap3A_234 = tpu.vector_load %arg13[%swap3A_233] {strides = array<i32>} : memref<80xf32, #tpu.memory_space<vmem>>, vector<16xf32>,
      tpu.vector_store %arg13[%swap3A_233], %bitcast3A_232 {strides = array<i32>} : memref<80xf32, #tpu.memory_space<vmem>>, vector<16xf32>,
      %get3A_235 = arith.constant 1 : i32
      %get3A_236 = arith.index_cast %get3A_235 : i32 to index
      %get3A_237 = arith.constant 64 : index
      %get3A_238 = tpu.vector_load %arg9[%get3A_236, %get3A_237] {strides = array<i32>} : memref<3x80xi32, #tpu.memory_space<vmem>>, vector<16xi32>,
      %swap3A_239 = arith.constant 64 : index
      %swap3A_240 = tpu.vector_load %arg11[%swap3A_239] {strides = array<i32>} : memref<80xi32, #tpu.memory_space<vmem>>, vector<16xi32>,
      tpu.vector_store %arg11[%swap3A_239], %get3A_238 {strides = array<i32>} : memref<80xi32, #tpu.memory_space<vmem>>, vector<16xi32>,
      %get3A_241 = arith.constant 2 : i32
      %get3A_242 = arith.index_cast %get3A_241 : i32 to index
      %get3A_243 = arith.constant 64 : index
      %get3A_244 = tpu.vector_load %arg9[%get3A_242, %get3A_243] {strides = array<i32>} : memref<3x80xi32, #tpu.memory_space<vmem>>, vector<16xi32>,
      %bitcast3A_245 = vector.bitcast %get3A_244 : vector<16xi32> to vector<16xf32>
      %swap3A_246 = arith.constant 64 : index
      %swap3A_247 = tpu.vector_load %arg13[%swap3A_246] {strides = array<i32>} : memref<80xf32, #tpu.memory_space<vmem>>, vector<16xf32>,
      tpu.vector_store %arg13[%swap3A_246], %bitcast3A_245 {strides = array<i32>} : memref<80xf32, #tpu.memory_space<vmem>>, vector<16xf32>,
      %convert_element_type3A_248 = arith.extui %lt3A_171 : i1 to i32
      %cond3A_249 = arith.constant 0 : i32
      %cond3A_250 = arith.cmpi ne, %convert_element_type3A_248, %cond3A_249 : i32
      scf.if %cond3A_250 {
        %add3A_371 = arith.constant 2 : i32
        %add3A_372 = arith.addi %add3A_175, %add3A_371 : i32
        %dma_start3A_373 = arith.constant 0 : i32
        %dma_start3A_374 = arith.constant 0 : i32
        %dma_start3A_375 = tpu.memref_slice %arg3[%add3A, %add3A_372, %dma_start3A_373, %dma_start3A_374] : memref<32x125x3x80xi32, #tpu.memory_space<hbm>> -> memref<1x1x3x80xi32, #tpu.memory_space<hbm>>
        %dma_start3A_376 = tpu.memref_squeeze %dma_start3A_375 : memref<1x1x3x80xi32, #tpu.memory_space<hbm>> -> memref<3x80xi32, #tpu.memory_space<hbm>>
        %dma_start3A_377 = arith.constant 0 : i32
        %dma_start3A_378 = arith.constant 0 : i32
        %dma_start3A_379 = tpu.memref_slice %arg3[%add3A, %add3A_372, %dma_start3A_377, %dma_start3A_378] : memref<32x125x3x80xi32, #tpu.memory_space<hbm>> -> memref<1x1x3x80xi32, #tpu.memory_space<hbm>>
        %dma_start3A_380 = tpu.memref_squeeze %dma_start3A_379 : memref<1x1x3x80xi32, #tpu.memory_space<hbm>> -> memref<3x80xi32, #tpu.memory_space<hbm>>
        tpu.enqueue_dma source(%dma_start3A_380 : memref<3x80xi32, #tpu.memory_space<hbm>>) target(%arg9 : memref<3x80xi32, #tpu.memory_space<vmem>>) target_semaphore(%arg17 : memref<!tpu.dma_semaphore, #tpu.memory_space<semaphore_mem>>)
      } else {
      }
      %add3A_251 = arith.constant 1 : i32
      %add3A_252 = arith.addi %add3A_175, %add3A_251 : i32
      %dma_wait3A_253 = arith.constant 0 : i32
      %dma_wait3A_254 = arith.constant 0 : i32
      %dma_wait3A_255 = tpu.memref_slice %arg3[%add3A, %add3A_252, %dma_wait3A_253, %dma_wait3A_254] : memref<32x125x3x80xi32, #tpu.memory_space<hbm>> -> memref<1x1x3x80xi32, #tpu.memory_space<hbm>>
      %dma_wait3A_256 = tpu.memref_squeeze %dma_wait3A_255 : memref<1x1x3x80xi32, #tpu.memory_space<hbm>> -> memref<3x80xi32, #tpu.memory_space<hbm>>
      %dma_wait3A_257 = arith.constant 0 : i32
      %dma_wait3A_258 = arith.constant 0 : i32
      %dma_wait3A_259 = tpu.memref_slice %arg3[%add3A, %add3A_252, %dma_wait3A_257, %dma_wait3A_258] : memref<32x125x3x80xi32, #tpu.memory_space<hbm>> -> memref<1x1x3x80xi32, #tpu.memory_space<hbm>>
      %dma_wait3A_260 = tpu.memref_squeeze %dma_wait3A_259 : memref<1x1x3x80xi32, #tpu.memory_space<hbm>> -> memref<3x80xi32, #tpu.memory_space<hbm>>
      tpu.wait_dma2 semaphore(%arg16 : memref<!tpu.dma_semaphore, #tpu.memory_space<semaphore_mem>>) src(%dma_wait3A_260 : memref<3x80xi32, #tpu.memory_space<hbm>>) dst(%arg8 : memref<3x80xi32, #tpu.memory_space<vmem>>)
      %dma_wait3A_261 = arith.constant 0 : i32
      %dma_wait3A_262 = arith.constant 0 : i32
      %dma_wait3A_263 = tpu.memref_slice %arg5[%dma_wait3A_261, %dma_wait3A_262] : memref<10000x128xf32, #tpu.memory_space<vmem_shared>> -> memref<10000x128xf32, #tpu.memory_space<vmem_shared>>
      tpu.wait_indirect_dma semaphore(%arg18 : memref<!tpu.dma_semaphore, #tpu.memory_space<semaphore_mem>>) src(%arg6 : memref<80x128xf32, #tpu.memory_space<vmem>>) dst(%dma_wait3A_263 : memref<10000x128xf32, #tpu.memory_space<vmem_shared>>)
      %dma_start3A_264 = arith.constant 0 : i32
      %dma_start3A_265 = arith.constant 0 : i32
      %dma_start3A_266 = tpu.memref_slice %arg8[%dma_start3A_264, %dma_start3A_265] : memref<3x80xi32, #tpu.memory_space<vmem>> -> memref<1x80xi32, #tpu.memory_space<vmem>>
      %dma_start3A_267 = tpu.memref_squeeze %dma_start3A_266 : memref<1x80xi32, #tpu.memory_space<vmem>> -> memref<80xi32, #tpu.memory_space<vmem>>
      %dma_start3A_268 = arith.constant 0 : i32
      %dma_start3A_269 = arith.constant 0 : i32
      %dma_start3A_270 = tpu.memref_slice %arg2[%dma_start3A_268, %dma_start3A_269] : memref<80000x128xf32, #tpu.memory_space<hbm>> -> memref<80000x128xf32, #tpu.memory_space<hbm>>
      tpu.enqueue_indirect_dma source(%dma_start3A_270 : memref<80000x128xf32, #tpu.memory_space<hbm>>) target(%arg6 : memref<80x128xf32, #tpu.memory_space<vmem>>) offsets(%dma_start3A_267 : memref<80xi32, #tpu.memory_space<vmem>>) semaphore(%arg15 : memref<!tpu.dma_semaphore, #tpu.memory_space<semaphore_mem>>)
      %scan3A_271 = arith.constant 0 : i32
      %scan3A_272 = arith.constant 0 : i32
      %scan3A_273 = arith.constant 20 : i32
      %scan3A_274 = arith.addi %scan3A_272, %scan3A_273 : i32
      %scan3A_275 = arith.constant 1 : i32
      scf.for %scan3A_371 = %scan3A_272 to %scan3A_274 step %scan3A_275  : i32 {
        %mul3A_372 = arith.constant 4 : i32
        %mul3A_373 = arith.muli %mul3A_372, %scan3A_371 : i32
        %add3A_374 = arith.constant 0 : i32
        %add3A_375 = arith.addi %mul3A_373, %add3A_374 : i32
        %broadcast_in_dim3A_376 = vector.broadcast %add3A_375 : i32 to vector<16xi32>
        %gather3A = tpu.vector_load_idx %arg13[%broadcast_in_dim3A_376] : memref<80xf32, #tpu.memory_space<vmem>>[vector<16xi32>], vector<16xf32>,
        %get3A_377 = arith.index_cast %add3A_375 : i32 to index
        %get3A_378 = arith.constant 0 : index
        %get3A_379 = tpu.vector_load %arg7[%get3A_377, %get3A_378] {strides = array<i32>} : memref<80x128xf32, #tpu.memory_space<vmem>>, vector<16xf32>,
        %mul3A_380 = arith.mulf %get3A_379, %gather3A : vector<16xf32>
        %swap3A_381 = arith.index_cast %add3A_375 : i32 to index
        %swap3A_382 = arith.constant 0 : index
        %swap3A_383 = tpu.vector_load %arg7[%swap3A_381, %swap3A_382] {strides = array<i32>} : memref<80x128xf32, #tpu.memory_space<vmem>>, vector<16xf32>,
        tpu.vector_store %arg7[%swap3A_381, %swap3A_382], %mul3A_380 {strides = array<i32>} : memref<80x128xf32, #tpu.memory_space<vmem>>, vector<16xf32>,
        %get3A_384 = arith.index_cast %add3A_375 : i32 to index
        %get3A_385 = arith.constant 16 : index
        %get3A_386 = tpu.vector_load %arg7[%get3A_384, %get3A_385] {strides = array<i32>} : memref<80x128xf32, #tpu.memory_space<vmem>>, vector<16xf32>,
        %mul3A_387 = arith.mulf %get3A_386, %gather3A : vector<16xf32>
        %swap3A_388 = arith.index_cast %add3A_375 : i32 to index
        %swap3A_389 = arith.constant 16 : index
        %swap3A_390 = tpu.vector_load %arg7[%swap3A_388, %swap3A_389] {strides = array<i32>} : memref<80x128xf32, #tpu.memory_space<vmem>>, vector<16xf32>,
        tpu.vector_store %arg7[%swap3A_388, %swap3A_389], %mul3A_387 {strides = array<i32>} : memref<80x128xf32, #tpu.memory_space<vmem>>, vector<16xf32>,
        %get3A_391 = arith.index_cast %add3A_375 : i32 to index
        %get3A_392 = arith.constant 32 : index
        %get3A_393 = tpu.vector_load %arg7[%get3A_391, %get3A_392] {strides = array<i32>} : memref<80x128xf32, #tpu.memory_space<vmem>>, vector<16xf32>,
        %mul3A_394 = arith.mulf %get3A_393, %gather3A : vector<16xf32>
        %swap3A_395 = arith.index_cast %add3A_375 : i32 to index
        %swap3A_396 = arith.constant 32 : index
        %swap3A_397 = tpu.vector_load %arg7[%swap3A_395, %swap3A_396] {strides = array<i32>} : memref<80x128xf32, #tpu.memory_space<vmem>>, vector<16xf32>,
        tpu.vector_store %arg7[%swap3A_395, %swap3A_396], %mul3A_394 {strides = array<i32>} : memref<80x128xf32, #tpu.memory_space<vmem>>, vector<16xf32>,
        %get3A_398 = arith.index_cast %add3A_375 : i32 to index
        %get3A_399 = arith.constant 48 : index
        %get3A_400 = tpu.vector_load %arg7[%get3A_398, %get3A_399] {strides = array<i32>} : memref<80x128xf32, #tpu.memory_space<vmem>>, vector<16xf32>,
        %mul3A_401 = arith.mulf %get3A_400, %gather3A : vector<16xf32>
        %swap3A_402 = arith.index_cast %add3A_375 : i32 to index
        %swap3A_403 = arith.constant 48 : index
        %swap3A_404 = tpu.vector_load %arg7[%swap3A_402, %swap3A_403] {strides = array<i32>} : memref<80x128xf32, #tpu.memory_space<vmem>>, vector<16xf32>,
        tpu.vector_store %arg7[%swap3A_402, %swap3A_403], %mul3A_401 {strides = array<i32>} : memref<80x128xf32, #tpu.memory_space<vmem>>, vector<16xf32>,
        %get3A_405 = arith.index_cast %add3A_375 : i32 to index
        %get3A_406 = arith.constant 64 : index
        %get3A_407 = tpu.vector_load %arg7[%get3A_405, %get3A_406] {strides = array<i32>} : memref<80x128xf32, #tpu.memory_space<vmem>>, vector<16xf32>,
        %mul3A_408 = arith.mulf %get3A_407, %gather3A : vector<16xf32>
        %swap3A_409 = arith.index_cast %add3A_375 : i32 to index
        %swap3A_410 = arith.constant 64 : index
        %swap3A_411 = tpu.vector_load %arg7[%swap3A_409, %swap3A_410] {strides = array<i32>} : memref<80x128xf32, #tpu.memory_space<vmem>>, vector<16xf32>,
        tpu.vector_store %arg7[%swap3A_409, %swap3A_410], %mul3A_408 {strides = array<i32>} : memref<80x128xf32, #tpu.memory_space<vmem>>, vector<16xf32>,
        %get3A_412 = arith.index_cast %add3A_375 : i32 to index
        %get3A_413 = arith.constant 80 : index
        %get3A_414 = tpu.vector_load %arg7[%get3A_412, %get3A_413] {strides = array<i32>} : memref<80x128xf32, #tpu.memory_space<vmem>>, vector<16xf32>,
        %mul3A_415 = arith.mulf %get3A_414, %gather3A : vector<16xf32>
        %swap3A_416 = arith.index_cast %add3A_375 : i32 to index
        %swap3A_417 = arith.constant 80 : index
        %swap3A_418 = tpu.vector_load %arg7[%swap3A_416, %swap3A_417] {strides = array<i32>} : memref<80x128xf32, #tpu.memory_space<vmem>>, vector<16xf32>,
        tpu.vector_store %arg7[%swap3A_416, %swap3A_417], %mul3A_415 {strides = array<i32>} : memref<80x128xf32, #tpu.memory_space<vmem>>, vector<16xf32>,
        %get3A_419 = arith.index_cast %add3A_375 : i32 to index
        %get3A_420 = arith.constant 96 : index
        %get3A_421 = tpu.vector_load %arg7[%get3A_419, %get3A_420] {strides = array<i32>} : memref<80x128xf32, #tpu.memory_space<vmem>>, vector<16xf32>,
        %mul3A_422 = arith.mulf %get3A_421, %gather3A : vector<16xf32>
        %swap3A_423 = arith.index_cast %add3A_375 : i32 to index
        %swap3A_424 = arith.constant 96 : index
        %swap3A_425 = tpu.vector_load %arg7[%swap3A_423, %swap3A_424] {strides = array<i32>} : memref<80x128xf32, #tpu.memory_space<vmem>>, vector<16xf32>,
        tpu.vector_store %arg7[%swap3A_423, %swap3A_424], %mul3A_422 {strides = array<i32>} : memref<80x128xf32, #tpu.memory_space<vmem>>, vector<16xf32>,
        %get3A_426 = arith.index_cast %add3A_375 : i32 to index
        %get3A_427 = arith.constant 112 : index
        %get3A_428 = tpu.vector_load %arg7[%get3A_426, %get3A_427] {strides = array<i32>} : memref<80x128xf32, #tpu.memory_space<vmem>>, vector<16xf32>,
        %mul3A_429 = arith.mulf %get3A_428, %gather3A : vector<16xf32>
        %swap3A_430 = arith.index_cast %add3A_375 : i32 to index
        %swap3A_431 = arith.constant 112 : index
        %swap3A_432 = tpu.vector_load %arg7[%swap3A_430, %swap3A_431] {strides = array<i32>} : memref<80x128xf32, #tpu.memory_space<vmem>>, vector<16xf32>,
        tpu.vector_store %arg7[%swap3A_430, %swap3A_431], %mul3A_429 {strides = array<i32>} : memref<80x128xf32, #tpu.memory_space<vmem>>, vector<16xf32>,
        %mul3A_433 = arith.constant 4 : i32
        %mul3A_434 = arith.muli %mul3A_433, %scan3A_371 : i32
        %add3A_435 = arith.constant 1 : i32
        %add3A_436 = arith.addi %mul3A_434, %add3A_435 : i32
        %broadcast_in_dim3A_437 = vector.broadcast %add3A_436 : i32 to vector<16xi32>
        %gather3A_438 = tpu.vector_load_idx %arg13[%broadcast_in_dim3A_437] : memref<80xf32, #tpu.memory_space<vmem>>[vector<16xi32>], vector<16xf32>,
        %get3A_439 = arith.index_cast %add3A_436 : i32 to index
        %get3A_440 = arith.constant 0 : index
        %get3A_441 = tpu.vector_load %arg7[%get3A_439, %get3A_440] {strides = array<i32>} : memref<80x128xf32, #tpu.memory_space<vmem>>, vector<16xf32>,
        %mul3A_442 = arith.mulf %get3A_441, %gather3A_438 : vector<16xf32>
        %swap3A_443 = arith.index_cast %add3A_436 : i32 to index
        %swap3A_444 = arith.constant 0 : index
        %swap3A_445 = tpu.vector_load %arg7[%swap3A_443, %swap3A_444] {strides = array<i32>} : memref<80x128xf32, #tpu.memory_space<vmem>>, vector<16xf32>,
        tpu.vector_store %arg7[%swap3A_443, %swap3A_444], %mul3A_442 {strides = array<i32>} : memref<80x128xf32, #tpu.memory_space<vmem>>, vector<16xf32>,
        %get3A_446 = arith.index_cast %add3A_436 : i32 to index
        %get3A_447 = arith.constant 16 : index
        %get3A_448 = tpu.vector_load %arg7[%get3A_446, %get3A_447] {strides = array<i32>} : memref<80x128xf32, #tpu.memory_space<vmem>>, vector<16xf32>,
        %mul3A_449 = arith.mulf %get3A_448, %gather3A_438 : vector<16xf32>
        %swap3A_450 = arith.index_cast %add3A_436 : i32 to index
        %swap3A_451 = arith.constant 16 : index
        %swap3A_452 = tpu.vector_load %arg7[%swap3A_450, %swap3A_451] {strides = array<i32>} : memref<80x128xf32, #tpu.memory_space<vmem>>, vector<16xf32>,
        tpu.vector_store %arg7[%swap3A_450, %swap3A_451], %mul3A_449 {strides = array<i32>} : memref<80x128xf32, #tpu.memory_space<vmem>>, vector<16xf32>,
        %get3A_453 = arith.index_cast %add3A_436 : i32 to index
        %get3A_454 = arith.constant 32 : index
        %get3A_455 = tpu.vector_load %arg7[%get3A_453, %get3A_454] {strides = array<i32>} : memref<80x128xf32, #tpu.memory_space<vmem>>, vector<16xf32>,
        %mul3A_456 = arith.mulf %get3A_455, %gather3A_438 : vector<16xf32>
        %swap3A_457 = arith.index_cast %add3A_436 : i32 to index
        %swap3A_458 = arith.constant 32 : index
        %swap3A_459 = tpu.vector_load %arg7[%swap3A_457, %swap3A_458] {strides = array<i32>} : memref<80x128xf32, #tpu.memory_space<vmem>>, vector<16xf32>,
        tpu.vector_store %arg7[%swap3A_457, %swap3A_458], %mul3A_456 {strides = array<i32>} : memref<80x128xf32, #tpu.memory_space<vmem>>, vector<16xf32>,
        %get3A_460 = arith.index_cast %add3A_436 : i32 to index
        %get3A_461 = arith.constant 48 : index
        %get3A_462 = tpu.vector_load %arg7[%get3A_460, %get3A_461] {strides = array<i32>} : memref<80x128xf32, #tpu.memory_space<vmem>>, vector<16xf32>,
        %mul3A_463 = arith.mulf %get3A_462, %gather3A_438 : vector<16xf32>
        %swap3A_464 = arith.index_cast %add3A_436 : i32 to index
        %swap3A_465 = arith.constant 48 : index
        %swap3A_466 = tpu.vector_load %arg7[%swap3A_464, %swap3A_465] {strides = array<i32>} : memref<80x128xf32, #tpu.memory_space<vmem>>, vector<16xf32>,
        tpu.vector_store %arg7[%swap3A_464, %swap3A_465], %mul3A_463 {strides = array<i32>} : memref<80x128xf32, #tpu.memory_space<vmem>>, vector<16xf32>,
        %get3A_467 = arith.index_cast %add3A_436 : i32 to index
        %get3A_468 = arith.constant 64 : index
        %get3A_469 = tpu.vector_load %arg7[%get3A_467, %get3A_468] {strides = array<i32>} : memref<80x128xf32, #tpu.memory_space<vmem>>, vector<16xf32>,
        %mul3A_470 = arith.mulf %get3A_469, %gather3A_438 : vector<16xf32>
        %swap3A_471 = arith.index_cast %add3A_436 : i32 to index
        %swap3A_472 = arith.constant 64 : index
        %swap3A_473 = tpu.vector_load %arg7[%swap3A_471, %swap3A_472] {strides = array<i32>} : memref<80x128xf32, #tpu.memory_space<vmem>>, vector<16xf32>,
        tpu.vector_store %arg7[%swap3A_471, %swap3A_472], %mul3A_470 {strides = array<i32>} : memref<80x128xf32, #tpu.memory_space<vmem>>, vector<16xf32>,
        %get3A_474 = arith.index_cast %add3A_436 : i32 to index
        %get3A_475 = arith.constant 80 : index
        %get3A_476 = tpu.vector_load %arg7[%get3A_474, %get3A_475] {strides = array<i32>} : memref<80x128xf32, #tpu.memory_space<vmem>>, vector<16xf32>,
        %mul3A_477 = arith.mulf %get3A_476, %gather3A_438 : vector<16xf32>
        %swap3A_478 = arith.index_cast %add3A_436 : i32 to index
        %swap3A_479 = arith.constant 80 : index
        %swap3A_480 = tpu.vector_load %arg7[%swap3A_478, %swap3A_479] {strides = array<i32>} : memref<80x128xf32, #tpu.memory_space<vmem>>, vector<16xf32>,
        tpu.vector_store %arg7[%swap3A_478, %swap3A_479], %mul3A_477 {strides = array<i32>} : memref<80x128xf32, #tpu.memory_space<vmem>>, vector<16xf32>,
        %get3A_481 = arith.index_cast %add3A_436 : i32 to index
        %get3A_482 = arith.constant 96 : index
        %get3A_483 = tpu.vector_load %arg7[%get3A_481, %get3A_482] {strides = array<i32>} : memref<80x128xf32, #tpu.memory_space<vmem>>, vector<16xf32>,
        %mul3A_484 = arith.mulf %get3A_483, %gather3A_438 : vector<16xf32>
        %swap3A_485 = arith.index_cast %add3A_436 : i32 to index
        %swap3A_486 = arith.constant 96 : index
        %swap3A_487 = tpu.vector_load %arg7[%swap3A_485, %swap3A_486] {strides = array<i32>} : memref<80x128xf32, #tpu.memory_space<vmem>>, vector<16xf32>,
        tpu.vector_store %arg7[%swap3A_485, %swap3A_486], %mul3A_484 {strides = array<i32>} : memref<80x128xf32, #tpu.memory_space<vmem>>, vector<16xf32>,
        %get3A_488 = arith.index_cast %add3A_436 : i32 to index
        %get3A_489 = arith.constant 112 : index
        %get3A_490 = tpu.vector_load %arg7[%get3A_488, %get3A_489] {strides = array<i32>} : memref<80x128xf32, #tpu.memory_space<vmem>>, vector<16xf32>,
        %mul3A_491 = arith.mulf %get3A_490, %gather3A_438 : vector<16xf32>
        %swap3A_492 = arith.index_cast %add3A_436 : i32 to index
        %swap3A_493 = arith.constant 112 : index
        %swap3A_494 = tpu.vector_load %arg7[%swap3A_492, %swap3A_493] {strides = array<i32>} : memref<80x128xf32, #tpu.memory_space<vmem>>, vector<16xf32>,
        tpu.vector_store %arg7[%swap3A_492, %swap3A_493], %mul3A_491 {strides = array<i32>} : memref<80x128xf32, #tpu.memory_space<vmem>>, vector<16xf32>,
        %mul3A_495 = arith.constant 4 : i32
        %mul3A_496 = arith.muli %mul3A_495, %scan3A_371 : i32
        %add3A_497 = arith.constant 2 : i32
        %add3A_498 = arith.addi %mul3A_496, %add3A_497 : i32
        %broadcast_in_dim3A_499 = vector.broadcast %add3A_498 : i32 to vector<16xi32>
        %gather3A_500 = tpu.vector_load_idx %arg13[%broadcast_in_dim3A_499] : memref<80xf32, #tpu.memory_space<vmem>>[vector<16xi32>], vector<16xf32>,
        %get3A_501 = arith.index_cast %add3A_498 : i32 to index
        %get3A_502 = arith.constant 0 : index
        %get3A_503 = tpu.vector_load %arg7[%get3A_501, %get3A_502] {strides = array<i32>} : memref<80x128xf32, #tpu.memory_space<vmem>>, vector<16xf32>,
        %mul3A_504 = arith.mulf %get3A_503, %gather3A_500 : vector<16xf32>
        %swap3A_505 = arith.index_cast %add3A_498 : i32 to index
        %swap3A_506 = arith.constant 0 : index
        %swap3A_507 = tpu.vector_load %arg7[%swap3A_505, %swap3A_506] {strides = array<i32>} : memref<80x128xf32, #tpu.memory_space<vmem>>, vector<16xf32>,
        tpu.vector_store %arg7[%swap3A_505, %swap3A_506], %mul3A_504 {strides = array<i32>} : memref<80x128xf32, #tpu.memory_space<vmem>>, vector<16xf32>,
        %get3A_508 = arith.index_cast %add3A_498 : i32 to index
        %get3A_509 = arith.constant 16 : index
        %get3A_510 = tpu.vector_load %arg7[%get3A_508, %get3A_509] {strides = array<i32>} : memref<80x128xf32, #tpu.memory_space<vmem>>, vector<16xf32>,
        %mul3A_511 = arith.mulf %get3A_510, %gather3A_500 : vector<16xf32>
        %swap3A_512 = arith.index_cast %add3A_498 : i32 to index
        %swap3A_513 = arith.constant 16 : index
        %swap3A_514 = tpu.vector_load %arg7[%swap3A_512, %swap3A_513] {strides = array<i32>} : memref<80x128xf32, #tpu.memory_space<vmem>>, vector<16xf32>,
        tpu.vector_store %arg7[%swap3A_512, %swap3A_513], %mul3A_511 {strides = array<i32>} : memref<80x128xf32, #tpu.memory_space<vmem>>, vector<16xf32>,
        %get3A_515 = arith.index_cast %add3A_498 : i32 to index
        %get3A_516 = arith.constant 32 : index
        %get3A_517 = tpu.vector_load %arg7[%get3A_515, %get3A_516] {strides = array<i32>} : memref<80x128xf32, #tpu.memory_space<vmem>>, vector<16xf32>,
        %mul3A_518 = arith.mulf %get3A_517, %gather3A_500 : vector<16xf32>
        %swap3A_519 = arith.index_cast %add3A_498 : i32 to index
        %swap3A_520 = arith.constant 32 : index
        %swap3A_521 = tpu.vector_load %arg7[%swap3A_519, %swap3A_520] {strides = array<i32>} : memref<80x128xf32, #tpu.memory_space<vmem>>, vector<16xf32>,
        tpu.vector_store %arg7[%swap3A_519, %swap3A_520], %mul3A_518 {strides = array<i32>} : memref<80x128xf32, #tpu.memory_space<vmem>>, vector<16xf32>,
        %get3A_522 = arith.index_cast %add3A_498 : i32 to index
        %get3A_523 = arith.constant 48 : index
        %get3A_524 = tpu.vector_load %arg7[%get3A_522, %get3A_523] {strides = array<i32>} : memref<80x128xf32, #tpu.memory_space<vmem>>, vector<16xf32>,
        %mul3A_525 = arith.mulf %get3A_524, %gather3A_500 : vector<16xf32>
        %swap3A_526 = arith.index_cast %add3A_498 : i32 to index
        %swap3A_527 = arith.constant 48 : index
        %swap3A_528 = tpu.vector_load %arg7[%swap3A_526, %swap3A_527] {strides = array<i32>} : memref<80x128xf32, #tpu.memory_space<vmem>>, vector<16xf32>,
        tpu.vector_store %arg7[%swap3A_526, %swap3A_527], %mul3A_525 {strides = array<i32>} : memref<80x128xf32, #tpu.memory_space<vmem>>, vector<16xf32>,
        %get3A_529 = arith.index_cast %add3A_498 : i32 to index
        %get3A_530 = arith.constant 64 : index
        %get3A_531 = tpu.vector_load %arg7[%get3A_529, %get3A_530] {strides = array<i32>} : memref<80x128xf32, #tpu.memory_space<vmem>>, vector<16xf32>,
        %mul3A_532 = arith.mulf %get3A_531, %gather3A_500 : vector<16xf32>
        %swap3A_533 = arith.index_cast %add3A_498 : i32 to index
        %swap3A_534 = arith.constant 64 : index
        %swap3A_535 = tpu.vector_load %arg7[%swap3A_533, %swap3A_534] {strides = array<i32>} : memref<80x128xf32, #tpu.memory_space<vmem>>, vector<16xf32>,
        tpu.vector_store %arg7[%swap3A_533, %swap3A_534], %mul3A_532 {strides = array<i32>} : memref<80x128xf32, #tpu.memory_space<vmem>>, vector<16xf32>,
        %get3A_536 = arith.index_cast %add3A_498 : i32 to index
        %get3A_537 = arith.constant 80 : index
        %get3A_538 = tpu.vector_load %arg7[%get3A_536, %get3A_537] {strides = array<i32>} : memref<80x128xf32, #tpu.memory_space<vmem>>, vector<16xf32>,
        %mul3A_539 = arith.mulf %get3A_538, %gather3A_500 : vector<16xf32>
        %swap3A_540 = arith.index_cast %add3A_498 : i32 to index
        %swap3A_541 = arith.constant 80 : index
        %swap3A_542 = tpu.vector_load %arg7[%swap3A_540, %swap3A_541] {strides = array<i32>} : memref<80x128xf32, #tpu.memory_space<vmem>>, vector<16xf32>,
        tpu.vector_store %arg7[%swap3A_540, %swap3A_541], %mul3A_539 {strides = array<i32>} : memref<80x128xf32, #tpu.memory_space<vmem>>, vector<16xf32>,
        %get3A_543 = arith.index_cast %add3A_498 : i32 to index
        %get3A_544 = arith.constant 96 : index
        %get3A_545 = tpu.vector_load %arg7[%get3A_543, %get3A_544] {strides = array<i32>} : memref<80x128xf32, #tpu.memory_space<vmem>>, vector<16xf32>,
        %mul3A_546 = arith.mulf %get3A_545, %gather3A_500 : vector<16xf32>
        %swap3A_547 = arith.index_cast %add3A_498 : i32 to index
        %swap3A_548 = arith.constant 96 : index
        %swap3A_549 = tpu.vector_load %arg7[%swap3A_547, %swap3A_548] {strides = array<i32>} : memref<80x128xf32, #tpu.memory_space<vmem>>, vector<16xf32>,
        tpu.vector_store %arg7[%swap3A_547, %swap3A_548], %mul3A_546 {strides = array<i32>} : memref<80x128xf32, #tpu.memory_space<vmem>>, vector<16xf32>,
        %get3A_550 = arith.index_cast %add3A_498 : i32 to index
        %get3A_551 = arith.constant 112 : index
        %get3A_552 = tpu.vector_load %arg7[%get3A_550, %get3A_551] {strides = array<i32>} : memref<80x128xf32, #tpu.memory_space<vmem>>, vector<16xf32>,
        %mul3A_553 = arith.mulf %get3A_552, %gather3A_500 : vector<16xf32>
        %swap3A_554 = arith.index_cast %add3A_498 : i32 to index
        %swap3A_555 = arith.constant 112 : index
        %swap3A_556 = tpu.vector_load %arg7[%swap3A_554, %swap3A_555] {strides = array<i32>} : memref<80x128xf32, #tpu.memory_space<vmem>>, vector<16xf32>,
        tpu.vector_store %arg7[%swap3A_554, %swap3A_555], %mul3A_553 {strides = array<i32>} : memref<80x128xf32, #tpu.memory_space<vmem>>, vector<16xf32>,
        %mul3A_557 = arith.constant 4 : i32
        %mul3A_558 = arith.muli %mul3A_557, %scan3A_371 : i32
        %add3A_559 = arith.constant 3 : i32
        %add3A_560 = arith.addi %mul3A_558, %add3A_559 : i32
        %broadcast_in_dim3A_561 = vector.broadcast %add3A_560 : i32 to vector<16xi32>
        %gather3A_562 = tpu.vector_load_idx %arg13[%broadcast_in_dim3A_561] : memref<80xf32, #tpu.memory_space<vmem>>[vector<16xi32>], vector<16xf32>,
        %get3A_563 = arith.index_cast %add3A_560 : i32 to index
        %get3A_564 = arith.constant 0 : index
        %get3A_565 = tpu.vector_load %arg7[%get3A_563, %get3A_564] {strides = array<i32>} : memref<80x128xf32, #tpu.memory_space<vmem>>, vector<16xf32>,
        %mul3A_566 = arith.mulf %get3A_565, %gather3A_562 : vector<16xf32>
        %swap3A_567 = arith.index_cast %add3A_560 : i32 to index
        %swap3A_568 = arith.constant 0 : index
        %swap3A_569 = tpu.vector_load %arg7[%swap3A_567, %swap3A_568] {strides = array<i32>} : memref<80x128xf32, #tpu.memory_space<vmem>>, vector<16xf32>,
        tpu.vector_store %arg7[%swap3A_567, %swap3A_568], %mul3A_566 {strides = array<i32>} : memref<80x128xf32, #tpu.memory_space<vmem>>, vector<16xf32>,
        %get3A_570 = arith.index_cast %add3A_560 : i32 to index
        %get3A_571 = arith.constant 16 : index
        %get3A_572 = tpu.vector_load %arg7[%get3A_570, %get3A_571] {strides = array<i32>} : memref<80x128xf32, #tpu.memory_space<vmem>>, vector<16xf32>,
        %mul3A_573 = arith.mulf %get3A_572, %gather3A_562 : vector<16xf32>
        %swap3A_574 = arith.index_cast %add3A_560 : i32 to index
        %swap3A_575 = arith.constant 16 : index
        %swap3A_576 = tpu.vector_load %arg7[%swap3A_574, %swap3A_575] {strides = array<i32>} : memref<80x128xf32, #tpu.memory_space<vmem>>, vector<16xf32>,
        tpu.vector_store %arg7[%swap3A_574, %swap3A_575], %mul3A_573 {strides = array<i32>} : memref<80x128xf32, #tpu.memory_space<vmem>>, vector<16xf32>,
        %get3A_577 = arith.index_cast %add3A_560 : i32 to index
        %get3A_578 = arith.constant 32 : index
        %get3A_579 = tpu.vector_load %arg7[%get3A_577, %get3A_578] {strides = array<i32>} : memref<80x128xf32, #tpu.memory_space<vmem>>, vector<16xf32>,
        %mul3A_580 = arith.mulf %get3A_579, %gather3A_562 : vector<16xf32>
        %swap3A_581 = arith.index_cast %add3A_560 : i32 to index
        %swap3A_582 = arith.constant 32 : index
        %swap3A_583 = tpu.vector_load %arg7[%swap3A_581, %swap3A_582] {strides = array<i32>} : memref<80x128xf32, #tpu.memory_space<vmem>>, vector<16xf32>,
        tpu.vector_store %arg7[%swap3A_581, %swap3A_582], %mul3A_580 {strides = array<i32>} : memref<80x128xf32, #tpu.memory_space<vmem>>, vector<16xf32>,
        %get3A_584 = arith.index_cast %add3A_560 : i32 to index
        %get3A_585 = arith.constant 48 : index
        %get3A_586 = tpu.vector_load %arg7[%get3A_584, %get3A_585] {strides = array<i32>} : memref<80x128xf32, #tpu.memory_space<vmem>>, vector<16xf32>,
        %mul3A_587 = arith.mulf %get3A_586, %gather3A_562 : vector<16xf32>
        %swap3A_588 = arith.index_cast %add3A_560 : i32 to index
        %swap3A_589 = arith.constant 48 : index
        %swap3A_590 = tpu.vector_load %arg7[%swap3A_588, %swap3A_589] {strides = array<i32>} : memref<80x128xf32, #tpu.memory_space<vmem>>, vector<16xf32>,
        tpu.vector_store %arg7[%swap3A_588, %swap3A_589], %mul3A_587 {strides = array<i32>} : memref<80x128xf32, #tpu.memory_space<vmem>>, vector<16xf32>,
        %get3A_591 = arith.index_cast %add3A_560 : i32 to index
        %get3A_592 = arith.constant 64 : index
        %get3A_593 = tpu.vector_load %arg7[%get3A_591, %get3A_592] {strides = array<i32>} : memref<80x128xf32, #tpu.memory_space<vmem>>, vector<16xf32>,
        %mul3A_594 = arith.mulf %get3A_593, %gather3A_562 : vector<16xf32>
        %swap3A_595 = arith.index_cast %add3A_560 : i32 to index
        %swap3A_596 = arith.constant 64 : index
        %swap3A_597 = tpu.vector_load %arg7[%swap3A_595, %swap3A_596] {strides = array<i32>} : memref<80x128xf32, #tpu.memory_space<vmem>>, vector<16xf32>,
        tpu.vector_store %arg7[%swap3A_595, %swap3A_596], %mul3A_594 {strides = array<i32>} : memref<80x128xf32, #tpu.memory_space<vmem>>, vector<16xf32>,
        %get3A_598 = arith.index_cast %add3A_560 : i32 to index
        %get3A_599 = arith.constant 80 : index
        %get3A_600 = tpu.vector_load %arg7[%get3A_598, %get3A_599] {strides = array<i32>} : memref<80x128xf32, #tpu.memory_space<vmem>>, vector<16xf32>,
        %mul3A_601 = arith.mulf %get3A_600, %gather3A_562 : vector<16xf32>
        %swap3A_602 = arith.index_cast %add3A_560 : i32 to index
        %swap3A_603 = arith.constant 80 : index
        %swap3A_604 = tpu.vector_load %arg7[%swap3A_602, %swap3A_603] {strides = array<i32>} : memref<80x128xf32, #tpu.memory_space<vmem>>, vector<16xf32>,
        tpu.vector_store %arg7[%swap3A_602, %swap3A_603], %mul3A_601 {strides = array<i32>} : memref<80x128xf32, #tpu.memory_space<vmem>>, vector<16xf32>,
        %get3A_605 = arith.index_cast %add3A_560 : i32 to index
        %get3A_606 = arith.constant 96 : index
        %get3A_607 = tpu.vector_load %arg7[%get3A_605, %get3A_606] {strides = array<i32>} : memref<80x128xf32, #tpu.memory_space<vmem>>, vector<16xf32>,
        %mul3A_608 = arith.mulf %get3A_607, %gather3A_562 : vector<16xf32>
        %swap3A_609 = arith.index_cast %add3A_560 : i32 to index
        %swap3A_610 = arith.constant 96 : index
        %swap3A_611 = tpu.vector_load %arg7[%swap3A_609, %swap3A_610] {strides = array<i32>} : memref<80x128xf32, #tpu.memory_space<vmem>>, vector<16xf32>,
        tpu.vector_store %arg7[%swap3A_609, %swap3A_610], %mul3A_608 {strides = array<i32>} : memref<80x128xf32, #tpu.memory_space<vmem>>, vector<16xf32>,
        %get3A_612 = arith.index_cast %add3A_560 : i32 to index
        %get3A_613 = arith.constant 112 : index
        %get3A_614 = tpu.vector_load %arg7[%get3A_612, %get3A_613] {strides = array<i32>} : memref<80x128xf32, #tpu.memory_space<vmem>>, vector<16xf32>,
        %mul3A_615 = arith.mulf %get3A_614, %gather3A_562 : vector<16xf32>
        %swap3A_616 = arith.index_cast %add3A_560 : i32 to index
        %swap3A_617 = arith.constant 112 : index
        %swap3A_618 = tpu.vector_load %arg7[%swap3A_616, %swap3A_617] {strides = array<i32>} : memref<80x128xf32, #tpu.memory_space<vmem>>, vector<16xf32>,
        tpu.vector_store %arg7[%swap3A_616, %swap3A_617], %mul3A_615 {strides = array<i32>} : memref<80x128xf32, #tpu.memory_space<vmem>>, vector<16xf32>,
      }
      %scan3A_276 = arith.constant 20 : i32
      %dma_start3A_277 = arith.constant 0 : i32
      %dma_start3A_278 = arith.constant 0 : i32
      %dma_start3A_279 = tpu.memref_slice %arg5[%dma_start3A_277, %dma_start3A_278] : memref<10000x128xf32, #tpu.memory_space<vmem_shared>> -> memref<10000x128xf32, #tpu.memory_space<vmem_shared>>
      tpu.enqueue_indirect_dma source(%arg7 : memref<80x128xf32, #tpu.memory_space<vmem>>) target(%dma_start3A_279 : memref<10000x128xf32, #tpu.memory_space<vmem_shared>>) offsets(%arg11 : memref<80xi32, #tpu.memory_space<vmem>>) semaphore(%arg19 : memref<!tpu.dma_semaphore, #tpu.memory_space<semaphore_mem>>) {add = true}
      %mul3A_280 = arith.constant 2 : i32
      %mul3A_281 = arith.muli %mul3A_280, %scan3A_170 : i32
      %add3A_282 = arith.constant 2 : i32
      %add3A_283 = arith.addi %mul3A_281, %add3A_282 : i32
      %dma_wait3A_284 = arith.constant 0 : i32
      %dma_wait3A_285 = arith.constant 0 : i32
      %dma_wait3A_286 = tpu.memref_slice %arg8[%dma_wait3A_284, %dma_wait3A_285] : memref<3x80xi32, #tpu.memory_space<vmem>> -> memref<1x80xi32, #tpu.memory_space<vmem>>
      %dma_wait3A_287 = tpu.memref_squeeze %dma_wait3A_286 : memref<1x80xi32, #tpu.memory_space<vmem>> -> memref<80xi32, #tpu.memory_space<vmem>>
      %dma_wait3A_288 = arith.constant 0 : i32
      %dma_wait3A_289 = arith.constant 0 : i32
      %dma_wait3A_290 = tpu.memref_slice %arg2[%dma_wait3A_288, %dma_wait3A_289] : memref<80000x128xf32, #tpu.memory_space<hbm>> -> memref<80000x128xf32, #tpu.memory_space<hbm>>
      tpu.wait_indirect_dma semaphore(%arg15 : memref<!tpu.dma_semaphore, #tpu.memory_space<semaphore_mem>>) src(%dma_wait3A_290 : memref<80000x128xf32, #tpu.memory_space<hbm>>) dst(%arg6 : memref<80x128xf32, #tpu.memory_space<vmem>>)
      %get3A_291 = arith.constant 1 : i32
      %get3A_292 = arith.index_cast %get3A_291 : i32 to index
      %get3A_293 = arith.constant 0 : index
      %get3A_294 = tpu.vector_load %arg8[%get3A_292, %get3A_293] {strides = array<i32>} : memref<3x80xi32, #tpu.memory_space<vmem>>, vector<16xi32>,
      %swap3A_295 = arith.constant 0 : index
      %swap3A_296 = tpu.vector_load %arg10[%swap3A_295] {strides = array<i32>} : memref<80xi32, #tpu.memory_space<vmem>>, vector<16xi32>,
      tpu.vector_store %arg10[%swap3A_295], %get3A_294 {strides = array<i32>} : memref<80xi32, #tpu.memory_space<vmem>>, vector<16xi32>,
      %get3A_297 = arith.constant 2 : i32
      %get3A_298 = arith.index_cast %get3A_297 : i32 to index
      %get3A_299 = arith.constant 0 : index
      %get3A_300 = tpu.vector_load %arg8[%get3A_298, %get3A_299] {strides = array<i32>} : memref<3x80xi32, #tpu.memory_space<vmem>>, vector<16xi32>,
      %bitcast3A_301 = vector.bitcast %get3A_300 : vector<16xi32> to vector<16xf32>
      %swap3A_302 = arith.constant 0 : index
      %swap3A_303 = tpu.vector_load %arg12[%swap3A_302] {strides = array<i32>} : memref<80xf32, #tpu.memory_space<vmem>>, vector<16xf32>,
      tpu.vector_store %arg12[%swap3A_302], %bitcast3A_301 {strides = array<i32>} : memref<80xf32, #tpu.memory_space<vmem>>, vector<16xf32>,
      %get3A_304 = arith.constant 1 : i32
      %get3A_305 = arith.index_cast %get3A_304 : i32 to index
      %get3A_306 = arith.constant 16 : index
      %get3A_307 = tpu.vector_load %arg8[%get3A_305, %get3A_306] {strides = array<i32>} : memref<3x80xi32, #tpu.memory_space<vmem>>, vector<16xi32>,
      %swap3A_308 = arith.constant 16 : index
      %swap3A_309 = tpu.vector_load %arg10[%swap3A_308] {strides = array<i32>} : memref<80xi32, #tpu.memory_space<vmem>>, vector<16xi32>,
      tpu.vector_store %arg10[%swap3A_308], %get3A_307 {strides = array<i32>} : memref<80xi32, #tpu.memory_space<vmem>>, vector<16xi32>,
      %get3A_310 = arith.constant 2 : i32
      %get3A_311 = arith.index_cast %get3A_310 : i32 to index
      %get3A_312 = arith.constant 16 : index
      %get3A_313 = tpu.vector_load %arg8[%get3A_311, %get3A_312] {strides = array<i32>} : memref<3x80xi32, #tpu.memory_space<vmem>>, vector<16xi32>,
      %bitcast3A_314 = vector.bitcast %get3A_313 : vector<16xi32> to vector<16xf32>
      %swap3A_315 = arith.constant 16 : index
      %swap3A_316 = tpu.vector_load %arg12[%swap3A_315] {strides = array<i32>} : memref<80xf32, #tpu.memory_space<vmem>>, vector<16xf32>,
      tpu.vector_store %arg12[%swap3A_315], %bitcast3A_314 {strides = array<i32>} : memref<80xf32, #tpu.memory_space<vmem>>, vector<16xf32>,
      %get3A_317 = arith.constant 1 : i32
      %get3A_318 = arith.index_cast %get3A_317 : i32 to index
      %get3A_319 = arith.constant 32 : index
      %get3A_320 = tpu.vector_load %arg8[%get3A_318, %get3A_319] {strides = array<i32>} : memref<3x80xi32, #tpu.memory_space<vmem>>, vector<16xi32>,
      %swap3A_321 = arith.constant 32 : index
      %swap3A_322 = tpu.vector_load %arg10[%swap3A_321] {strides = array<i32>} : memref<80xi32, #tpu.memory_space<vmem>>, vector<16xi32>,
      tpu.vector_store %arg10[%swap3A_321], %get3A_320 {strides = array<i32>} : memref<80xi32, #tpu.memory_space<vmem>>, vector<16xi32>,
      %get3A_323 = arith.constant 2 : i32
      %get3A_324 = arith.index_cast %get3A_323 : i32 to index
      %get3A_325 = arith.constant 32 : index
      %get3A_326 = tpu.vector_load %arg8[%get3A_324, %get3A_325] {strides = array<i32>} : memref<3x80xi32, #tpu.memory_space<vmem>>, vector<16xi32>,
      %bitcast3A_327 = vector.bitcast %get3A_326 : vector<16xi32> to vector<16xf32>
      %swap3A_328 = arith.constant 32 : index
      %swap3A_329 = tpu.vector_load %arg12[%swap3A_328] {strides = array<i32>} : memref<80xf32, #tpu.memory_space<vmem>>, vector<16xf32>,
      tpu.vector_store %arg12[%swap3A_328], %bitcast3A_327 {strides = array<i32>} : memref<80xf32, #tpu.memory_space<vmem>>, vector<16xf32>,
      %get3A_330 = arith.constant 1 : i32
      %get3A_331 = arith.index_cast %get3A_330 : i32 to index
      %get3A_332 = arith.constant 48 : index
      %get3A_333 = tpu.vector_load %arg8[%get3A_331, %get3A_332] {strides = array<i32>} : memref<3x80xi32, #tpu.memory_space<vmem>>, vector<16xi32>,
      %swap3A_334 = arith.constant 48 : index
      %swap3A_335 = tpu.vector_load %arg10[%swap3A_334] {strides = array<i32>} : memref<80xi32, #tpu.memory_space<vmem>>, vector<16xi32>,
      tpu.vector_store %arg10[%swap3A_334], %get3A_333 {strides = array<i32>} : memref<80xi32, #tpu.memory_space<vmem>>, vector<16xi32>,
      %get3A_336 = arith.constant 2 : i32
      %get3A_337 = arith.index_cast %get3A_336 : i32 to index
      %get3A_338 = arith.constant 48 : index
      %get3A_339 = tpu.vector_load %arg8[%get3A_337, %get3A_338] {strides = array<i32>} : memref<3x80xi32, #tpu.memory_space<vmem>>, vector<16xi32>,
      %bitcast3A_340 = vector.bitcast %get3A_339 : vector<16xi32> to vector<16xf32>
      %swap3A_341 = arith.constant 48 : index
      %swap3A_342 = tpu.vector_load %arg12[%swap3A_341] {strides = array<i32>} : memref<80xf32, #tpu.memory_space<vmem>>, vector<16xf32>,
      tpu.vector_store %arg12[%swap3A_341], %bitcast3A_340 {strides = array<i32>} : memref<80xf32, #tpu.memory_space<vmem>>, vector<16xf32>,
      %get3A_343 = arith.constant 1 : i32
      %get3A_344 = arith.index_cast %get3A_343 : i32 to index
      %get3A_345 = arith.constant 64 : index
      %get3A_346 = tpu.vector_load %arg8[%get3A_344, %get3A_345] {strides = array<i32>} : memref<3x80xi32, #tpu.memory_space<vmem>>, vector<16xi32>,
      %swap3A_347 = arith.constant 64 : index
      %swap3A_348 = tpu.vector_load %arg10[%swap3A_347] {strides = array<i32>} : memref<80xi32, #tpu.memory_space<vmem>>, vector<16xi32>,
      tpu.vector_store %arg10[%swap3A_347], %get3A_346 {strides = array<i32>} : memref<80xi32, #tpu.memory_space<vmem>>, vector<16xi32>,
      %get3A_349 = arith.constant 2 : i32
      %get3A_350 = arith.index_cast %get3A_349 : i32 to index
      %get3A_351 = arith.constant 64 : index
      %get3A_352 = tpu.vector_load %arg8[%get3A_350, %get3A_351] {strides = array<i32>} : memref<3x80xi32, #tpu.memory_space<vmem>>, vector<16xi32>,
      %bitcast3A_353 = vector.bitcast %get3A_352 : vector<16xi32> to vector<16xf32>
      %swap3A_354 = arith.constant 64 : index
      %swap3A_355 = tpu.vector_load %arg12[%swap3A_354] {strides = array<i32>} : memref<80xf32, #tpu.memory_space<vmem>>, vector<16xf32>,
      tpu.vector_store %arg12[%swap3A_354], %bitcast3A_353 {strides = array<i32>} : memref<80xf32, #tpu.memory_space<vmem>>, vector<16xf32>,
      %convert_element_type3A_356 = arith.extui %lt3A_171 : i1 to i32
      %cond3A_357 = arith.constant 0 : i32
      %cond3A_358 = arith.cmpi ne, %convert_element_type3A_356, %cond3A_357 : i32
      scf.if %cond3A_358 {
        %add3A_371 = arith.constant 2 : i32
        %add3A_372 = arith.addi %add3A_283, %add3A_371 : i32
        %dma_start3A_373 = arith.constant 0 : i32
        %dma_start3A_374 = arith.constant 0 : i32
        %dma_start3A_375 = tpu.memref_slice %arg3[%add3A, %add3A_372, %dma_start3A_373, %dma_start3A_374] : memref<32x125x3x80xi32, #tpu.memory_space<hbm>> -> memref<1x1x3x80xi32, #tpu.memory_space<hbm>>
        %dma_start3A_376 = tpu.memref_squeeze %dma_start3A_375 : memref<1x1x3x80xi32, #tpu.memory_space<hbm>> -> memref<3x80xi32, #tpu.memory_space<hbm>>
        %dma_start3A_377 = arith.constant 0 : i32
        %dma_start3A_378 = arith.constant 0 : i32
        %dma_start3A_379 = tpu.memref_slice %arg3[%add3A, %add3A_372, %dma_start3A_377, %dma_start3A_378] : memref<32x125x3x80xi32, #tpu.memory_space<hbm>> -> memref<1x1x3x80xi32, #tpu.memory_space<hbm>>
        %dma_start3A_380 = tpu.memref_squeeze %dma_start3A_379 : memref<1x1x3x80xi32, #tpu.memory_space<hbm>> -> memref<3x80xi32, #tpu.memory_space<hbm>>
        tpu.enqueue_dma source(%dma_start3A_380 : memref<3x80xi32, #tpu.memory_space<hbm>>) target(%arg8 : memref<3x80xi32, #tpu.memory_space<vmem>>) target_semaphore(%arg16 : memref<!tpu.dma_semaphore, #tpu.memory_space<semaphore_mem>>)
      } else {
      }
      %convert_element_type3A_359 = arith.extui %lt3A_171 : i1 to i32
      %cond3A_360 = arith.constant 0 : i32
      %cond3A_361 = arith.cmpi ne, %convert_element_type3A_359, %cond3A_360 : i32
      scf.if %cond3A_361 {
        %add3A_371 = arith.constant 1 : i32
        %add3A_372 = arith.addi %add3A_283, %add3A_371 : i32
        %dma_wait3A_373 = arith.constant 0 : i32
        %dma_wait3A_374 = arith.constant 0 : i32
        %dma_wait3A_375 = tpu.memref_slice %arg3[%add3A, %add3A_372, %dma_wait3A_373, %dma_wait3A_374] : memref<32x125x3x80xi32, #tpu.memory_space<hbm>> -> memref<1x1x3x80xi32, #tpu.memory_space<hbm>>
        %dma_wait3A_376 = tpu.memref_squeeze %dma_wait3A_375 : memref<1x1x3x80xi32, #tpu.memory_space<hbm>> -> memref<3x80xi32, #tpu.memory_space<hbm>>
        %dma_wait3A_377 = arith.constant 0 : i32
        %dma_wait3A_378 = arith.constant 0 : i32
        %dma_wait3A_379 = tpu.memref_slice %arg3[%add3A, %add3A_372, %dma_wait3A_377, %dma_wait3A_378] : memref<32x125x3x80xi32, #tpu.memory_space<hbm>> -> memref<1x1x3x80xi32, #tpu.memory_space<hbm>>
        %dma_wait3A_380 = tpu.memref_squeeze %dma_wait3A_379 : memref<1x1x3x80xi32, #tpu.memory_space<hbm>> -> memref<3x80xi32, #tpu.memory_space<hbm>>
        tpu.wait_dma2 semaphore(%arg17 : memref<!tpu.dma_semaphore, #tpu.memory_space<semaphore_mem>>) src(%dma_wait3A_380 : memref<3x80xi32, #tpu.memory_space<hbm>>) dst(%arg9 : memref<3x80xi32, #tpu.memory_space<vmem>>)
        %dma_wait3A_381 = arith.constant 0 : i32
        %dma_wait3A_382 = arith.constant 0 : i32
        %dma_wait3A_383 = tpu.memref_slice %arg5[%dma_wait3A_381, %dma_wait3A_382] : memref<10000x128xf32, #tpu.memory_space<vmem_shared>> -> memref<10000x128xf32, #tpu.memory_space<vmem_shared>>
        tpu.wait_indirect_dma semaphore(%arg19 : memref<!tpu.dma_semaphore, #tpu.memory_space<semaphore_mem>>) src(%arg7 : memref<80x128xf32, #tpu.memory_space<vmem>>) dst(%dma_wait3A_383 : memref<10000x128xf32, #tpu.memory_space<vmem_shared>>)
        %dma_start3A_384 = arith.constant 0 : i32
        %dma_start3A_385 = arith.constant 0 : i32
        %dma_start3A_386 = tpu.memref_slice %arg9[%dma_start3A_384, %dma_start3A_385] : memref<3x80xi32, #tpu.memory_space<vmem>> -> memref<1x80xi32, #tpu.memory_space<vmem>>
        %dma_start3A_387 = tpu.memref_squeeze %dma_start3A_386 : memref<1x80xi32, #tpu.memory_space<vmem>> -> memref<80xi32, #tpu.memory_space<vmem>>
        %dma_start3A_388 = arith.constant 0 : i32
        %dma_start3A_389 = arith.constant 0 : i32
        %dma_start3A_390 = tpu.memref_slice %arg2[%dma_start3A_388, %dma_start3A_389] : memref<80000x128xf32, #tpu.memory_space<hbm>> -> memref<80000x128xf32, #tpu.memory_space<hbm>>
        tpu.enqueue_indirect_dma source(%dma_start3A_390 : memref<80000x128xf32, #tpu.memory_space<hbm>>) target(%arg7 : memref<80x128xf32, #tpu.memory_space<vmem>>) offsets(%dma_start3A_387 : memref<80xi32, #tpu.memory_space<vmem>>) semaphore(%arg15 : memref<!tpu.dma_semaphore, #tpu.memory_space<semaphore_mem>>)
      } else {
      }
      %scan3A_362 = arith.constant 0 : i32
      %scan3A_363 = arith.constant 0 : i32
      %scan3A_364 = arith.constant 20 : i32
      %scan3A_365 = arith.addi %scan3A_363, %scan3A_364 : i32
      %scan3A_366 = arith.constant 1 : i32
      scf.for %scan3A_371 = %scan3A_363 to %scan3A_365 step %scan3A_366  : i32 {
        %mul3A_372 = arith.constant 4 : i32
        %mul3A_373 = arith.muli %mul3A_372, %scan3A_371 : i32
        %add3A_374 = arith.constant 0 : i32
        %add3A_375 = arith.addi %mul3A_373, %add3A_374 : i32
        %broadcast_in_dim3A_376 = vector.broadcast %add3A_375 : i32 to vector<16xi32>
        %gather3A = tpu.vector_load_idx %arg12[%broadcast_in_dim3A_376] : memref<80xf32, #tpu.memory_space<vmem>>[vector<16xi32>], vector<16xf32>,
        %get3A_377 = arith.index_cast %add3A_375 : i32 to index
        %get3A_378 = arith.constant 0 : index
        %get3A_379 = tpu.vector_load %arg6[%get3A_377, %get3A_378] {strides = array<i32>} : memref<80x128xf32, #tpu.memory_space<vmem>>, vector<16xf32>,
        %mul3A_380 = arith.mulf %get3A_379, %gather3A : vector<16xf32>
        %swap3A_381 = arith.index_cast %add3A_375 : i32 to index
        %swap3A_382 = arith.constant 0 : index
        %swap3A_383 = tpu.vector_load %arg6[%swap3A_381, %swap3A_382] {strides = array<i32>} : memref<80x128xf32, #tpu.memory_space<vmem>>, vector<16xf32>,
        tpu.vector_store %arg6[%swap3A_381, %swap3A_382], %mul3A_380 {strides = array<i32>} : memref<80x128xf32, #tpu.memory_space<vmem>>, vector<16xf32>,
        %get3A_384 = arith.index_cast %add3A_375 : i32 to index
        %get3A_385 = arith.constant 16 : index
        %get3A_386 = tpu.vector_load %arg6[%get3A_384, %get3A_385] {strides = array<i32>} : memref<80x128xf32, #tpu.memory_space<vmem>>, vector<16xf32>,
        %mul3A_387 = arith.mulf %get3A_386, %gather3A : vector<16xf32>
        %swap3A_388 = arith.index_cast %add3A_375 : i32 to index
        %swap3A_389 = arith.constant 16 : index
        %swap3A_390 = tpu.vector_load %arg6[%swap3A_388, %swap3A_389] {strides = array<i32>} : memref<80x128xf32, #tpu.memory_space<vmem>>, vector<16xf32>,
        tpu.vector_store %arg6[%swap3A_388, %swap3A_389], %mul3A_387 {strides = array<i32>} : memref<80x128xf32, #tpu.memory_space<vmem>>, vector<16xf32>,
        %get3A_391 = arith.index_cast %add3A_375 : i32 to index
        %get3A_392 = arith.constant 32 : index
        %get3A_393 = tpu.vector_load %arg6[%get3A_391, %get3A_392] {strides = array<i32>} : memref<80x128xf32, #tpu.memory_space<vmem>>, vector<16xf32>,
        %mul3A_394 = arith.mulf %get3A_393, %gather3A : vector<16xf32>
        %swap3A_395 = arith.index_cast %add3A_375 : i32 to index
        %swap3A_396 = arith.constant 32 : index
        %swap3A_397 = tpu.vector_load %arg6[%swap3A_395, %swap3A_396] {strides = array<i32>} : memref<80x128xf32, #tpu.memory_space<vmem>>, vector<16xf32>,
        tpu.vector_store %arg6[%swap3A_395, %swap3A_396], %mul3A_394 {strides = array<i32>} : memref<80x128xf32, #tpu.memory_space<vmem>>, vector<16xf32>,
        %get3A_398 = arith.index_cast %add3A_375 : i32 to index
        %get3A_399 = arith.constant 48 : index
        %get3A_400 = tpu.vector_load %arg6[%get3A_398, %get3A_399] {strides = array<i32>} : memref<80x128xf32, #tpu.memory_space<vmem>>, vector<16xf32>,
        %mul3A_401 = arith.mulf %get3A_400, %gather3A : vector<16xf32>
        %swap3A_402 = arith.index_cast %add3A_375 : i32 to index
        %swap3A_403 = arith.constant 48 : index
        %swap3A_404 = tpu.vector_load %arg6[%swap3A_402, %swap3A_403] {strides = array<i32>} : memref<80x128xf32, #tpu.memory_space<vmem>>, vector<16xf32>,
        tpu.vector_store %arg6[%swap3A_402, %swap3A_403], %mul3A_401 {strides = array<i32>} : memref<80x128xf32, #tpu.memory_space<vmem>>, vector<16xf32>,
        %get3A_405 = arith.index_cast %add3A_375 : i32 to index
        %get3A_406 = arith.constant 64 : index
        %get3A_407 = tpu.vector_load %arg6[%get3A_405, %get3A_406] {strides = array<i32>} : memref<80x128xf32, #tpu.memory_space<vmem>>, vector<16xf32>,
        %mul3A_408 = arith.mulf %get3A_407, %gather3A : vector<16xf32>
        %swap3A_409 = arith.index_cast %add3A_375 : i32 to index
        %swap3A_410 = arith.constant 64 : index
        %swap3A_411 = tpu.vector_load %arg6[%swap3A_409, %swap3A_410] {strides = array<i32>} : memref<80x128xf32, #tpu.memory_space<vmem>>, vector<16xf32>,
        tpu.vector_store %arg6[%swap3A_409, %swap3A_410], %mul3A_408 {strides = array<i32>} : memref<80x128xf32, #tpu.memory_space<vmem>>, vector<16xf32>,
        %get3A_412 = arith.index_cast %add3A_375 : i32 to index
        %get3A_413 = arith.constant 80 : index
        %get3A_414 = tpu.vector_load %arg6[%get3A_412, %get3A_413] {strides = array<i32>} : memref<80x128xf32, #tpu.memory_space<vmem>>, vector<16xf32>,
        %mul3A_415 = arith.mulf %get3A_414, %gather3A : vector<16xf32>
        %swap3A_416 = arith.index_cast %add3A_375 : i32 to index
        %swap3A_417 = arith.constant 80 : index
        %swap3A_418 = tpu.vector_load %arg6[%swap3A_416, %swap3A_417] {strides = array<i32>} : memref<80x128xf32, #tpu.memory_space<vmem>>, vector<16xf32>,
        tpu.vector_store %arg6[%swap3A_416, %swap3A_417], %mul3A_415 {strides = array<i32>} : memref<80x128xf32, #tpu.memory_space<vmem>>, vector<16xf32>,
        %get3A_419 = arith.index_cast %add3A_375 : i32 to index
        %get3A_420 = arith.constant 96 : index
        %get3A_421 = tpu.vector_load %arg6[%get3A_419, %get3A_420] {strides = array<i32>} : memref<80x128xf32, #tpu.memory_space<vmem>>, vector<16xf32>,
        %mul3A_422 = arith.mulf %get3A_421, %gather3A : vector<16xf32>
        %swap3A_423 = arith.index_cast %add3A_375 : i32 to index
        %swap3A_424 = arith.constant 96 : index
        %swap3A_425 = tpu.vector_load %arg6[%swap3A_423, %swap3A_424] {strides = array<i32>} : memref<80x128xf32, #tpu.memory_space<vmem>>, vector<16xf32>,
        tpu.vector_store %arg6[%swap3A_423, %swap3A_424], %mul3A_422 {strides = array<i32>} : memref<80x128xf32, #tpu.memory_space<vmem>>, vector<16xf32>,
        %get3A_426 = arith.index_cast %add3A_375 : i32 to index
        %get3A_427 = arith.constant 112 : index
        %get3A_428 = tpu.vector_load %arg6[%get3A_426, %get3A_427] {strides = array<i32>} : memref<80x128xf32, #tpu.memory_space<vmem>>, vector<16xf32>,
        %mul3A_429 = arith.mulf %get3A_428, %gather3A : vector<16xf32>
        %swap3A_430 = arith.index_cast %add3A_375 : i32 to index
        %swap3A_431 = arith.constant 112 : index
        %swap3A_432 = tpu.vector_load %arg6[%swap3A_430, %swap3A_431] {strides = array<i32>} : memref<80x128xf32, #tpu.memory_space<vmem>>, vector<16xf32>,
        tpu.vector_store %arg6[%swap3A_430, %swap3A_431], %mul3A_429 {strides = array<i32>} : memref<80x128xf32, #tpu.memory_space<vmem>>, vector<16xf32>,
        %mul3A_433 = arith.constant 4 : i32
        %mul3A_434 = arith.muli %mul3A_433, %scan3A_371 : i32
        %add3A_435 = arith.constant 1 : i32
        %add3A_436 = arith.addi %mul3A_434, %add3A_435 : i32
        %broadcast_in_dim3A_437 = vector.broadcast %add3A_436 : i32 to vector<16xi32>
        %gather3A_438 = tpu.vector_load_idx %arg12[%broadcast_in_dim3A_437] : memref<80xf32, #tpu.memory_space<vmem>>[vector<16xi32>], vector<16xf32>,
        %get3A_439 = arith.index_cast %add3A_436 : i32 to index
        %get3A_440 = arith.constant 0 : index
        %get3A_441 = tpu.vector_load %arg6[%get3A_439, %get3A_440] {strides = array<i32>} : memref<80x128xf32, #tpu.memory_space<vmem>>, vector<16xf32>,
        %mul3A_442 = arith.mulf %get3A_441, %gather3A_438 : vector<16xf32>
        %swap3A_443 = arith.index_cast %add3A_436 : i32 to index
        %swap3A_444 = arith.constant 0 : index
        %swap3A_445 = tpu.vector_load %arg6[%swap3A_443, %swap3A_444] {strides = array<i32>} : memref<80x128xf32, #tpu.memory_space<vmem>>, vector<16xf32>,
        tpu.vector_store %arg6[%swap3A_443, %swap3A_444], %mul3A_442 {strides = array<i32>} : memref<80x128xf32, #tpu.memory_space<vmem>>, vector<16xf32>,
        %get3A_446 = arith.index_cast %add3A_436 : i32 to index
        %get3A_447 = arith.constant 16 : index
        %get3A_448 = tpu.vector_load %arg6[%get3A_446, %get3A_447] {strides = array<i32>} : memref<80x128xf32, #tpu.memory_space<vmem>>, vector<16xf32>,
        %mul3A_449 = arith.mulf %get3A_448, %gather3A_438 : vector<16xf32>
        %swap3A_450 = arith.index_cast %add3A_436 : i32 to index
        %swap3A_451 = arith.constant 16 : index
        %swap3A_452 = tpu.vector_load %arg6[%swap3A_450, %swap3A_451] {strides = array<i32>} : memref<80x128xf32, #tpu.memory_space<vmem>>, vector<16xf32>,
        tpu.vector_store %arg6[%swap3A_450, %swap3A_451], %mul3A_449 {strides = array<i32>} : memref<80x128xf32, #tpu.memory_space<vmem>>, vector<16xf32>,
        %get3A_453 = arith.index_cast %add3A_436 : i32 to index
        %get3A_454 = arith.constant 32 : index
        %get3A_455 = tpu.vector_load %arg6[%get3A_453, %get3A_454] {strides = array<i32>} : memref<80x128xf32, #tpu.memory_space<vmem>>, vector<16xf32>,
        %mul3A_456 = arith.mulf %get3A_455, %gather3A_438 : vector<16xf32>
        %swap3A_457 = arith.index_cast %add3A_436 : i32 to index
        %swap3A_458 = arith.constant 32 : index
        %swap3A_459 = tpu.vector_load %arg6[%swap3A_457, %swap3A_458] {strides = array<i32>} : memref<80x128xf32, #tpu.memory_space<vmem>>, vector<16xf32>,
        tpu.vector_store %arg6[%swap3A_457, %swap3A_458], %mul3A_456 {strides = array<i32>} : memref<80x128xf32, #tpu.memory_space<vmem>>, vector<16xf32>,
        %get3A_460 = arith.index_cast %add3A_436 : i32 to index
        %get3A_461 = arith.constant 48 : index
        %get3A_462 = tpu.vector_load %arg6[%get3A_460, %get3A_461] {strides = array<i32>} : memref<80x128xf32, #tpu.memory_space<vmem>>, vector<16xf32>,
        %mul3A_463 = arith.mulf %get3A_462, %gather3A_438 : vector<16xf32>
        %swap3A_464 = arith.index_cast %add3A_436 : i32 to index
        %swap3A_465 = arith.constant 48 : index
        %swap3A_466 = tpu.vector_load %arg6[%swap3A_464, %swap3A_465] {strides = array<i32>} : memref<80x128xf32, #tpu.memory_space<vmem>>, vector<16xf32>,
        tpu.vector_store %arg6[%swap3A_464, %swap3A_465], %mul3A_463 {strides = array<i32>} : memref<80x128xf32, #tpu.memory_space<vmem>>, vector<16xf32>,
        %get3A_467 = arith.index_cast %add3A_436 : i32 to index
        %get3A_468 = arith.constant 64 : index
        %get3A_469 = tpu.vector_load %arg6[%get3A_467, %get3A_468] {strides = array<i32>} : memref<80x128xf32, #tpu.memory_space<vmem>>, vector<16xf32>,
        %mul3A_470 = arith.mulf %get3A_469, %gather3A_438 : vector<16xf32>
        %swap3A_471 = arith.index_cast %add3A_436 : i32 to index
        %swap3A_472 = arith.constant 64 : index
        %swap3A_473 = tpu.vector_load %arg6[%swap3A_471, %swap3A_472] {strides = array<i32>} : memref<80x128xf32, #tpu.memory_space<vmem>>, vector<16xf32>,
        tpu.vector_store %arg6[%swap3A_471, %swap3A_472], %mul3A_470 {strides = array<i32>} : memref<80x128xf32, #tpu.memory_space<vmem>>, vector<16xf32>,
        %get3A_474 = arith.index_cast %add3A_436 : i32 to index
        %get3A_475 = arith.constant 80 : index
        %get3A_476 = tpu.vector_load %arg6[%get3A_474, %get3A_475] {strides = array<i32>} : memref<80x128xf32, #tpu.memory_space<vmem>>, vector<16xf32>,
        %mul3A_477 = arith.mulf %get3A_476, %gather3A_438 : vector<16xf32>
        %swap3A_478 = arith.index_cast %add3A_436 : i32 to index
        %swap3A_479 = arith.constant 80 : index
        %swap3A_480 = tpu.vector_load %arg6[%swap3A_478, %swap3A_479] {strides = array<i32>} : memref<80x128xf32, #tpu.memory_space<vmem>>, vector<16xf32>,
        tpu.vector_store %arg6[%swap3A_478, %swap3A_479], %mul3A_477 {strides = array<i32>} : memref<80x128xf32, #tpu.memory_space<vmem>>, vector<16xf32>,
        %get3A_481 = arith.index_cast %add3A_436 : i32 to index
        %get3A_482 = arith.constant 96 : index
        %get3A_483 = tpu.vector_load %arg6[%get3A_481, %get3A_482] {strides = array<i32>} : memref<80x128xf32, #tpu.memory_space<vmem>>, vector<16xf32>,
        %mul3A_484 = arith.mulf %get3A_483, %gather3A_438 : vector<16xf32>
        %swap3A_485 = arith.index_cast %add3A_436 : i32 to index
        %swap3A_486 = arith.constant 96 : index
        %swap3A_487 = tpu.vector_load %arg6[%swap3A_485, %swap3A_486] {strides = array<i32>} : memref<80x128xf32, #tpu.memory_space<vmem>>, vector<16xf32>,
        tpu.vector_store %arg6[%swap3A_485, %swap3A_486], %mul3A_484 {strides = array<i32>} : memref<80x128xf32, #tpu.memory_space<vmem>>, vector<16xf32>,
        %get3A_488 = arith.index_cast %add3A_436 : i32 to index
        %get3A_489 = arith.constant 112 : index
        %get3A_490 = tpu.vector_load %arg6[%get3A_488, %get3A_489] {strides = array<i32>} : memref<80x128xf32, #tpu.memory_space<vmem>>, vector<16xf32>,
        %mul3A_491 = arith.mulf %get3A_490, %gather3A_438 : vector<16xf32>
        %swap3A_492 = arith.index_cast %add3A_436 : i32 to index
        %swap3A_493 = arith.constant 112 : index
        %swap3A_494 = tpu.vector_load %arg6[%swap3A_492, %swap3A_493] {strides = array<i32>} : memref<80x128xf32, #tpu.memory_space<vmem>>, vector<16xf32>,
        tpu.vector_store %arg6[%swap3A_492, %swap3A_493], %mul3A_491 {strides = array<i32>} : memref<80x128xf32, #tpu.memory_space<vmem>>, vector<16xf32>,
        %mul3A_495 = arith.constant 4 : i32
        %mul3A_496 = arith.muli %mul3A_495, %scan3A_371 : i32
        %add3A_497 = arith.constant 2 : i32
        %add3A_498 = arith.addi %mul3A_496, %add3A_497 : i32
        %broadcast_in_dim3A_499 = vector.broadcast %add3A_498 : i32 to vector<16xi32>
        %gather3A_500 = tpu.vector_load_idx %arg12[%broadcast_in_dim3A_499] : memref<80xf32, #tpu.memory_space<vmem>>[vector<16xi32>], vector<16xf32>,
        %get3A_501 = arith.index_cast %add3A_498 : i32 to index
        %get3A_502 = arith.constant 0 : index
        %get3A_503 = tpu.vector_load %arg6[%get3A_501, %get3A_502] {strides = array<i32>} : memref<80x128xf32, #tpu.memory_space<vmem>>, vector<16xf32>,
        %mul3A_504 = arith.mulf %get3A_503, %gather3A_500 : vector<16xf32>
        %swap3A_505 = arith.index_cast %add3A_498 : i32 to index
        %swap3A_506 = arith.constant 0 : index
        %swap3A_507 = tpu.vector_load %arg6[%swap3A_505, %swap3A_506] {strides = array<i32>} : memref<80x128xf32, #tpu.memory_space<vmem>>, vector<16xf32>,
        tpu.vector_store %arg6[%swap3A_505, %swap3A_506], %mul3A_504 {strides = array<i32>} : memref<80x128xf32, #tpu.memory_space<vmem>>, vector<16xf32>,
        %get3A_508 = arith.index_cast %add3A_498 : i32 to index
        %get3A_509 = arith.constant 16 : index
        %get3A_510 = tpu.vector_load %arg6[%get3A_508, %get3A_509] {strides = array<i32>} : memref<80x128xf32, #tpu.memory_space<vmem>>, vector<16xf32>,
        %mul3A_511 = arith.mulf %get3A_510, %gather3A_500 : vector<16xf32>
        %swap3A_512 = arith.index_cast %add3A_498 : i32 to index
        %swap3A_513 = arith.constant 16 : index
        %swap3A_514 = tpu.vector_load %arg6[%swap3A_512, %swap3A_513] {strides = array<i32>} : memref<80x128xf32, #tpu.memory_space<vmem>>, vector<16xf32>,
        tpu.vector_store %arg6[%swap3A_512, %swap3A_513], %mul3A_511 {strides = array<i32>} : memref<80x128xf32, #tpu.memory_space<vmem>>, vector<16xf32>,
        %get3A_515 = arith.index_cast %add3A_498 : i32 to index
        %get3A_516 = arith.constant 32 : index
        %get3A_517 = tpu.vector_load %arg6[%get3A_515, %get3A_516] {strides = array<i32>} : memref<80x128xf32, #tpu.memory_space<vmem>>, vector<16xf32>,
        %mul3A_518 = arith.mulf %get3A_517, %gather3A_500 : vector<16xf32>
        %swap3A_519 = arith.index_cast %add3A_498 : i32 to index
        %swap3A_520 = arith.constant 32 : index
        %swap3A_521 = tpu.vector_load %arg6[%swap3A_519, %swap3A_520] {strides = array<i32>} : memref<80x128xf32, #tpu.memory_space<vmem>>, vector<16xf32>,
        tpu.vector_store %arg6[%swap3A_519, %swap3A_520], %mul3A_518 {strides = array<i32>} : memref<80x128xf32, #tpu.memory_space<vmem>>, vector<16xf32>,
        %get3A_522 = arith.index_cast %add3A_498 : i32 to index
        %get3A_523 = arith.constant 48 : index
        %get3A_524 = tpu.vector_load %arg6[%get3A_522, %get3A_523] {strides = array<i32>} : memref<80x128xf32, #tpu.memory_space<vmem>>, vector<16xf32>,
        %mul3A_525 = arith.mulf %get3A_524, %gather3A_500 : vector<16xf32>
        %swap3A_526 = arith.index_cast %add3A_498 : i32 to index
        %swap3A_527 = arith.constant 48 : index
        %swap3A_528 = tpu.vector_load %arg6[%swap3A_526, %swap3A_527] {strides = array<i32>} : memref<80x128xf32, #tpu.memory_space<vmem>>, vector<16xf32>,
        tpu.vector_store %arg6[%swap3A_526, %swap3A_527], %mul3A_525 {strides = array<i32>} : memref<80x128xf32, #tpu.memory_space<vmem>>, vector<16xf32>,
        %get3A_529 = arith.index_cast %add3A_498 : i32 to index
        %get3A_530 = arith.constant 64 : index
        %get3A_531 = tpu.vector_load %arg6[%get3A_529, %get3A_530] {strides = array<i32>} : memref<80x128xf32, #tpu.memory_space<vmem>>, vector<16xf32>,
        %mul3A_532 = arith.mulf %get3A_531, %gather3A_500 : vector<16xf32>
        %swap3A_533 = arith.index_cast %add3A_498 : i32 to index
        %swap3A_534 = arith.constant 64 : index
        %swap3A_535 = tpu.vector_load %arg6[%swap3A_533, %swap3A_534] {strides = array<i32>} : memref<80x128xf32, #tpu.memory_space<vmem>>, vector<16xf32>,
        tpu.vector_store %arg6[%swap3A_533, %swap3A_534], %mul3A_532 {strides = array<i32>} : memref<80x128xf32, #tpu.memory_space<vmem>>, vector<16xf32>,
        %get3A_536 = arith.index_cast %add3A_498 : i32 to index
        %get3A_537 = arith.constant 80 : index
        %get3A_538 = tpu.vector_load %arg6[%get3A_536, %get3A_537] {strides = array<i32>} : memref<80x128xf32, #tpu.memory_space<vmem>>, vector<16xf32>,
        %mul3A_539 = arith.mulf %get3A_538, %gather3A_500 : vector<16xf32>
        %swap3A_540 = arith.index_cast %add3A_498 : i32 to index
        %swap3A_541 = arith.constant 80 : index
        %swap3A_542 = tpu.vector_load %arg6[%swap3A_540, %swap3A_541] {strides = array<i32>} : memref<80x128xf32, #tpu.memory_space<vmem>>, vector<16xf32>,
        tpu.vector_store %arg6[%swap3A_540, %swap3A_541], %mul3A_539 {strides = array<i32>} : memref<80x128xf32, #tpu.memory_space<vmem>>, vector<16xf32>,
        %get3A_543 = arith.index_cast %add3A_498 : i32 to index
        %get3A_544 = arith.constant 96 : index
        %get3A_545 = tpu.vector_load %arg6[%get3A_543, %get3A_544] {strides = array<i32>} : memref<80x128xf32, #tpu.memory_space<vmem>>, vector<16xf32>,
        %mul3A_546 = arith.mulf %get3A_545, %gather3A_500 : vector<16xf32>
        %swap3A_547 = arith.index_cast %add3A_498 : i32 to index
        %swap3A_548 = arith.constant 96 : index
        %swap3A_549 = tpu.vector_load %arg6[%swap3A_547, %swap3A_548] {strides = array<i32>} : memref<80x128xf32, #tpu.memory_space<vmem>>, vector<16xf32>,
        tpu.vector_store %arg6[%swap3A_547, %swap3A_548], %mul3A_546 {strides = array<i32>} : memref<80x128xf32, #tpu.memory_space<vmem>>, vector<16xf32>,
        %get3A_550 = arith.index_cast %add3A_498 : i32 to index
        %get3A_551 = arith.constant 112 : index
        %get3A_552 = tpu.vector_load %arg6[%get3A_550, %get3A_551] {strides = array<i32>} : memref<80x128xf32, #tpu.memory_space<vmem>>, vector<16xf32>,
        %mul3A_553 = arith.mulf %get3A_552, %gather3A_500 : vector<16xf32>
        %swap3A_554 = arith.index_cast %add3A_498 : i32 to index
        %swap3A_555 = arith.constant 112 : index
        %swap3A_556 = tpu.vector_load %arg6[%swap3A_554, %swap3A_555] {strides = array<i32>} : memref<80x128xf32, #tpu.memory_space<vmem>>, vector<16xf32>,
        tpu.vector_store %arg6[%swap3A_554, %swap3A_555], %mul3A_553 {strides = array<i32>} : memref<80x128xf32, #tpu.memory_space<vmem>>, vector<16xf32>,
        %mul3A_557 = arith.constant 4 : i32
        %mul3A_558 = arith.muli %mul3A_557, %scan3A_371 : i32
        %add3A_559 = arith.constant 3 : i32
        %add3A_560 = arith.addi %mul3A_558, %add3A_559 : i32
        %broadcast_in_dim3A_561 = vector.broadcast %add3A_560 : i32 to vector<16xi32>
        %gather3A_562 = tpu.vector_load_idx %arg12[%broadcast_in_dim3A_561] : memref<80xf32, #tpu.memory_space<vmem>>[vector<16xi32>], vector<16xf32>,
        %get3A_563 = arith.index_cast %add3A_560 : i32 to index
        %get3A_564 = arith.constant 0 : index
        %get3A_565 = tpu.vector_load %arg6[%get3A_563, %get3A_564] {strides = array<i32>} : memref<80x128xf32, #tpu.memory_space<vmem>>, vector<16xf32>,
        %mul3A_566 = arith.mulf %get3A_565, %gather3A_562 : vector<16xf32>
        %swap3A_567 = arith.index_cast %add3A_560 : i32 to index
        %swap3A_568 = arith.constant 0 : index
        %swap3A_569 = tpu.vector_load %arg6[%swap3A_567, %swap3A_568] {strides = array<i32>} : memref<80x128xf32, #tpu.memory_space<vmem>>, vector<16xf32>,
        tpu.vector_store %arg6[%swap3A_567, %swap3A_568], %mul3A_566 {strides = array<i32>} : memref<80x128xf32, #tpu.memory_space<vmem>>, vector<16xf32>,
        %get3A_570 = arith.index_cast %add3A_560 : i32 to index
        %get3A_571 = arith.constant 16 : index
        %get3A_572 = tpu.vector_load %arg6[%get3A_570, %get3A_571] {strides = array<i32>} : memref<80x128xf32, #tpu.memory_space<vmem>>, vector<16xf32>,
        %mul3A_573 = arith.mulf %get3A_572, %gather3A_562 : vector<16xf32>
        %swap3A_574 = arith.index_cast %add3A_560 : i32 to index
        %swap3A_575 = arith.constant 16 : index
        %swap3A_576 = tpu.vector_load %arg6[%swap3A_574, %swap3A_575] {strides = array<i32>} : memref<80x128xf32, #tpu.memory_space<vmem>>, vector<16xf32>,
        tpu.vector_store %arg6[%swap3A_574, %swap3A_575], %mul3A_573 {strides = array<i32>} : memref<80x128xf32, #tpu.memory_space<vmem>>, vector<16xf32>,
        %get3A_577 = arith.index_cast %add3A_560 : i32 to index
        %get3A_578 = arith.constant 32 : index
        %get3A_579 = tpu.vector_load %arg6[%get3A_577, %get3A_578] {strides = array<i32>} : memref<80x128xf32, #tpu.memory_space<vmem>>, vector<16xf32>,
        %mul3A_580 = arith.mulf %get3A_579, %gather3A_562 : vector<16xf32>
        %swap3A_581 = arith.index_cast %add3A_560 : i32 to index
        %swap3A_582 = arith.constant 32 : index
        %swap3A_583 = tpu.vector_load %arg6[%swap3A_581, %swap3A_582] {strides = array<i32>} : memref<80x128xf32, #tpu.memory_space<vmem>>, vector<16xf32>,
        tpu.vector_store %arg6[%swap3A_581, %swap3A_582], %mul3A_580 {strides = array<i32>} : memref<80x128xf32, #tpu.memory_space<vmem>>, vector<16xf32>,
        %get3A_584 = arith.index_cast %add3A_560 : i32 to index
        %get3A_585 = arith.constant 48 : index
        %get3A_586 = tpu.vector_load %arg6[%get3A_584, %get3A_585] {strides = array<i32>} : memref<80x128xf32, #tpu.memory_space<vmem>>, vector<16xf32>,
        %mul3A_587 = arith.mulf %get3A_586, %gather3A_562 : vector<16xf32>
        %swap3A_588 = arith.index_cast %add3A_560 : i32 to index
        %swap3A_589 = arith.constant 48 : index
        %swap3A_590 = tpu.vector_load %arg6[%swap3A_588, %swap3A_589] {strides = array<i32>} : memref<80x128xf32, #tpu.memory_space<vmem>>, vector<16xf32>,
        tpu.vector_store %arg6[%swap3A_588, %swap3A_589], %mul3A_587 {strides = array<i32>} : memref<80x128xf32, #tpu.memory_space<vmem>>, vector<16xf32>,
        %get3A_591 = arith.index_cast %add3A_560 : i32 to index
        %get3A_592 = arith.constant 64 : index
        %get3A_593 = tpu.vector_load %arg6[%get3A_591, %get3A_592] {strides = array<i32>} : memref<80x128xf32, #tpu.memory_space<vmem>>, vector<16xf32>,
        %mul3A_594 = arith.mulf %get3A_593, %gather3A_562 : vector<16xf32>
        %swap3A_595 = arith.index_cast %add3A_560 : i32 to index
        %swap3A_596 = arith.constant 64 : index
        %swap3A_597 = tpu.vector_load %arg6[%swap3A_595, %swap3A_596] {strides = array<i32>} : memref<80x128xf32, #tpu.memory_space<vmem>>, vector<16xf32>,
        tpu.vector_store %arg6[%swap3A_595, %swap3A_596], %mul3A_594 {strides = array<i32>} : memref<80x128xf32, #tpu.memory_space<vmem>>, vector<16xf32>,
        %get3A_598 = arith.index_cast %add3A_560 : i32 to index
        %get3A_599 = arith.constant 80 : index
        %get3A_600 = tpu.vector_load %arg6[%get3A_598, %get3A_599] {strides = array<i32>} : memref<80x128xf32, #tpu.memory_space<vmem>>, vector<16xf32>,
        %mul3A_601 = arith.mulf %get3A_600, %gather3A_562 : vector<16xf32>
        %swap3A_602 = arith.index_cast %add3A_560 : i32 to index
        %swap3A_603 = arith.constant 80 : index
        %swap3A_604 = tpu.vector_load %arg6[%swap3A_602, %swap3A_603] {strides = array<i32>} : memref<80x128xf32, #tpu.memory_space<vmem>>, vector<16xf32>,
        tpu.vector_store %arg6[%swap3A_602, %swap3A_603], %mul3A_601 {strides = array<i32>} : memref<80x128xf32, #tpu.memory_space<vmem>>, vector<16xf32>,
        %get3A_605 = arith.index_cast %add3A_560 : i32 to index
        %get3A_606 = arith.constant 96 : index
        %get3A_607 = tpu.vector_load %arg6[%get3A_605, %get3A_606] {strides = array<i32>} : memref<80x128xf32, #tpu.memory_space<vmem>>, vector<16xf32>,
        %mul3A_608 = arith.mulf %get3A_607, %gather3A_562 : vector<16xf32>
        %swap3A_609 = arith.index_cast %add3A_560 : i32 to index
        %swap3A_610 = arith.constant 96 : index
        %swap3A_611 = tpu.vector_load %arg6[%swap3A_609, %swap3A_610] {strides = array<i32>} : memref<80x128xf32, #tpu.memory_space<vmem>>, vector<16xf32>,
        tpu.vector_store %arg6[%swap3A_609, %swap3A_610], %mul3A_608 {strides = array<i32>} : memref<80x128xf32, #tpu.memory_space<vmem>>, vector<16xf32>,
        %get3A_612 = arith.index_cast %add3A_560 : i32 to index
        %get3A_613 = arith.constant 112 : index
        %get3A_614 = tpu.vector_load %arg6[%get3A_612, %get3A_613] {strides = array<i32>} : memref<80x128xf32, #tpu.memory_space<vmem>>, vector<16xf32>,
        %mul3A_615 = arith.mulf %get3A_614, %gather3A_562 : vector<16xf32>
        %swap3A_616 = arith.index_cast %add3A_560 : i32 to index
        %swap3A_617 = arith.constant 112 : index
        %swap3A_618 = tpu.vector_load %arg6[%swap3A_616, %swap3A_617] {strides = array<i32>} : memref<80x128xf32, #tpu.memory_space<vmem>>, vector<16xf32>,
        tpu.vector_store %arg6[%swap3A_616, %swap3A_617], %mul3A_615 {strides = array<i32>} : memref<80x128xf32, #tpu.memory_space<vmem>>, vector<16xf32>,
      }
      %scan3A_367 = arith.constant 20 : i32
      %dma_start3A_368 = arith.constant 0 : i32
      %dma_start3A_369 = arith.constant 0 : i32
      %dma_start3A_370 = tpu.memref_slice %arg5[%dma_start3A_368, %dma_start3A_369] : memref<10000x128xf32, #tpu.memory_space<vmem_shared>> -> memref<10000x128xf32, #tpu.memory_space<vmem_shared>>
      tpu.enqueue_indirect_dma source(%arg6 : memref<80x128xf32, #tpu.memory_space<vmem>>) target(%dma_start3A_370 : memref<10000x128xf32, #tpu.memory_space<vmem_shared>>) offsets(%arg10 : memref<80xi32, #tpu.memory_space<vmem>>) semaphore(%arg18 : memref<!tpu.dma_semaphore, #tpu.memory_space<semaphore_mem>>) {add = true}
    }
    %scan3A_157 = arith.constant 62 : i32
    %dma_wait3A_158 = arith.constant 0 : i32
    %dma_wait3A_159 = arith.constant 0 : i32
    %dma_wait3A_160 = tpu.memref_slice %arg5[%dma_wait3A_158, %dma_wait3A_159] : memref<10000x128xf32, #tpu.memory_space<vmem_shared>> -> memref<10000x128xf32, #tpu.memory_space<vmem_shared>>
    tpu.wait_indirect_dma semaphore(%arg19 : memref<!tpu.dma_semaphore, #tpu.memory_space<semaphore_mem>>) src(%arg7 : memref<80x128xf32, #tpu.memory_space<vmem>>) dst(%dma_wait3A_160 : memref<10000x128xf32, #tpu.memory_space<vmem_shared>>)
    %dma_wait3A_161 = arith.constant 0 : i32
    %dma_wait3A_162 = arith.constant 0 : i32
    %dma_wait3A_163 = tpu.memref_slice %arg5[%dma_wait3A_161, %dma_wait3A_162] : memref<10000x128xf32, #tpu.memory_space<vmem_shared>> -> memref<10000x128xf32, #tpu.memory_space<vmem_shared>>
    tpu.wait_indirect_dma semaphore(%arg18 : memref<!tpu.dma_semaphore, #tpu.memory_space<semaphore_mem>>) src(%arg6 : memref<80x128xf32, #tpu.memory_space<vmem>>) dst(%dma_wait3A_163 : memref<10000x128xf32, #tpu.memory_space<vmem_shared>>)
    %barrier3A_164 = arith.constant 0 : index
    tpu.barrier barrier_id(%barrier3A_164)
    "tpu.region"() ({
      %run_scoped3A = tpu.sem_alloc : memref<!tpu.dma_semaphore, #tpu.memory_space<semaphore_mem>>
      %dma_start3A_170 = arith.constant 0 : i32
      %dma_start3A_171 = tpu.memref_slice %arg4[%arg0, %mul3A_2, %dma_start3A_170] : memref<2x10000x128xf32, #tpu.memory_space<hbm>> -> memref<1x624x128xf32, #tpu.memory_space<hbm>>
      %dma_start3A_172 = tpu.memref_squeeze %dma_start3A_171 : memref<1x624x128xf32, #tpu.memory_space<hbm>> -> memref<624x128xf32, #tpu.memory_space<hbm>>
      %dma_start3A_173 = arith.constant 0 : i32
      %dma_start3A_174 = tpu.memref_slice %arg5[%mul3A_2, %dma_start3A_173] : memref<10000x128xf32, #tpu.memory_space<vmem_shared>> -> memref<624x128xf32, #tpu.memory_space<vmem_shared>>
      tpu.enqueue_dma source(%dma_start3A_174 : memref<624x128xf32, #tpu.memory_space<vmem_shared>>) target(%dma_start3A_172 : memref<624x128xf32, #tpu.memory_space<hbm>>) target_semaphore(%run_scoped3A : memref<!tpu.dma_semaphore, #tpu.memory_space<semaphore_mem>>)
      %dma_wait3A_175 = arith.constant 0 : i32
      %dma_wait3A_176 = tpu.memref_slice %arg4[%arg0, %mul3A_2, %dma_wait3A_175] : memref<2x10000x128xf32, #tpu.memory_space<hbm>> -> memref<1x624x128xf32, #tpu.memory_space<hbm>>
      %dma_wait3A_177 = tpu.memref_squeeze %dma_wait3A_176 : memref<1x624x128xf32, #tpu.memory_space<hbm>> -> memref<624x128xf32, #tpu.memory_space<hbm>>
      %dma_wait3A_178 = arith.constant 0 : i32
      %dma_wait3A_179 = tpu.memref_slice %arg5[%mul3A_2, %dma_wait3A_178] : memref<10000x128xf32, #tpu.memory_space<vmem_shared>> -> memref<624x128xf32, #tpu.memory_space<vmem_shared>>
      tpu.wait_dma2 semaphore(%run_scoped3A : memref<!tpu.dma_semaphore, #tpu.memory_space<semaphore_mem>>) src(%dma_wait3A_179 : memref<624x128xf32, #tpu.memory_space<vmem_shared>>) dst(%dma_wait3A_177 : memref<624x128xf32, #tpu.memory_space<hbm>>)
      tpu.yield
    }) : () -> ()
    %eq3A_165 = arith.constant 15 : i32
    %eq3A_166 = arith.cmpi eq, %arg1, %eq3A_165 : i32
    %convert_element_type3A_167 = arith.extui %eq3A_166 : i1 to i32
    %cond3A_168 = arith.constant 0 : i32
    %cond3A_169 = arith.cmpi ne, %convert_element_type3A_167, %cond3A_168 : i32
    scf.if %cond3A_169 {
      "tpu.region"() ({
        %run_scoped3A = tpu.sem_alloc : memref<!tpu.dma_semaphore, #tpu.memory_space<semaphore_mem>>
        %dma_start3A_170 = arith.constant 9984 : i32
        %dma_start3A_171 = arith.constant 0 : i32
        %dma_start3A_172 = tpu.memref_slice %arg4[%arg0, %dma_start3A_170, %dma_start3A_171] : memref<2x10000x128xf32, #tpu.memory_space<hbm>> -> memref<1x16x128xf32, #tpu.memory_space<hbm>>
        %dma_start3A_173 = tpu.memref_squeeze %dma_start3A_172 : memref<1x16x128xf32, #tpu.memory_space<hbm>> -> memref<16x128xf32, #tpu.memory_space<hbm>>
        %dma_start3A_174 = arith.constant 9984 : i32
        %dma_start3A_175 = arith.constant 0 : i32
        %dma_start3A_176 = tpu.memref_slice %arg5[%dma_start3A_174, %dma_start3A_175] : memref<10000x128xf32, #tpu.memory_space<vmem_shared>> -> memref<16x128xf32, #tpu.memory_space<vmem_shared>>
        tpu.enqueue_dma source(%dma_start3A_176 : memref<16x128xf32, #tpu.memory_space<vmem_shared>>) target(%dma_start3A_173 : memref<16x128xf32, #tpu.memory_space<hbm>>) target_semaphore(%run_scoped3A : memref<!tpu.dma_semaphore, #tpu.memory_space<semaphore_mem>>)
        %dma_wait3A_177 = arith.constant 9984 : i32
        %dma_wait3A_178 = arith.constant 0 : i32
        %dma_wait3A_179 = tpu.memref_slice %arg4[%arg0, %dma_wait3A_177, %dma_wait3A_178] : memref<2x10000x128xf32, #tpu.memory_space<hbm>> -> memref<1x16x128xf32, #tpu.memory_space<hbm>>
        %dma_wait3A_180 = tpu.memref_squeeze %dma_wait3A_179 : memref<1x16x128xf32, #tpu.memory_space<hbm>> -> memref<16x128xf32, #tpu.memory_space<hbm>>
        %dma_wait3A_181 = arith.constant 9984 : i32
        %dma_wait3A_182 = arith.constant 0 : i32
        %dma_wait3A_183 = tpu.memref_slice %arg5[%dma_wait3A_181, %dma_wait3A_182] : memref<10000x128xf32, #tpu.memory_space<vmem_shared>> -> memref<16x128xf32, #tpu.memory_space<vmem_shared>>
        tpu.wait_dma2 semaphore(%run_scoped3A : memref<!tpu.dma_semaphore, #tpu.memory_space<semaphore_mem>>) src(%dma_wait3A_183 : memref<16x128xf32, #tpu.memory_space<vmem_shared>>) dst(%dma_wait3A_180 : memref<16x128xf32, #tpu.memory_space<hbm>>)
        tpu.yield
      }) : () -> ()
    } else {
    }
    return
  }
}

module attributes {stable_mosaic.version = 14 : i64} {
  func.func @_tables_body(%arg0: i32, %arg1: memref<1000x128xf32, #tpu.memory_space<vmem>>, %arg2: memref<128x128xf32, #tpu.memory_space<vmem>>, %arg3: memref<1x128xf32, #tpu.memory_space<vmem>>, %arg4: memref<128x1152xf32, #tpu.memory_space<vmem>>, %arg5: memref<1x128xf32, #tpu.memory_space<vmem>>, %arg6: memref<1000x128xf32, #tpu.memory_space<vmem>>, %arg7: memref<8x1000x128xf32, #tpu.memory_space<vmem>>) attributes {dimension_semantics = [#tpu.dimension_semantics<arbitrary>], iteration_bounds = array<i64: 10>, scalar_prefetch = 0 : i64, scratch_operands = 0 : i64, tpu.core_type = #tpu.core_type<tc>, window_params = [{transform_indices = @transform_0, window_bounds = array<i64: 1000, 128>}, {pipeline_mode = #tpu.pipeline_mode<synchronous>, transform_indices = @transform_1, window_bounds = array<i64: 128, 128>}, {pipeline_mode = #tpu.pipeline_mode<synchronous>, transform_indices = @transform_2, window_bounds = array<i64: 1, 128>}, {pipeline_mode = #tpu.pipeline_mode<synchronous>, transform_indices = @transform_3, window_bounds = array<i64: 128, 1152>}, {pipeline_mode = #tpu.pipeline_mode<synchronous>, transform_indices = @transform_4, window_bounds = array<i64: 1, 128>}, {transform_indices = @transform_5, window_bounds = array<i64: 1000, 128>}, {transform_indices = @transform_6, window_bounds = array<i64: 8, 1000, 128>}]} {
    %get3A = arith.constant 0 : index
    %get3A_0 = arith.constant 0 : index
    %get3A_1 = vector.load %arg1[%get3A, %get3A_0] : memref<1000x128xf32, #tpu.memory_space<vmem>>, vector<1000x128xf32>
    %get3A_2 = arith.constant 0 : index
    %get3A_3 = arith.constant 0 : index
    %get3A_4 = vector.load %arg2[%get3A_2, %get3A_3] : memref<128x128xf32, #tpu.memory_space<vmem>>, vector<128x128xf32>
    %dot_general3A = arith.constant dense<0.000000e+00> : vector<1000x128xf32>
    %dot_general3A_5 = tpu.matmul %get3A_1, %get3A_4, %dot_general3A {dimension_numbers = #tpu.dot_dimension_numbers<[1], [1], [0], [0], [0, 0, 1, 0], [], []>, transpose_lhs_hint = false} : vector<1000x128xf32>, vector<128x128xf32>, vector<1000x128xf32> -> vector<1000x128xf32>
    %get3A_6 = arith.constant 0 : index
    %get3A_7 = arith.constant 0 : index
    %get3A_8 = vector.load %arg3[%get3A_6, %get3A_7] : memref<1x128xf32, #tpu.memory_space<vmem>>, vector<1x128xf32>
    %add3A = vector.broadcast %get3A_8 : vector<1x128xf32> to vector<1000x128xf32>
    %add3A_9 = arith.addf %dot_general3A_5, %add3A : vector<1000x128xf32>
    %max3A = arith.constant 0.000000e+00 : f32
    %max3A_10 = vector.broadcast %max3A : f32 to vector<1000x128xf32>
    %max3A_11 = arith.maximumf %add3A_9, %max3A_10 : vector<1000x128xf32>
    %get3A_12 = arith.constant 0 : index
    %get3A_13 = arith.constant 0 : index
    %get3A_14 = vector.load %arg4[%get3A_12, %get3A_13] : memref<128x1152xf32, #tpu.memory_space<vmem>>, vector<128x1152xf32>
    %dot_general3A_15 = arith.constant dense<0.000000e+00> : vector<1000x1152xf32>
    %dot_general3A_16 = tpu.matmul %max3A_11, %get3A_14, %dot_general3A_15 {dimension_numbers = #tpu.dot_dimension_numbers<[1], [0], [0], [1], [0, 0, 1, 1], [], []>, transpose_lhs_hint = false} : vector<1000x128xf32>, vector<128x1152xf32>, vector<1000x1152xf32> -> vector<1000x1152xf32>
    %slice3A = vector.extract_strided_slice %dot_general3A_16 {offsets = [0, 0], sizes = [1000, 128], strides = [1, 1]} : vector<1000x1152xf32> to vector<1000x128xf32>
    %get3A_17 = arith.constant 0 : index
    %get3A_18 = arith.constant 0 : index
    %get3A_19 = vector.load %arg5[%get3A_17, %get3A_18] : memref<1x128xf32, #tpu.memory_space<vmem>>, vector<1x128xf32>
    %add3A_20 = vector.broadcast %get3A_19 : vector<1x128xf32> to vector<1000x128xf32>
    %add3A_21 = arith.addf %slice3A, %add3A_20 : vector<1000x128xf32>
    %swap3A = arith.constant 0 : index
    %swap3A_22 = arith.constant 0 : index
    %swap3A_23 = vector.load %arg6[%swap3A, %swap3A_22] : memref<1000x128xf32, #tpu.memory_space<vmem>>, vector<1000x128xf32>
    tpu.vector_store %arg6[%swap3A, %swap3A_22], %add3A_21 {strides = array<i32>} : memref<1000x128xf32, #tpu.memory_space<vmem>>, vector<1000x128xf32>,
    %slice3A_24 = vector.extract_strided_slice %dot_general3A_16 {offsets = [0, 128], sizes = [1000, 128], strides = [1, 1]} : vector<1000x1152xf32> to vector<1000x128xf32>
    %swap3A_25 = arith.constant 0 : index
    %swap3A_26 = arith.constant 0 : index
    %swap3A_27 = arith.constant 0 : index
    %swap3A_28 = vector.load %arg7[%swap3A_25, %swap3A_26, %swap3A_27] : memref<8x1000x128xf32, #tpu.memory_space<vmem>>, vector<1x1000x128xf32>
    %swap3A_29 = vector.shape_cast %swap3A_28 : vector<1x1000x128xf32> to vector<1000x128xf32>
    %swap3A_30 = vector.shape_cast %slice3A_24 : vector<1000x128xf32> to vector<1x1000x128xf32>
    tpu.vector_store %arg7[%swap3A_25, %swap3A_26, %swap3A_27], %swap3A_30 {strides = array<i32>} : memref<8x1000x128xf32, #tpu.memory_space<vmem>>, vector<1x1000x128xf32>,
    %slice3A_31 = vector.extract_strided_slice %dot_general3A_16 {offsets = [0, 256], sizes = [1000, 128], strides = [1, 1]} : vector<1000x1152xf32> to vector<1000x128xf32>
    %swap3A_32 = arith.constant 1 : index
    %swap3A_33 = arith.constant 0 : index
    %swap3A_34 = arith.constant 0 : index
    %swap3A_35 = vector.load %arg7[%swap3A_32, %swap3A_33, %swap3A_34] : memref<8x1000x128xf32, #tpu.memory_space<vmem>>, vector<1x1000x128xf32>
    %swap3A_36 = vector.shape_cast %swap3A_35 : vector<1x1000x128xf32> to vector<1000x128xf32>
    %swap3A_37 = vector.shape_cast %slice3A_31 : vector<1000x128xf32> to vector<1x1000x128xf32>
    tpu.vector_store %arg7[%swap3A_32, %swap3A_33, %swap3A_34], %swap3A_37 {strides = array<i32>} : memref<8x1000x128xf32, #tpu.memory_space<vmem>>, vector<1x1000x128xf32>,
    %slice3A_38 = vector.extract_strided_slice %dot_general3A_16 {offsets = [0, 384], sizes = [1000, 128], strides = [1, 1]} : vector<1000x1152xf32> to vector<1000x128xf32>
    %swap3A_39 = arith.constant 2 : index
    %swap3A_40 = arith.constant 0 : index
    %swap3A_41 = arith.constant 0 : index
    %swap3A_42 = vector.load %arg7[%swap3A_39, %swap3A_40, %swap3A_41] : memref<8x1000x128xf32, #tpu.memory_space<vmem>>, vector<1x1000x128xf32>
    %swap3A_43 = vector.shape_cast %swap3A_42 : vector<1x1000x128xf32> to vector<1000x128xf32>
    %swap3A_44 = vector.shape_cast %slice3A_38 : vector<1000x128xf32> to vector<1x1000x128xf32>
    tpu.vector_store %arg7[%swap3A_39, %swap3A_40, %swap3A_41], %swap3A_44 {strides = array<i32>} : memref<8x1000x128xf32, #tpu.memory_space<vmem>>, vector<1x1000x128xf32>,
    %slice3A_45 = vector.extract_strided_slice %dot_general3A_16 {offsets = [0, 512], sizes = [1000, 128], strides = [1, 1]} : vector<1000x1152xf32> to vector<1000x128xf32>
    %swap3A_46 = arith.constant 3 : index
    %swap3A_47 = arith.constant 0 : index
    %swap3A_48 = arith.constant 0 : index
    %swap3A_49 = vector.load %arg7[%swap3A_46, %swap3A_47, %swap3A_48] : memref<8x1000x128xf32, #tpu.memory_space<vmem>>, vector<1x1000x128xf32>
    %swap3A_50 = vector.shape_cast %swap3A_49 : vector<1x1000x128xf32> to vector<1000x128xf32>
    %swap3A_51 = vector.shape_cast %slice3A_45 : vector<1000x128xf32> to vector<1x1000x128xf32>
    tpu.vector_store %arg7[%swap3A_46, %swap3A_47, %swap3A_48], %swap3A_51 {strides = array<i32>} : memref<8x1000x128xf32, #tpu.memory_space<vmem>>, vector<1x1000x128xf32>,
    %slice3A_52 = vector.extract_strided_slice %dot_general3A_16 {offsets = [0, 640], sizes = [1000, 128], strides = [1, 1]} : vector<1000x1152xf32> to vector<1000x128xf32>
    %swap3A_53 = arith.constant 4 : index
    %swap3A_54 = arith.constant 0 : index
    %swap3A_55 = arith.constant 0 : index
    %swap3A_56 = vector.load %arg7[%swap3A_53, %swap3A_54, %swap3A_55] : memref<8x1000x128xf32, #tpu.memory_space<vmem>>, vector<1x1000x128xf32>
    %swap3A_57 = vector.shape_cast %swap3A_56 : vector<1x1000x128xf32> to vector<1000x128xf32>
    %swap3A_58 = vector.shape_cast %slice3A_52 : vector<1000x128xf32> to vector<1x1000x128xf32>
    tpu.vector_store %arg7[%swap3A_53, %swap3A_54, %swap3A_55], %swap3A_58 {strides = array<i32>} : memref<8x1000x128xf32, #tpu.memory_space<vmem>>, vector<1x1000x128xf32>,
    %slice3A_59 = vector.extract_strided_slice %dot_general3A_16 {offsets = [0, 768], sizes = [1000, 128], strides = [1, 1]} : vector<1000x1152xf32> to vector<1000x128xf32>
    %swap3A_60 = arith.constant 5 : index
    %swap3A_61 = arith.constant 0 : index
    %swap3A_62 = arith.constant 0 : index
    %swap3A_63 = vector.load %arg7[%swap3A_60, %swap3A_61, %swap3A_62] : memref<8x1000x128xf32, #tpu.memory_space<vmem>>, vector<1x1000x128xf32>
    %swap3A_64 = vector.shape_cast %swap3A_63 : vector<1x1000x128xf32> to vector<1000x128xf32>
    %swap3A_65 = vector.shape_cast %slice3A_59 : vector<1000x128xf32> to vector<1x1000x128xf32>
    tpu.vector_store %arg7[%swap3A_60, %swap3A_61, %swap3A_62], %swap3A_65 {strides = array<i32>} : memref<8x1000x128xf32, #tpu.memory_space<vmem>>, vector<1x1000x128xf32>,
    %slice3A_66 = vector.extract_strided_slice %dot_general3A_16 {offsets = [0, 896], sizes = [1000, 128], strides = [1, 1]} : vector<1000x1152xf32> to vector<1000x128xf32>
    %swap3A_67 = arith.constant 6 : index
    %swap3A_68 = arith.constant 0 : index
    %swap3A_69 = arith.constant 0 : index
    %swap3A_70 = vector.load %arg7[%swap3A_67, %swap3A_68, %swap3A_69] : memref<8x1000x128xf32, #tpu.memory_space<vmem>>, vector<1x1000x128xf32>
    %swap3A_71 = vector.shape_cast %swap3A_70 : vector<1x1000x128xf32> to vector<1000x128xf32>
    %swap3A_72 = vector.shape_cast %slice3A_66 : vector<1000x128xf32> to vector<1x1000x128xf32>
    tpu.vector_store %arg7[%swap3A_67, %swap3A_68, %swap3A_69], %swap3A_72 {strides = array<i32>} : memref<8x1000x128xf32, #tpu.memory_space<vmem>>, vector<1x1000x128xf32>,
    %slice3A_73 = vector.extract_strided_slice %dot_general3A_16 {offsets = [0, 1024], sizes = [1000, 128], strides = [1, 1]} : vector<1000x1152xf32> to vector<1000x128xf32>
    %swap3A_74 = arith.constant 7 : index
    %swap3A_75 = arith.constant 0 : index
    %swap3A_76 = arith.constant 0 : index
    %swap3A_77 = vector.load %arg7[%swap3A_74, %swap3A_75, %swap3A_76] : memref<8x1000x128xf32, #tpu.memory_space<vmem>>, vector<1x1000x128xf32>
    %swap3A_78 = vector.shape_cast %swap3A_77 : vector<1x1000x128xf32> to vector<1000x128xf32>
    %swap3A_79 = vector.shape_cast %slice3A_73 : vector<1000x128xf32> to vector<1x1000x128xf32>
    tpu.vector_store %arg7[%swap3A_74, %swap3A_75, %swap3A_76], %swap3A_79 {strides = array<i32>} : memref<8x1000x128xf32, #tpu.memory_space<vmem>>, vector<1x1000x128xf32>,
    return
  }
  func.func @transform_0(%arg0: i32) -> (i32, i32) {
    %c0_i32 = arith.constant 0 : i32
    %c0_i32_0 = arith.constant 0 : i32
    return %arg0, %c0_i32 : i32, i32
  }
  func.func @transform_1(%arg0: i32) -> (i32, i32) {
    %c0_i32 = arith.constant 0 : i32
    %c0_i32_0 = arith.constant 0 : i32
    %c0_i32_1 = arith.constant 0 : i32
    return %c0_i32, %c0_i32_0 : i32, i32
  }
  func.func @transform_2(%arg0: i32) -> (i32, i32) {
    %c0_i32 = arith.constant 0 : i32
    %c0_i32_0 = arith.constant 0 : i32
    %c0_i32_1 = arith.constant 0 : i32
    return %c0_i32, %c0_i32_0 : i32, i32
  }
  func.func @transform_3(%arg0: i32) -> (i32, i32) {
    %c0_i32 = arith.constant 0 : i32
    %c0_i32_0 = arith.constant 0 : i32
    %c0_i32_1 = arith.constant 0 : i32
    return %c0_i32, %c0_i32_0 : i32, i32
  }
  func.func @transform_4(%arg0: i32) -> (i32, i32) {
    %c0_i32 = arith.constant 0 : i32
    %c0_i32_0 = arith.constant 0 : i32
    %c0_i32_1 = arith.constant 0 : i32
    return %c0_i32, %c0_i32_0 : i32, i32
  }
  func.func @transform_5(%arg0: i32) -> (i32, i32) {
    %c0_i32 = arith.constant 0 : i32
    %c0_i32_0 = arith.constant 0 : i32
    return %arg0, %c0_i32 : i32, i32
  }
  func.func @transform_6(%arg0: i32) -> (i32, i32, i32) {
    %c0_i32 = arith.constant 0 : i32
    %c0_i32_0 = arith.constant 0 : i32
    %c0_i32_1 = arith.constant 0 : i32
    return %c0_i32, %arg0, %c0_i32_0 : i32, i32, i32
  }
}

module attributes {stable_mosaic.version = 14 : i64} {
  func.func @_final_body(%arg0: i32, %arg1: memref<1000x128xf32, #tpu.memory_space<vmem>>, %arg2: memref<2x1000x128xf32, #tpu.memory_space<vmem>>, %arg3: memref<128x128xf32, #tpu.memory_space<vmem>>, %arg4: memref<1x128xf32, #tpu.memory_space<vmem>>, %arg5: memref<1000x128xf32, #tpu.memory_space<vmem>>) attributes {dimension_semantics = [#tpu.dimension_semantics<arbitrary>], iteration_bounds = array<i64: 10>, scalar_prefetch = 0 : i64, scratch_operands = 0 : i64, tpu.core_type = #tpu.core_type<tc>, window_params = [{transform_indices = @transform_0, window_bounds = array<i64: 1000, 128>}, {transform_indices = @transform_1, window_bounds = array<i64: 2, 1000, 128>}, {pipeline_mode = #tpu.pipeline_mode<synchronous>, transform_indices = @transform_2, window_bounds = array<i64: 128, 128>}, {pipeline_mode = #tpu.pipeline_mode<synchronous>, transform_indices = @transform_3, window_bounds = array<i64: 1, 128>}, {transform_indices = @transform_4, window_bounds = array<i64: 1000, 128>}]} {
    %get3A = arith.constant 0 : index
    %get3A_0 = arith.constant 0 : index
    %get3A_1 = vector.load %arg1[%get3A, %get3A_0] : memref<1000x128xf32, #tpu.memory_space<vmem>>, vector<1000x128xf32>
    %get3A_2 = arith.constant 0 : index
    %get3A_3 = arith.constant 0 : index
    %get3A_4 = arith.constant 0 : index
    %get3A_5 = vector.load %arg2[%get3A_2, %get3A_3, %get3A_4] : memref<2x1000x128xf32, #tpu.memory_space<vmem>>, vector<1x1000x128xf32>
    %get3A_6 = vector.shape_cast %get3A_5 : vector<1x1000x128xf32> to vector<1000x128xf32>
    %add3A = arith.addf %get3A_1, %get3A_6 : vector<1000x128xf32>
    %get3A_7 = arith.constant 1 : index
    %get3A_8 = arith.constant 0 : index
    %get3A_9 = arith.constant 0 : index
    %get3A_10 = vector.load %arg2[%get3A_7, %get3A_8, %get3A_9] : memref<2x1000x128xf32, #tpu.memory_space<vmem>>, vector<1x1000x128xf32>
    %get3A_11 = vector.shape_cast %get3A_10 : vector<1x1000x128xf32> to vector<1000x128xf32>
    %add3A_12 = arith.addf %add3A, %get3A_11 : vector<1000x128xf32>
    %max3A = arith.constant 0.000000e+00 : f32
    %max3A_13 = vector.broadcast %max3A : f32 to vector<1000x128xf32>
    %max3A_14 = arith.maximumf %add3A_12, %max3A_13 : vector<1000x128xf32>
    %get3A_15 = arith.constant 0 : index
    %get3A_16 = arith.constant 0 : index
    %get3A_17 = vector.load %arg3[%get3A_15, %get3A_16] : memref<128x128xf32, #tpu.memory_space<vmem>>, vector<128x128xf32>
    %dot_general3A = arith.constant dense<0.000000e+00> : vector<1000x128xf32>
    %dot_general3A_18 = tpu.matmul %max3A_14, %get3A_17, %dot_general3A {dimension_numbers = #tpu.dot_dimension_numbers<[1], [1], [0], [0], [0, 0, 1, 0], [], []>, transpose_lhs_hint = false} : vector<1000x128xf32>, vector<128x128xf32>, vector<1000x128xf32> -> vector<1000x128xf32>
    %get3A_19 = arith.constant 0 : index
    %get3A_20 = arith.constant 0 : index
    %get3A_21 = vector.load %arg4[%get3A_19, %get3A_20] : memref<1x128xf32, #tpu.memory_space<vmem>>, vector<1x128xf32>
    %add3A_22 = vector.broadcast %get3A_21 : vector<1x128xf32> to vector<1000x128xf32>
    %add3A_23 = arith.addf %dot_general3A_18, %add3A_22 : vector<1000x128xf32>
    %swap3A = arith.constant 0 : index
    %swap3A_24 = arith.constant 0 : index
    %swap3A_25 = vector.load %arg5[%swap3A, %swap3A_24] : memref<1000x128xf32, #tpu.memory_space<vmem>>, vector<1000x128xf32>
    tpu.vector_store %arg5[%swap3A, %swap3A_24], %add3A_23 {strides = array<i32>} : memref<1000x128xf32, #tpu.memory_space<vmem>>, vector<1000x128xf32>,
    return
  }
  func.func @transform_0(%arg0: i32) -> (i32, i32) {
    %c0_i32 = arith.constant 0 : i32
    %c0_i32_0 = arith.constant 0 : i32
    return %arg0, %c0_i32 : i32, i32
  }
  func.func @transform_1(%arg0: i32) -> (i32, i32, i32) {
    %c0_i32 = arith.constant 0 : i32
    %c0_i32_0 = arith.constant 0 : i32
    %c0_i32_1 = arith.constant 0 : i32
    return %c0_i32, %arg0, %c0_i32_0 : i32, i32, i32
  }
  func.func @transform_2(%arg0: i32) -> (i32, i32) {
    %c0_i32 = arith.constant 0 : i32
    %c0_i32_0 = arith.constant 0 : i32
    %c0_i32_1 = arith.constant 0 : i32
    return %c0_i32, %c0_i32_0 : i32, i32
  }
  func.func @transform_3(%arg0: i32) -> (i32, i32) {
    %c0_i32 = arith.constant 0 : i32
    %c0_i32_0 = arith.constant 0 : i32
    %c0_i32_1 = arith.constant 0 : i32
    return %c0_i32, %c0_i32_0 : i32, i32
  }
  func.func @transform_4(%arg0: i32) -> (i32, i32) {
    %c0_i32 = arith.constant 0 : i32
    %c0_i32_0 = arith.constant 0 : i32
    return %arg0, %c0_i32 : i32, i32
  }
}

</mosaic_0001>

<sc_bundles>
// kernel: kernel.5.cloned.1.call-start
scs
__scs_entry_jumppad:
0x0: {  	(pc) =	sbr.rel $0x88, $3  }
0x1: {  	(tag) =	ssettag $0x0;
	lr =	simm.s32 $0x1  }
0x2: {  	[smem:$0x3F97] =	sst lr;
	_ =	strace $0xD0000000  }
0x3: {  	_ = 	snop  }
0x4: {  	_ = 	snop  }
0x5: {  	_ = 	snop  }
0x6: {  	_ = 	snop  }
0x7: {  	_ = 	snop  }
__scs_overlays_trampoline_lowered:
0x8: {  	[smem:$0x3FA6] =	sst s0  }
0x9: {  	[smem:$0x3FA7] =	sst s1  }
0xa: {  	[smem:$0x3FA8] =	sst s2  }
0xb: {  	[smem:$0x3FA9] =	sst s3  }
0xc: {  	[smem:$0x3FAA] =	sst s4  }
0xd: {  	[smem:$0x3FAB] =	sst s5  }
0xe: {  	[smem:$0x3FAC] =	sst s6  }
0xf: {  	[smem:$0x3FAD] =	sst s7  }
0x10: {  	[smem:$0x3FAE] =	sst s8  }
0x11: {  	[smem:$0x3FAF] =	sst s9;
	s0 =	simm.s32 @!p0 $0x0  }
0x12: {  	s1 =	sld [smem:$0x3F95];
	s0 =	simm.s32 @p0 $0x1  }
0x13: {  	[smem:$0x3FB0] =	sst s0;
	s0 =	simm.s32 @!p1 $0x0  }
0x14: {  	s2 =	sld [smem:$0x3F94];
	s0 =	simm.s32 @p1 $0x1  }
0x15: {  	[smem:$0x3FB1] =	sst s0;
	s0 =	simm.s32 @!p2 $0x0  }
0x16: {  	s3 =	sld [smem:$0x3FDB];
	s0 =	simm.s32 @p2 $0x1  }
0x17: {  	s4 =	simm.s32 $0x1BF5;
	[smem:$0x3FB3] =	sst s0  }
0x18: {  	s0 =	sld [smem:$0x3F96];
	_ =	swait.ge [sflag:s4], $0x0  }
0x19: {  	s7 =	sld [smem:$0x3F97]  }
0x1a: {  	s8 =	sadd.s32 $0xFFFFE003, lr  }
0x1b: {  	s9 =	sadd.s32 $0xFFFFFEF7, lr;
	s5 =	simm.s32 $0xFFFFFFFF;
	p2 =	slt.u32 s8, $0xFFFFF086  }
0x1c: {  	p1 =	slt.u32 s9, $0xF7A;
	s5 =	simm.s32 @!p2 $0x0  }
0x1d: {  	s5 =	simm.s32 @p1 $0x1;
	p0 =	seq.s32 s7, s2  }
0x1e: {  	s7 =	smul.u32 @!p0 $0xF7A, s2;
	p2 =	seq.s32 @!p0 s5, $0x0  }
0x1f: {  	s9 =	smul.u32 $0xF7A, s1;
	s8 =	simm.s32 @!p0 $0x1BF5;
	p2 =	por !p2, p0  }
0x20: {  	[sflag:s8] =	ssyncset.s32 @!p0 $0xFFFFF086;
	s6 =	sadd.s32 @!p0 s3, s7;
	s7 =	simm.s32 @!p0 $0x108  }
0x21: {  	s3 =	sadd.s32 s3, s9;
	s6 =	sadd.s32 @!p0 $0x88, s6;
	s7 =	simm.s32 @p2 $0x1082  }
0x22: {  	[simem:s7], [sflag:s8] =	dma.local @!p0 [hbm:s6], $0xF7A  }
0x23: {  	s9 =	sor.u32 $0xD0000000, s2;
	s6 =	simm.s32 $0x108;
	_ =	swait.ge @!p0 [sflag:s8], $0x0  }
0x24: {  	s3 =	sadd.s32 $0x88, s3;
	s6 =	simm.s32 @!p1 $0x1082;
	[sflag:s4] =	ssyncset.s32 $0xFFFFF086  }
0x25: {  	[simem:s6], [sflag:s4] =	dma.local [hbm:s3], $0xF7A  }
0x26: {  	[smem:$0x3F97] =	sst s1;
	(tag) =	ssettag s2;
	_ =	strace s9  }
0x27: {  	s1 =	sld [smem:$0x3FA7]  }
0x28: {  	s2 =	sld [smem:$0x3FA8]  }
0x29: {  	s4 =	sld [smem:$0x3FAA]  }
0x2a: {  	p0 =	seq.s32 s5, $0x0;
	s5 =	sld [smem:$0x3FAB]  }
0x2b: {  	s6 =	sld [smem:$0x3FAC]  }
0x2c: {  	s7 =	sld [smem:$0x3FAD]  }
0x2d: {  	s3 =	simm.s32 $0x108;
	s8 =	sld [smem:$0x3FAE]  }
0x2e: {  	s3 =	simm.s32 @!p0 $0x1082;
	s9 =	sld [smem:$0x3FAF]  }
0x2f: {  	lr =	sadd.s32 s0, s3;
	s0 =	sld [smem:$0x3FA6]  }
0x30: {  	s3 =	sld [smem:$0x3FA9]  }
0x31: {  	[smem:$0x3FB2] =	sst s10  }
0x32: {  	s10 =	sld [smem:$0x3FB0];
	_ =	sdelay $0x3  }
0x33: {  	p0 =	seq.s32 s10, $0x1;
	s10 =	sld [smem:$0x3FB2];
	_ =	sdelay $0x3  }
0x34: {  	[smem:$0x3FB2] =	sst s10  }
0x35: {  	s10 =	sld [smem:$0x3FB1];
	_ =	sdelay $0x3  }
0x36: {  	p1 =	seq.s32 s10, $0x1;
	s10 =	sld [smem:$0x3FB2];
	_ =	sdelay $0x3  }
0x37: {  	[smem:$0x3FB2] =	sst s10  }
0x38: {  	s10 =	sld [smem:$0x3FB3]  }
0x39: {  	_ = 	snop;
	(pc) =	sbr.ind lr, $3  }
0x3a: {  	_ = 	snop  }
0x3b: {  	_ = 	snop  }
0x3c: {  	p2 =	seq.s32 s10, $0x1;
	s10 =	sld [smem:$0x3FB2]  }
0x3d: {  	_ =	shalt  }
0x3e: {  	_ =	shalt  }
0x3f: {  	_ =	shalt  }
0x40: {  	_ =	shalt  }
0x41: {  	_ =	shalt  }
0x42: {  	_ =	shalt  }
0x43: {  	_ =	shalt  }
0x44: {  	_ =	shalt  }
0x45: {  	_ =	shalt  }
0x46: {  	_ =	shalt  }
0x47: {  	_ =	shalt  }
0x48: {  	_ =	shalt  }
0x49: {  	_ =	shalt  }
0x4a: {  	_ =	shalt  }
0x4b: {  	_ =	shalt  }
0x4c: {  	_ =	shalt  }
0x4d: {  	_ =	shalt  }
0x4e: {  	_ =	shalt  }
0x4f: {  	_ =	shalt  }
0x50: {  	_ =	shalt  }
0x51: {  	_ =	shalt  }
0x52: {  	_ =	shalt  }
0x53: {  	_ =	shalt  }
0x54: {  	_ =	shalt  }
0x55: {  	_ =	shalt  }
0x56: {  	_ =	shalt  }
0x57: {  	_ =	shalt  }
0x58: {  	_ =	shalt  }
0x59: {  	_ =	shalt  }
0x5a: {  	_ =	shalt  }
0x5b: {  	_ =	shalt  }
0x5c: {  	_ =	shalt  }
0x5d: {  	_ =	shalt  }
0x5e: {  	_ =	shalt  }
0x5f: {  	_ =	shalt  }
0x60: {  	_ =	shalt  }
0x61: {  	_ =	shalt  }
0x62: {  	_ =	shalt  }
0x63: {  	_ =	shalt  }
0x64: {  	_ =	shalt  }
0x65: {  	_ =	shalt  }
0x66: {  	_ =	shalt  }
0x67: {  	_ =	shalt  }
0x68: {  	_ =	shalt  }
0x69: {  	_ =	shalt  }
0x6a: {  	_ =	shalt  }
0x6b: {  	_ =	shalt  }
0x6c: {  	_ =	shalt  }
0x6d: {  	_ =	shalt  }
0x6e: {  	_ =	shalt  }
0x6f: {  	_ =	shalt  }
0x70: {  	_ =	shalt  }
0x71: {  	_ =	shalt  }
0x72: {  	_ =	shalt  }
0x73: {  	_ =	shalt  }
0x74: {  	_ =	shalt  }
0x75: {  	_ =	shalt  }
0x76: {  	_ =	shalt  }
0x77: {  	_ =	shalt  }
0x78: {  	_ =	shalt  }
0x79: {  	_ =	shalt  }
0x7a: {  	_ =	shalt  }
0x7b: {  	_ =	shalt  }
0x7c: {  	_ =	shalt  }
0x7d: {  	_ =	shalt  }
0x7e: {  	_ =	shalt  }
0x7f: {  	_ =	shalt  }
0x80: {  	_ =	shalt  }
0x81: {  	_ =	shalt  }
0x82: {  	_ =	shalt  }
0x83: {  	_ =	shalt  }
0x84: {  	_ =	shalt  }
0x85: {  	_ =	shalt  }
0x86: {  	_ =	shalt  }
0x87: {  	_ =	shalt  }
.Lfunc_end0:
.L_simem_size_0:
called_computation_lowered:
.L_overlay_start_0:
0x88: {  	s2 =	sld [smem:$0x3FD9]  }
0x89: {  	s3 =	sld [smem:$0x3FFE];
	_ =	sdelay $0x1  }
0x8a: {  	s1 =	srdreg.scid  }
0x8b: {  	s0 =	sand.u32 $0x1, s1  }
0x8c: {  	s16 =	sshll.u32 s0, $0xA;
	s2 =	sadd.s32 s3, s2  }
0x8d: {  	s2 =	sadd.s32 s2, s16  }
0x8e: {  	[smem:$0x3FBE] =	sst s2  }
0x8f: {  	_ = 	snop  }
0x90: {  	(tm) =	ssettm $0x1  }
0x91: {  	s17 =	sld [smem:$0x3FFB];
	_ =	sdelay $0x3  }
0x92: {  	_ =	strace s17  }
0x93: {  	s2 =	sld [smem:$0x3FFC];
	_ =	sdelay $0x3  }
0x94: {  	_ =	strace s2  }
0x95: {  	s2 =	sld [smem:$0x3FFD];
	_ =	sdelay $0x3  }
0x96: {  	_ =	strace s2  }
0x97: {  	_ =	strace $0x8FFFFFFF  }
0x98: {  	s18 =	sld [smem:$0x3FDB];
	_ =	sdelay $0x1  }
0x99: {  	s19 =	simm.s32 $_scs_section_size  }
0x9a: {  	s4 =	simm.s32 $_size__tile_overlayer_lowered;
	s5 =	simm.s32 $_tile_overlayer_lowered  }
0x9b: {  	s22 =	simm.s32 $0x1BFF;
	s21 =	sshll.u32 s5, $0x1;
	s2 =	sadd.s32 s19, s18  }
0x9c: {  	s6 =	simm.s32 $0x0;
	s20 =	sshll.u32 s4, $0x1;
	s4 =	sadd.s32 s21, s2  }
0x9d: {  	[timem:s6], [sflag:s22] =	dma.local [hbm:s4], s20  }
0x9e: {  	_ =	swait.ge [sflag:s22], s20  }
0x9f: {  	s3 =	ssub.s32 $0x0, s20;
	[sflag:s22] =	ssyncset.done $0x0  }
0xa0: {  	[sflag:s22] =	ssyncadd.s32 s3;
	_ =	sdelay $0x1  }
0xa1: {  	s23 =	simm.s32 $0x1B8B  }
0xa2: {  	_ =	swait.ge [sflag:s23], $0x1  }
0xa3: {  	[sflag:s23] =	ssyncset.done $0x0  }
0xa4: {  	s25 =	simm.s32 $0x1B8E;
	s24 =	sld [smem:$0x3FFE];
	[sflag:s23] =	ssyncadd.s32 $0xFFFFFFFF  }
0xa5: {  	s26 =	simm.s32 $execute0_lowered;
	[smem:$0x3FD2] =	sst s25  }
0xa6: {  	s4 =	sshll.u32 s26, $0x1;
	_ =	strace $0x80000046;
	[dreg:$0x1] =	wrdreg $0xFFFFFFFF  }
0xa7: {  	s28 =	simm.s32 $_size_execute0_lowered;
	s2 =	sadd.s32 s2, s4;
	[dreg:$0x0] =	wrdreg $0x0  }
0xa8: {  	s4 =	sshll.u32 s28, $0x1;
	[dreg:$0x2] =	wrdreg s2  }
0xa9: {  	[dreg:$0x3] =	wrdreg s4  }
0xaa: {  	[dreg:$0x4] =	wrdreg $0xC0  }
0xab: {  	_ =	task [dreg:s6], $0x5FFFF  }
0xac: {  	[dreg:$0x1] =	wrdreg $0xFFFFFFFF  }
0xad: {  	[dreg:$0x0] =	wrdreg $0x60  }
0xae: {  	[dreg:$0x2] =	wrdreg s24  }
0xaf: {  	[dreg:$0x3] =	wrdreg $0x0  }
0xb0: {  	[dreg:$0x4] =	wrdreg $0x9  }
0xb1: {  	_ =	task.clear_ibuf [dreg:s6], $0x5FFFF;
	_ =	strace $0x90000046  }
0xb2: {  	s29 =	simm.s32 $0x9;
	_ =	strace $0x80000048  }
0xb3: {  	_ =	swait.ge [sflag:s29], $0x1  }
0xb4: {  	[sflag:s29] =	ssyncadd.s32 $0xFFFFFFFF  }
0xb5: {  	_ =	strace $0x90000048  }
0xb6: {  	_ =	sfence  }
0xb7: {  	s30 =	sld [smem:$0x0];
	_ =	sdelay $0x2  }
0xb8: {  	s31 =	sshll.u32 s1, $0xD;
	s1 =	sshrl.u32 s1, $0x2  }
0xb9: {  	s3 =	sand.u32 $0x4000, s31;
	s1 =	sadd.s32 s1, s30  }
0xba: {  	s0 =	sor.u32 s3, s0;
	s1 =	sshll.u32 s1, $0x11  }
0xbb: {  	s0 =	sor.u32 s1, s0  }
0xbc: {  	s0 =	sadd.s32 $0x8F2B, s0  }
0xbd: {  	[sflag:s0] =	ssyncadd.remote.s32 $0x1  }
0xbe: {  	_ =	sfence.sel $0xFFFF  }
0xbf: {  	[dreg:$0x0] =	wrdreg $0xFFFFFFFF;
	(pc) =	sbr.abs _section_cstart, $3  }
0xc0: {  	[dreg:$0x1] =	wrdreg $0xFFFFFFFF  }
0xc1: {  	_ =	task.clear_ibuf [dreg:s6], $0x2FFFF;
	_ =	strace $0x9FFFFFFF  }
0xc2: {  	(tm) =	ssettm $0x7FFFFFFF  }
0xc3: {  	_ =	shalt  }
tec
execute0_lowered:
.L_overlay_start_1:
0x0: {  	(tag) =	ssettag $0x1  }
0x1: {  	s0 =	rddreg [dreg:$0x0]  }
0x2: {  	s1 =	rddreg [dreg:$0x1]  }
0x3: {  	s2 =	srdreg.scid;
	s3 =	simm.s32 $0x0;
	s12 =	stileid.u32  }
0x4: {  	s18 =	simm.s32 $0x18880;
	s28 =	simm.s32 $0x18D80;
	s29 =	simm.s32 $0x18C80  }
0x5: {  	s30 =	simm.s32 $0x4;
	s31 =	simm.s32 $0x18E00;
	s19 =	simm.s32 $0x0  }
0x6: {  	s2 =	sand.u32 $0x1, s2;
	[smem:$0x7FF] =	sst s3;
	s9 =	smul.u32 $0x4E000, s12  }
0x7: {  	s23 =	smul.u32 $0x13800, s12;
	p0 =	sne.s32 s12, $0xF;
	s4 =	sshll.u32 s2, $0x4  }
0x8: {  	_ =	strace $0x80000047;
	s6 =	ssub.s32 $0x2, s2;
	s2 =	smul.u32 $0x138800, s2  }
0x9: {  	s5 =	sor.u32 s12, s4;
	s4 =	sadd.s32 $0x3FC00, s0;
	s8 =	sshrl.u32 s6, $0x1  }
0xa: {  	s21 =	sshrl.u32 s9, $0x2;
	s7 =	smul.u32 $0xFA00, s5;
	s5 =	sadd.s32 $0x1400, s0  }
0xb: {  	s0 =	sadd.s32 $0x178400, s0;
	s10 =	ssub.s32 s6, s8;
	s8 =	sadd.s32 s21, s1  }
0xc: {  	s9 =	sadd.s32 s23, s2;
	s2 =	sshrl.u32 s2, $0x3;
	s21 =	simm.s32 $0x6  }
0xd: {  	s23 =	simm.s32 $0x50;
	s11 =	sadd.s32 $0x6800, s8;
	s24 =	sadd.s32 $0xD000, s8  }
0xe: {  	s9 =	sshrl.u32 s9, $0x3;
	s2 =	sadd.s32 s0, s2;
	s26 =	smax.u32 s10, $0x1  }
0xf: {  	s10 =	simm.s32 $0x18A80;
	s20 =	sshrl.u32 s7, $0x3;
	[dreg:$0x4] =	wrdreg s11  }
0x10: {  	[dreg:$0x5] =	wrdreg s24;
	s11 =	sadd.s32 $0x138000, s1;
	s14 =	sadd.s32 $0x800, s7  }
0x11: {  	s0 =	sadd.s32 s0, s9;
	s25 =	sadd.s32 $0x27000, s2;
	[dreg:$0x9] =	wrdreg s26  }
0x12: {  	s24 =	simm.s32 $0x13880;
	s26 =	simm.s32 $0x16080;
	[dreg:$0x7] =	wrdreg s0  }
0x13: {  	s2 =	simm.s32 $0x5;
	s6 =	sadd.s32 s5, s20;
	[dreg:$0x8] =	wrdreg s25  }
0x14: {  	s20 =	simm.s32 $0x18E80;
	s25 =	simm.s32 $0x1;
	s22 =	sadd.s32 $0x40, s6  }
0x15: {  	s0 =	simm.s32 $0x18D00;
	s13 =	sadd.s32 $0x80, s6;
	[dreg:$0x3] =	wrdreg s22  }
0x16: {  	v0 =	vimm.f32 $0.0e+00;
	[dreg:$0x6] =	wrdreg s13;
	s13 =	sadd.s32 $0x600, s7;
	s22 =	simm.s32 $0x2  }
.LBB2_1:
0x17: {  	[tilespmem:s18], [sflag:$0x2] =	stream.linear.gather [hbm4b:s6+s3], $0x180, $0x38;
	[tilespmem:$0x1F680] =	vst v63  }
0x18: {  	s7 =	rddreg [dreg:$0x3]  }
0x19: {  	[tilespmem:s10], [sflag:$0x3] =	stream.linear.gather [hbm4b:s7+s3], $0x180, $0x38;
	[tilespmem:$0x1F680] =	vst v63  }
0x1a: {  	s9 =	simm.s32 $0x200;
	s7 =	simm.s32 $0x0  }
.LBB2_2:
0x1b: {  	p1 =	sne.s32 s9, $0x19E00;
	[tilespmem:s7+$0x18EF0] =	vst v0  }
0x1c: {  	[tilespmem:s7+$0x18E80] =	vst v0  }
0x1d: {  	[tilespmem:s7+$0x18E90] =	vst v0  }
.Ltmp0:
0x1e: {  	[tilespmem:s7+$0x18EA0] =	vst v0;
	(pc) =	sbr.rel @p1 .LBB2_2-.Ltmp0, $4  }
0x1f: {  	[tilespmem:s7+$0x18EB0] =	vst v0  }
0x20: {  	[tilespmem:s7+$0x18EC0] =	vst v0  }
0x21: {  	[tilespmem:s7+$0x18ED0] =	vst v0  }
0x22: {  	[tilespmem:s7+$0x18EE0] =	vst v0;
	s7 =	sshra.s32 s9, $0x2;
	s9 =	sadd.s32 $0x200, s9  }
0x23: {  	[tilespmem:s7+$0x18EF0] =	vst v0  }
0x24: {  	[tilespmem:s7+$0x18E80] =	vst v0  }
0x25: {  	[tilespmem:s7+$0x18E90] =	vst v0  }
0x26: {  	[tilespmem:s7+$0x18EA0] =	vst v0  }
0x27: {  	[tilespmem:s7+$0x18EB0] =	vst v0  }
0x28: {  	[tilespmem:s7+$0x18EC0] =	vst v0  }
0x29: {  	[tilespmem:s7+$0x18ED0] =	vst v0  }
0x2a: {  	[tilespmem:s7+$0x18EE0] =	vst v0  }
0x2b: {  	[spmem:s8] =	stream.linear.scatter [tilespmem:s20], [sflag:$0x6], $0x6800, $0x38;
	[tilespmem:$0x1F680] =	vst v63  }
0x2c: {  	_ =	swait.ge [sflag:s21], $0x6800  }
0x2d: {  	[sflag:s21] =	ssyncset.done $0x0  }
0x2e: {  	s17 =	rddreg [dreg:$0x4];
	[sflag:s21] =	ssyncadd.s32 $0xFFFF9800  }
0x2f: {  	[spmem:s17] =	stream.linear.scatter [tilespmem:s20], [sflag:$0x6], $0x6800, $0x38;
	[tilespmem:$0x1F680] =	vst v63  }
0x30: {  	_ =	swait.ge [sflag:s21], $0x6800  }
0x31: {  	[sflag:s21] =	ssyncset.done $0x0  }
0x32: {  	s9 =	rddreg [dreg:$0x5];
	[sflag:s21] =	ssyncadd.s32 $0xFFFF9800  }
0x33: {  	[spmem:s9] =	stream.linear.scatter [tilespmem:s20], [sflag:$0x6], $0x6800, $0x38;
	[tilespmem:$0x1F680] =	vst v63  }
0x34: {  	_ =	swait.ge [sflag:s21], $0x6800  }
0x35: {  	[sflag:s21] =	ssyncset.done $0x0  }
0x36: {  	s7 =	simm.s32 @!p0 $0x18E80;
	[sflag:s21] =	ssyncadd.s32 $0xFFFF9800  }
0x37: {  	[spmem:s11] =	stream.linear.scatter @!p0 [tilespmem:s7], [sflag:$0x6], $0x800, $0x38;
	[tilespmem:$0x1F680] =	vst v63  }
0x38: {  	s7 =	simm.s32 @!p0 $0x6  }
0x39: {  	_ =	swait.ge @!p0 [sflag:s7], $0x800  }
0x3a: {  	[sflag:s7] =	ssyncset.done @!p0 $0x0  }
0x3b: {  	[sflag:s7] =	ssyncadd.s32 @!p0 $0xFFFFF800  }
0x3c: {  	[bflag:$0x0] =	sbarrier.arrive $0xFFFF  }
0x3d: {  	_ =	swait.ge [sflag:s22], $0x180  }
0x3e: {  	[sflag:s22] =	ssyncset.done $0x0  }
0x3f: {  	[sflag:s22] =	ssyncadd.s32 $0xFFFFFE80  }
0x40: {  	[tilespmem:s24], [sflag:$0x1] =	stream.indirect.gather [hbm4b:s4+s23], $0x80, s18, s23, $0xb8;
	[tilespmem:$0x1F680] =	vst v63  }
0x41: {  	_ =	swait.ge [sflag:s25], $0x2800  }
0x42: {  	[sflag:s25] =	ssyncset.done $0x0  }
0x43: {  	[sflag:s25] =	ssyncadd.s32 $0xFFFFD800  }
0x44: {  	v1 =	vld [tilespmem:$0x18900]  }
0x45: {  	v2 =	vld [tilespmem:$0x18980]  }
0x46: {  	v3 =	vld [tilespmem:$0x18910]  }
0x47: {  	v4 =	vld [tilespmem:$0x18990]  }
0x48: {  	v5 =	vld [tilespmem:$0x18920]  }
0x49: {  	[tilespmem:$0x18C80] =	vst v1;
	v1 =	vld [tilespmem:$0x189A0]  }
0x4a: {  	[tilespmem:$0x18D80] =	vst v2;
	v2 =	vld [tilespmem:$0x18930]  }
0x4b: {  	[tilespmem:$0x18C90] =	vst v3;
	v3 =	vld [tilespmem:$0x189B0]  }
0x4c: {  	[tilespmem:$0x18D90] =	vst v4;
	v4 =	vld [tilespmem:$0x18940]  }
0x4d: {  	[tilespmem:$0x18CA0] =	vst v5;
	v5 =	vld [tilespmem:$0x189C0]  }
0x4e: {  	[tilespmem:$0x18DA0] =	vst v1  }
0x4f: {  	[tilespmem:$0x18CB0] =	vst v2  }
0x50: {  	s15 =	simm.s32 $0x0;
	[tilespmem:$0x18DB0] =	vst v3  }
0x51: {  	[tilespmem:$0x18CC0] =	vst v4;
	v1 =	vmov s15  }
0x52: {  	s9 =	simm.s32 $0x3;
	s12 =	rddreg [dreg:$0x6];
	[tilespmem:$0x18DC0] =	vst v5;
	v1 =	vand.u32 $0xFFFFFFFC, v1  }
0x53: {  	[tilespmem:s18], [sflag:$0x2] =	stream.linear.gather [hbm4b:s12+s3], $0x180, $0x38;
	v1 =	vbroadcast v1, $0x0;
	[tilespmem:$0x1F680] =	vst v63  }
0x54: {  	_ =	swait.ge [sflag:s9], $0x180  }
0x55: {  	[sflag:s9] =	ssyncset.done $0x0  }
0x56: {  	s7 =	simm.s32 $0x13980;
	[sflag:s9] =	ssyncadd.s32 $0xFFFFFE80  }
0x57: {  	[tilespmem:s26], [sflag:$0x1] =	stream.indirect.gather [hbm4b:s4+s23], $0x80, s10, s23, $0xb8;
	[tilespmem:$0x1F680] =	vst v63  }
0x58: {  	v3 =	vld [tilespmem:s7+$0xFFFFFF70]  }
0x59: {  	v1 =	vld.idx.msk [tilespmem:v1+s28+$0x0], $0xffff  }
0x5a: {  	v4 =	vld [tilespmem:s7+$0xFFFFFF00]  }
0x5b: {  	v5 =	vld [tilespmem:s7+$0xFFFFFF20]  }
0x5c: {  	v6 =	vld [tilespmem:s7+$0xFFFFFF30]  }
0x5d: {  	v2 =	vld [tilespmem:s7+$0xFFFFFF50]  }
0x5e: {  	v8 =	vld [tilespmem:s7+$0xFFFFFF10];
	v3 =	vmul.f32 v3, v1  }
0x5f: {  	s16 =	simm.s32 $0x1;
	v7 =	vld [tilespmem:s7+$0xFFFFFF60];
	v4 =	vmul.f32 v4, v1  }
0x60: {  	v9 =	vld [tilespmem:s7+$0xFFFFFF40];
	v5 =	vmul.f32 v5, v1;
	[tilespmem:s7+$0xFFFFFF70] =	vst v3;
	v3 =	vmov s16  }
0x61: {  	v6 =	vmul.f32 v6, v1;
	[tilespmem:s7+$0xFFFFFF00] =	vst v4;
	v3 =	vand.u32 $0xFFFFFFFD, v3  }
0x62: {  	v2 =	vmul.f32 v2, v1;
	[tilespmem:s7+$0xFFFFFF20] =	vst v5;
	v3 =	vbroadcast v3, $0x0  }
0x63: {  	v4 =	vmul.f32 v8, v1;
	[tilespmem:s7+$0xFFFFFF30] =	vst v6  }
0x64: {  	v5 =	vmul.f32 v7, v1;
	[tilespmem:s7+$0xFFFFFF50] =	vst v2  }
0x65: {  	v1 =	vmul.f32 v9, v1;
	[tilespmem:s7+$0xFFFFFF10] =	vst v4  }
0x66: {  	[tilespmem:s7+$0xFFFFFF60] =	vst v5  }
0x67: {  	[tilespmem:s7+$0xFFFFFF40] =	vst v1;
	v1 =	vld [tilespmem:s7+$0xFFFFFF80]  }
0x68: {  	v3 =	vld.idx.msk [tilespmem:v3+s28+$0x0], $0xffff  }
0x69: {  	v2 =	vld [tilespmem:s7+$0xFFFFFFA0]  }
0x6a: {  	v4 =	vld [tilespmem:s7+$0xFFFFFF90]  }
0x6b: {  	v5 =	vld [tilespmem:s7+$0xFFFFFFD0]  }
0x6c: {  	v6 =	vld [tilespmem:s7+$0xFFFFFFE0]  }
0x6d: {  	v7 =	vld [tilespmem:s7+$0xFFFFFFF0];
	v1 =	vmul.f32 v1, v3  }
0x6e: {  	s17 =	simm.s32 $0x2;
	v8 =	vld [tilespmem:s7+$0xFFFFFFB0];
	v2 =	vmul.f32 v2, v3  }
0x6f: {  	v63 =	vld [tilespmem:s7+$0xFFFFFFC0];
	v4 =	vmul.f32 v4, v3;
	[tilespmem:s7+$0xFFFFFF80] =	vst v1;
	v1 =	vmov s17  }
0x70: {  	v5 =	vmul.f32 v5, v3;
	[tilespmem:s7+$0xFFFFFFA0] =	vst v2;
	v1 =	vand.u32 $0xFFFFFFFE, v1  }
0x71: {  	v2 =	vmul.f32 v6, v3;
	[tilespmem:s7+$0xFFFFFF90] =	vst v4;
	v4 =	vbroadcast v1, $0x0  }
0x72: {  	v6 =	vmul.f32 v7, v3;
	[tilespmem:s7+$0xFFFFFFD0] =	vst v5;
	v7 =	vld [tilespmem:s7+$0x30]  }
0x73: {  	v5 =	vmul.f32 v8, v3;
	v1 =	vld [tilespmem:s7+$0x40];
	[tilespmem:s7+$0xFFFFFFE0] =	vst v2  }
0x74: {  	v3 =	vmul.f32 v63, v3;
	v2 =	vld [tilespmem:s7+$0x70];
	[tilespmem:s7+$0xFFFFFFF0] =	vst v6  }
0x75: {  	[tilespmem:s7+$0xFFFFFFB0] =	vst v5;
	v5 =	vld [tilespmem:s7+$0x20]  }
0x76: {  	[tilespmem:s7+$0xFFFFFFC0] =	vst v3;
	v6 =	vld [tilespmem:s7+$0x0]  }
0x77: {  	v3 =	vld.idx.msk [tilespmem:v4+s28+$0x0], $0xffff  }
0x78: {  	s12 =	simm.s32 $0x13980;
	s10 =	simm.s32 $0x7;
	v4 =	vld [tilespmem:s7+$0x10]  }
.LBB2_4:
0x79: {  	p1 =	sne.s32 s10, $0x4F  }
0x7a: {  	v8 =	vld [tilespmem:s7+$0x50];
	s12 =	sadd.s32 $0x200, s12;
	s15 =	smov.u32 s10;
	s10 =	sadd.s32 $0x4, s10  }
0x7b: {  	v9 =	vld [tilespmem:s7+$0x60];
	_ =	sdelay $0x1  }
0x7c: {  	v6 =	vmul.f32 v6, v3;
	v4 =	vmul.f32 v4, v3  }
0x7d: {  	v5 =	vmul.f32 v5, v3;
	v7 =	vmul.f32 v7, v3  }
0x7e: {  	v1 =	vmul.f32 v1, v3;
	v2 =	vmul.f32 v2, v3;
	[tilespmem:s7+$0x0] =	vst v6  }
0x7f: {  	[tilespmem:s7+$0x20] =	vst v5;
	v5 =	vmul.f32 v8, v3;
	v3 =	vmul.f32 v9, v3  }
0x80: {  	[tilespmem:s7+$0x30] =	vst v7;
	v6 =	vld [tilespmem:s7+$0x80]  }
0x81: {  	[tilespmem:s7+$0x60] =	vst v3;
	v3 =	vmov s9;
	v7 =	vld [tilespmem:s7+$0xD0];
	s9 =	smov.u32 s15  }
0x82: {  	[tilespmem:s7+$0x50] =	vst v5;
	v5 =	vld [tilespmem:s7+$0xE0]  }
0x83: {  	[tilespmem:s7+$0x40] =	vst v1;
	v8 =	vld [tilespmem:s7+$0xB0]  }
0x84: {  	v1 =	vld [tilespmem:s12+$0x40];
	[tilespmem:s7+$0x70] =	vst v2  }
0x85: {  	v2 =	vld [tilespmem:s12+$0x70];
	[tilespmem:s7+$0x10] =	vst v4  }
0x86: {  	v3 =	vld.idx.msk [tilespmem:v3+s28+$0x0], $0xffff  }
0x87: {  	v4 =	vld [tilespmem:s7+$0x90]  }
0x88: {  	v9 =	vld [tilespmem:s7+$0xA0]  }
0x89: {  	v10 =	vld [tilespmem:s7+$0xC0]  }
0x8a: {  	v11 =	vld [tilespmem:s7+$0xF0];
	_ =	sdelay $0x1  }
0x8b: {  	v6 =	vmul.f32 v6, v3;
	v4 =	vmul.f32 v4, v3  }
0x8c: {  	s15 =	sadd.s32 $0xFFFFFFFD, s9;
	v8 =	vmul.f32 v8, v3;
	v9 =	vmul.f32 v9, v3  }
0x8d: {  	v12 =	vmov s15;
	v7 =	vmul.f32 v7, v3;
	[tilespmem:s7+$0x80] =	vst v6;
	v6 =	vmul.f32 v10, v3  }
0x8e: {  	v10 =	vand.u32 $0xFFFFFFFC, v12;
	[tilespmem:s7+$0x90] =	vst v4;
	v4 =	vmul.f32 v5, v3;
	v3 =	vmul.f32 v11, v3  }
0x8f: {  	v5 =	vbroadcast v10, $0x0;
	[tilespmem:s7+$0xA0] =	vst v9  }
0x90: {  	[tilespmem:s7+$0xD0] =	vst v7  }
0x91: {  	v7 =	vld [tilespmem:s12+$0xFFFFFF50];
	[tilespmem:s7+$0xB0] =	vst v8  }
0x92: {  	v8 =	vld [tilespmem:s12+$0xFFFFFF30];
	[tilespmem:s7+$0xC0] =	vst v6  }
0x93: {  	v6 =	vld [tilespmem:s12+$0xFFFFFF60];
	[tilespmem:s7+$0xE0] =	vst v4  }
0x94: {  	v4 =	vld [tilespmem:s12+$0xFFFFFF70];
	[tilespmem:s7+$0xF0] =	vst v3;
	s7 =	smov.u32 s12  }
0x95: {  	v3 =	vld.idx.msk [tilespmem:v5+s28+$0x0], $0xffff  }
0x96: {  	v5 =	vld [tilespmem:s12+$0xFFFFFF00]  }
0x97: {  	v9 =	vld [tilespmem:s12+$0xFFFFFF20]  }
0x98: {  	v10 =	vld [tilespmem:s12+$0xFFFFFF10]  }
0x99: {  	v11 =	vld [tilespmem:s12+$0xFFFFFF40];
	_ =	sdelay $0x1  }
0x9a: {  	v4 =	vmul.f32 v4, v3;
	v5 =	vmul.f32 v5, v3  }
0x9b: {  	s15 =	sadd.s32 $0xFFFFFFFE, s9;
	v6 =	vmul.f32 v6, v3;
	v9 =	vmul.f32 v9, v3  }
0x9c: {  	v8 =	vmul.f32 v8, v3;
	v10 =	vmul.f32 v10, v3;
	[tilespmem:s12+$0xFFFFFF70] =	vst v4;
	v4 =	vmov s15  }
0x9d: {  	[tilespmem:s12+$0xFFFFFF00] =	vst v5;
	v5 =	vmul.f32 v11, v3;
	v3 =	vmul.f32 v7, v3;
	v4 =	vand.u32 $0xFFFFFFFD, v4  }
0x9e: {  	[tilespmem:s12+$0xFFFFFF20] =	vst v9;
	v4 =	vbroadcast v4, $0x0  }
0x9f: {  	[tilespmem:s12+$0xFFFFFF30] =	vst v8  }
0xa0: {  	[tilespmem:s12+$0xFFFFFF50] =	vst v3;
	v3 =	vld [tilespmem:s12+$0xFFFFFFF0]  }
0xa1: {  	[tilespmem:s12+$0xFFFFFF10] =	vst v10;
	v7 =	vld [tilespmem:s12+$0xFFFFFFD0]  }
0xa2: {  	[tilespmem:s12+$0xFFFFFF60] =	vst v6;
	v6 =	vld [tilespmem:s12+$0xFFFFFFB0]  }
0xa3: {  	[tilespmem:s12+$0xFFFFFF40] =	vst v5;
	v5 =	vld [tilespmem:s12+$0xFFFFFF90]  }
0xa4: {  	v4 =	vld.idx.msk [tilespmem:v4+s28+$0x0], $0xffff  }
0xa5: {  	v8 =	vld [tilespmem:s12+$0xFFFFFF80]  }
0xa6: {  	v9 =	vld [tilespmem:s12+$0xFFFFFFA0]  }
0xa7: {  	v10 =	vld [tilespmem:s12+$0xFFFFFFC0]  }
0xa8: {  	v11 =	vld [tilespmem:s12+$0xFFFFFFE0];
	_ =	sdelay $0x1  }
0xa9: {  	v5 =	vmul.f32 v5, v4;
	v8 =	vmul.f32 v8, v4  }
0xaa: {  	s15 =	sadd.s32 $0xFFFFFFFF, s9;
	v6 =	vmul.f32 v6, v4;
	v9 =	vmul.f32 v9, v4  }
0xab: {  	v7 =	vmul.f32 v7, v4;
	[tilespmem:s12+$0xFFFFFF80] =	vst v8;
	v8 =	vmul.f32 v10, v4;
	v10 =	vmov s15  }
0xac: {  	v3 =	vmul.f32 v3, v4;
	[tilespmem:s12+$0xFFFFFFA0] =	vst v9;
	v9 =	vmul.f32 v11, v4;
	v4 =	vand.u32 $0xFFFFFFFE, v10  }
0xad: {  	[tilespmem:s12+$0xFFFFFF90] =	vst v5;
	v4 =	vbroadcast v4, $0x0  }
0xae: {  	[tilespmem:s12+$0xFFFFFFD0] =	vst v7  }
0xaf: {  	[tilespmem:s12+$0xFFFFFFE0] =	vst v9  }
0xb0: {  	[tilespmem:s12+$0xFFFFFFB0] =	vst v6  }
.Ltmp1:
0xb1: {  	[tilespmem:s12+$0xFFFFFFF0] =	vst v3;
	v5 =	vld [tilespmem:s12+$0x20];
	(pc) =	sbr.rel @p1 .LBB2_4-.Ltmp1, $4  }
0xb2: {  	[tilespmem:s12+$0xFFFFFFC0] =	vst v8;
	v6 =	vld [tilespmem:s12+$0x0]  }
0xb3: {  	v3 =	vld.idx.msk [tilespmem:v4+s28+$0x0], $0xffff  }
0xb4: {  	v4 =	vld [tilespmem:s12+$0x10]  }
0xb5: {  	v7 =	vld [tilespmem:s12+$0x30]  }
0xb6: {  	_ =	sdelay $0x1  }
0xb7: {  	v8 =	vld [tilespmem:s7+$0x60];
	v6 =	vmul.f32 v6, v3  }
0xb8: {  	v9 =	vld [tilespmem:s7+$0x50];
	v5 =	vmul.f32 v5, v3  }
0xb9: {  	v1 =	vmul.f32 v1, v3;
	[tilespmem:s7+$0x0] =	vst v6  }
0xba: {  	v2 =	vmul.f32 v2, v3;
	[tilespmem:s7+$0x20] =	vst v5  }
0xbb: {  	v7 =	vmul.f32 v7, v3;
	[tilespmem:s7+$0x40] =	vst v1  }
0xbc: {  	v57 =	vmov s9;
	[tilespmem:s7+$0x70] =	vst v2;
	v54 =	vmul.f32 v8, v3  }
0xbd: {  	v55 =	vmul.f32 v9, v3;
	[tilespmem:s7+$0x30] =	vst v7  }
0xbe: {  	v3 =	vmul.f32 v4, v3;
	[tilespmem:s7+$0x60] =	vst v54  }
0xbf: {  	[tilespmem:s7+$0x50] =	vst v55  }
0xc0: {  	v56 =	vld [tilespmem:s7+$0x80];
	[tilespmem:s7+$0x10] =	vst v3  }
0xc1: {  	v1 =	vld.idx.msk [tilespmem:v57+s28+$0x0], $0xffff  }
0xc2: {  	v2 =	vld [tilespmem:s7+$0x90]  }
0xc3: {  	v3 =	vld [tilespmem:s7+$0xA0]  }
0xc4: {  	v58 =	vld [tilespmem:s7+$0xD0]  }
0xc5: {  	v61 =	vld [tilespmem:s7+$0xE0]  }
0xc6: {  	v59 =	vld [tilespmem:s7+$0xB0];
	v7 =	vmul.f32 v56, v1  }
0xc7: {  	v60 =	vld [tilespmem:s7+$0xC0];
	v2 =	vmul.f32 v2, v1  }
0xc8: {  	v62 =	vld [tilespmem:s7+$0xF0];
	v3 =	vmul.f32 v3, v1;
	[tilespmem:s7+$0x80] =	vst v7  }
0xc9: {  	v4 =	vmul.f32 v58, v1;
	[tilespmem:s7+$0x90] =	vst v2  }
0xca: {  	v63 =	vmul.f32 v61, v1;
	[tilespmem:s7+$0xA0] =	vst v3  }
0xcb: {  	v2 =	vmul.f32 v59, v1;
	[tilespmem:s7+$0xD0] =	vst v4  }
0xcc: {  	v3 =	vmul.f32 v60, v1;
	[tilespmem:s7+$0xE0] =	vst v63  }
0xcd: {  	v1 =	vmul.f32 v62, v1;
	[tilespmem:s7+$0xB0] =	vst v2  }
0xce: {  	[tilespmem:s7+$0xC0] =	vst v3  }
0xcf: {  	[tilespmem:s7+$0xF0] =	vst v1;
	s7 =	simm.s32 $0x0  }
0xd0: {  	[spmem:s1] =	stream.indirect.scatter.add.f32 [tilespmem:s24], [sflag:$0x4], $0x80, s29, s23, $0xb8;
	[tilespmem:$0x1F680] =	vst v63  }
.LBB2_6:
0xd1: {  	_ =	swait.ge [sflag:s25], $0x2800  }
0xd2: {  	[sflag:s25] =	ssyncset.done $0x0  }
0xd3: {  	[sflag:s25] =	ssyncadd.s32 $0xFFFFD800  }
0xd4: {  	v1 =	vld [tilespmem:$0x18B00]  }
0xd5: {  	v2 =	vld [tilespmem:$0x18B80]  }
0xd6: {  	v3 =	vld [tilespmem:$0x18B10]  }
0xd7: {  	v4 =	vld [tilespmem:$0x18B90]  }
0xd8: {  	v5 =	vld [tilespmem:$0x18B20]  }
0xd9: {  	[tilespmem:$0x18D00] =	vst v1;
	v1 =	vld [tilespmem:$0x18BA0]  }
0xda: {  	[tilespmem:$0x18E00] =	vst v2;
	v2 =	vld [tilespmem:$0x18B30]  }
0xdb: {  	[tilespmem:$0x18D10] =	vst v3;
	v3 =	vld [tilespmem:$0x18BB0]  }
0xdc: {  	[tilespmem:$0x18E10] =	vst v4;
	v4 =	vld [tilespmem:$0x18B40]  }
0xdd: {  	[tilespmem:$0x18D20] =	vst v5;
	v5 =	vld [tilespmem:$0x18BC0]  }
0xde: {  	[tilespmem:$0x18E20] =	vst v1  }
0xdf: {  	p1 =	seq.s32 s7, $0x3D;
	s9 =	sshll.u32 s7, $0xA;
	[tilespmem:$0x18D30] =	vst v2  }
0xe0: {  	s10 =	sadd.s32 @!p1 s9, s13;
	[tilespmem:$0x18E30] =	vst v3  }
0xe1: {  	s10 =	sshrl.u32 @!p1 s10, $0x3;
	[tilespmem:$0x18D40] =	vst v4  }
0xe2: {  	s12 =	simm.s32 @!p1 $0x0;
	s15 =	simm.s32 @!p1 $0x18A80;
	s10 =	sadd.s32 @!p1 s5, s10;
	[tilespmem:$0x18E40] =	vst v5  }
0xe3: {  	[tilespmem:s15], [sflag:$0x3] =	stream.linear.gather @!p1 [hbm4b:s10+s12], $0x180, $0x38;
	[tilespmem:$0x1F680] =	vst v63  }
0xe4: {  	s15 =	simm.s32 $0x0  }
0xe5: {  	_ =	swait.ge [sflag:s22], $0x180;
	v1 =	vmov s15  }
0xe6: {  	[sflag:s22] =	ssyncset.done $0x0;
	v1 =	vand.u32 $0xFFFFFFFC, v1  }
0xe7: {  	[sflag:s22] =	ssyncadd.s32 $0xFFFFFE80;
	v1 =	vbroadcast v1, $0x0  }
0xe8: {  	_ =	swait.ge [sflag:s30], $0x2800  }
0xe9: {  	[sflag:s30] =	ssyncset.done $0x0  }
0xea: {  	s10 =	simm.s32 $0x16180;
	[sflag:s30] =	ssyncadd.s32 $0xFFFFD800  }
0xeb: {  	[tilespmem:s24], [sflag:$0x1] =	stream.indirect.gather [hbm4b:s4+s23], $0x80, s18, s23, $0xb8;
	[tilespmem:$0x1F680] =	vst v63  }
0xec: {  	v3 =	vld [tilespmem:s10+$0xFFFFFF70]  }
0xed: {  	v1 =	vld.idx.msk [tilespmem:v1+s31+$0x0], $0xffff  }
0xee: {  	v4 =	vld [tilespmem:s10+$0xFFFFFF00]  }
0xef: {  	v5 =	vld [tilespmem:s10+$0xFFFFFF20]  }
0xf0: {  	v6 =	vld [tilespmem:s10+$0xFFFFFF30]  }
0xf1: {  	v2 =	vld [tilespmem:s10+$0xFFFFFF50]  }
0xf2: {  	v8 =	vld [tilespmem:s10+$0xFFFFFF10];
	v3 =	vmul.f32 v3, v1  }
0xf3: {  	s16 =	simm.s32 $0x1;
	v7 =	vld [tilespmem:s10+$0xFFFFFF60];
	v4 =	vmul.f32 v4, v1  }
0xf4: {  	v9 =	vld [tilespmem:s10+$0xFFFFFF40];
	v5 =	vmul.f32 v5, v1;
	[tilespmem:s10+$0xFFFFFF70] =	vst v3;
	v3 =	vmov s16  }
0xf5: {  	v6 =	vmul.f32 v6, v1;
	[tilespmem:s10+$0xFFFFFF00] =	vst v4;
	v3 =	vand.u32 $0xFFFFFFFD, v3  }
0xf6: {  	v2 =	vmul.f32 v2, v1;
	[tilespmem:s10+$0xFFFFFF20] =	vst v5;
	v3 =	vbroadcast v3, $0x0  }
0xf7: {  	v4 =	vmul.f32 v8, v1;
	[tilespmem:s10+$0xFFFFFF30] =	vst v6  }
0xf8: {  	v5 =	vmul.f32 v7, v1;
	[tilespmem:s10+$0xFFFFFF50] =	vst v2  }
0xf9: {  	v1 =	vmul.f32 v9, v1;
	[tilespmem:s10+$0xFFFFFF10] =	vst v4  }
0xfa: {  	[tilespmem:s10+$0xFFFFFF60] =	vst v5  }
0xfb: {  	[tilespmem:s10+$0xFFFFFF40] =	vst v1;
	v1 =	vld [tilespmem:s10+$0xFFFFFF80]  }
0xfc: {  	v3 =	vld.idx.msk [tilespmem:v3+s31+$0x0], $0xffff  }
0xfd: {  	v2 =	vld [tilespmem:s10+$0xFFFFFFA0]  }
0xfe: {  	v4 =	vld [tilespmem:s10+$0xFFFFFF90]  }
0xff: {  	v5 =	vld [tilespmem:s10+$0xFFFFFFD0]  }
0x100: {  	v6 =	vld [tilespmem:s10+$0xFFFFFFE0]  }
0x101: {  	v7 =	vld [tilespmem:s10+$0xFFFFFFF0];
	v1 =	vmul.f32 v1, v3  }
0x102: {  	s17 =	simm.s32 $0x2;
	v8 =	vld [tilespmem:s10+$0xFFFFFFB0];
	v2 =	vmul.f32 v2, v3  }
0x103: {  	v63 =	vld [tilespmem:s10+$0xFFFFFFC0];
	v4 =	vmul.f32 v4, v3;
	[tilespmem:s10+$0xFFFFFF80] =	vst v1;
	v1 =	vmov s17  }
0x104: {  	v5 =	vmul.f32 v5, v3;
	[tilespmem:s10+$0xFFFFFFA0] =	vst v2;
	v1 =	vand.u32 $0xFFFFFFFE, v1  }
0x105: {  	v2 =	vmul.f32 v6, v3;
	[tilespmem:s10+$0xFFFFFF90] =	vst v4;
	v4 =	vbroadcast v1, $0x0  }
0x106: {  	v6 =	vmul.f32 v7, v3;
	[tilespmem:s10+$0xFFFFFFD0] =	vst v5;
	v7 =	vld [tilespmem:s10+$0x30]  }
0x107: {  	v5 =	vmul.f32 v8, v3;
	v1 =	vld [tilespmem:s10+$0x40];
	[tilespmem:s10+$0xFFFFFFE0] =	vst v2  }
0x108: {  	v3 =	vmul.f32 v63, v3;
	v2 =	vld [tilespmem:s10+$0x70];
	[tilespmem:s10+$0xFFFFFFF0] =	vst v6  }
0x109: {  	[tilespmem:s10+$0xFFFFFFB0] =	vst v5;
	v5 =	vld [tilespmem:s10+$0x20]  }
0x10a: {  	[tilespmem:s10+$0xFFFFFFC0] =	vst v3;
	v6 =	vld [tilespmem:s10+$0x0]  }
0x10b: {  	v3 =	vld.idx.msk [tilespmem:v4+s31+$0x0], $0xffff  }
0x10c: {  	s12 =	simm.s32 $0x3;
	s15 =	simm.s32 $0x7;
	s16 =	simm.s32 $0x16180;
	v4 =	vld [tilespmem:s10+$0x10]  }
.LBB2_7:
0x10d: {  	p2 =	sne.s32 s15, $0x4F  }
0x10e: {  	v8 =	vld [tilespmem:s10+$0x50];
	s16 =	sadd.s32 $0x200, s16;
	s17 =	smov.u32 s15;
	s15 =	sadd.s32 $0x4, s15  }
0x10f: {  	v9 =	vld [tilespmem:s10+$0x60];
	_ =	sdelay $0x1  }
0x110: {  	v6 =	vmul.f32 v6, v3;
	v4 =	vmul.f32 v4, v3  }
0x111: {  	v5 =	vmul.f32 v5, v3;
	v7 =	vmul.f32 v7, v3  }
0x112: {  	v1 =	vmul.f32 v1, v3;
	v2 =	vmul.f32 v2, v3;
	[tilespmem:s10+$0x0] =	vst v6  }
0x113: {  	[tilespmem:s10+$0x20] =	vst v5;
	v5 =	vmul.f32 v8, v3;
	v3 =	vmul.f32 v9, v3  }
0x114: {  	[tilespmem:s10+$0x30] =	vst v7;
	v6 =	vld [tilespmem:s10+$0x80]  }
0x115: {  	[tilespmem:s10+$0x60] =	vst v3;
	v3 =	vmov s12;
	v7 =	vld [tilespmem:s10+$0xD0];
	s12 =	smov.u32 s17  }
0x116: {  	[tilespmem:s10+$0x50] =	vst v5;
	v5 =	vld [tilespmem:s10+$0xE0]  }
0x117: {  	[tilespmem:s10+$0x40] =	vst v1;
	v8 =	vld [tilespmem:s10+$0xB0]  }
0x118: {  	v1 =	vld [tilespmem:s16+$0x40];
	[tilespmem:s10+$0x70] =	vst v2  }
0x119: {  	v2 =	vld [tilespmem:s16+$0x70];
	[tilespmem:s10+$0x10] =	vst v4  }
0x11a: {  	v3 =	vld.idx.msk [tilespmem:v3+s31+$0x0], $0xffff  }
0x11b: {  	v4 =	vld [tilespmem:s10+$0x90]  }
0x11c: {  	v9 =	vld [tilespmem:s10+$0xA0]  }
0x11d: {  	v10 =	vld [tilespmem:s10+$0xC0]  }
0x11e: {  	v11 =	vld [tilespmem:s10+$0xF0];
	_ =	sdelay $0x1  }
0x11f: {  	v6 =	vmul.f32 v6, v3;
	v4 =	vmul.f32 v4, v3  }
0x120: {  	s17 =	sadd.s32 $0xFFFFFFFD, s12;
	v8 =	vmul.f32 v8, v3;
	v9 =	vmul.f32 v9, v3  }
0x121: {  	v12 =	vmov s17;
	v7 =	vmul.f32 v7, v3;
	[tilespmem:s10+$0x80] =	vst v6;
	v6 =	vmul.f32 v10, v3  }
0x122: {  	v10 =	vand.u32 $0xFFFFFFFC, v12;
	[tilespmem:s10+$0x90] =	vst v4;
	v4 =	vmul.f32 v5, v3;
	v3 =	vmul.f32 v11, v3  }
0x123: {  	v5 =	vbroadcast v10, $0x0;
	[tilespmem:s10+$0xA0] =	vst v9  }
0x124: {  	[tilespmem:s10+$0xD0] =	vst v7  }
0x125: {  	v7 =	vld [tilespmem:s16+$0xFFFFFF50];
	[tilespmem:s10+$0xB0] =	vst v8  }
0x126: {  	v8 =	vld [tilespmem:s16+$0xFFFFFF30];
	[tilespmem:s10+$0xC0] =	vst v6  }
0x127: {  	v6 =	vld [tilespmem:s16+$0xFFFFFF60];
	[tilespmem:s10+$0xE0] =	vst v4  }
0x128: {  	v4 =	vld [tilespmem:s16+$0xFFFFFF70];
	[tilespmem:s10+$0xF0] =	vst v3;
	s10 =	smov.u32 s16  }
0x129: {  	v3 =	vld.idx.msk [tilespmem:v5+s31+$0x0], $0xffff  }
0x12a: {  	v5 =	vld [tilespmem:s16+$0xFFFFFF00]  }
0x12b: {  	v9 =	vld [tilespmem:s16+$0xFFFFFF20]  }
0x12c: {  	v10 =	vld [tilespmem:s16+$0xFFFFFF10]  }
0x12d: {  	v11 =	vld [tilespmem:s16+$0xFFFFFF40];
	_ =	sdelay $0x1  }
0x12e: {  	v4 =	vmul.f32 v4, v3;
	v5 =	vmul.f32 v5, v3  }
0x12f: {  	s17 =	sadd.s32 $0xFFFFFFFE, s12;
	v6 =	vmul.f32 v6, v3;
	v9 =	vmul.f32 v9, v3  }
0x130: {  	v8 =	vmul.f32 v8, v3;
	v10 =	vmul.f32 v10, v3;
	[tilespmem:s16+$0xFFFFFF70] =	vst v4;
	v4 =	vmov s17  }
0x131: {  	[tilespmem:s16+$0xFFFFFF00] =	vst v5;
	v5 =	vmul.f32 v11, v3;
	v3 =	vmul.f32 v7, v3;
	v4 =	vand.u32 $0xFFFFFFFD, v4  }
0x132: {  	[tilespmem:s16+$0xFFFFFF20] =	vst v9;
	v4 =	vbroadcast v4, $0x0  }
0x133: {  	[tilespmem:s16+$0xFFFFFF30] =	vst v8  }
0x134: {  	[tilespmem:s16+$0xFFFFFF50] =	vst v3;
	v3 =	vld [tilespmem:s16+$0xFFFFFFF0]  }
0x135: {  	[tilespmem:s16+$0xFFFFFF10] =	vst v10;
	v7 =	vld [tilespmem:s16+$0xFFFFFFD0]  }
0x136: {  	[tilespmem:s16+$0xFFFFFF60] =	vst v6;
	v6 =	vld [tilespmem:s16+$0xFFFFFFB0]  }
0x137: {  	[tilespmem:s16+$0xFFFFFF40] =	vst v5;
	v5 =	vld [tilespmem:s16+$0xFFFFFF90]  }
0x138: {  	v4 =	vld.idx.msk [tilespmem:v4+s31+$0x0], $0xffff  }
0x139: {  	v8 =	vld [tilespmem:s16+$0xFFFFFF80]  }
0x13a: {  	v9 =	vld [tilespmem:s16+$0xFFFFFFA0]  }
0x13b: {  	v10 =	vld [tilespmem:s16+$0xFFFFFFC0]  }
0x13c: {  	v11 =	vld [tilespmem:s16+$0xFFFFFFE0];
	_ =	sdelay $0x1  }
0x13d: {  	v5 =	vmul.f32 v5, v4;
	v8 =	vmul.f32 v8, v4  }
0x13e: {  	s17 =	sadd.s32 $0xFFFFFFFF, s12;
	v6 =	vmul.f32 v6, v4;
	v9 =	vmul.f32 v9, v4  }
0x13f: {  	v7 =	vmul.f32 v7, v4;
	[tilespmem:s16+$0xFFFFFF80] =	vst v8;
	v8 =	vmul.f32 v10, v4;
	v10 =	vmov s17  }
0x140: {  	v3 =	vmul.f32 v3, v4;
	[tilespmem:s16+$0xFFFFFFA0] =	vst v9;
	v9 =	vmul.f32 v11, v4;
	v4 =	vand.u32 $0xFFFFFFFE, v10  }
0x141: {  	[tilespmem:s16+$0xFFFFFF90] =	vst v5;
	v4 =	vbroadcast v4, $0x0  }
0x142: {  	[tilespmem:s16+$0xFFFFFFD0] =	vst v7  }
0x143: {  	[tilespmem:s16+$0xFFFFFFE0] =	vst v9  }
0x144: {  	[tilespmem:s16+$0xFFFFFFB0] =	vst v6  }
.Ltmp2:
0x145: {  	[tilespmem:s16+$0xFFFFFFF0] =	vst v3;
	v5 =	vld [tilespmem:s16+$0x20];
	(pc) =	sbr.rel @p2 .LBB2_7-.Ltmp2, $4  }
0x146: {  	[tilespmem:s16+$0xFFFFFFC0] =	vst v8;
	v6 =	vld [tilespmem:s16+$0x0]  }
0x147: {  	v3 =	vld.idx.msk [tilespmem:v4+s31+$0x0], $0xffff  }
0x148: {  	v4 =	vld [tilespmem:s16+$0x10]  }
0x149: {  	v7 =	vld [tilespmem:s16+$0x30]  }
0x14a: {  	v8 =	vld [tilespmem:s10+$0x60];
	_ =	sdelay $0x1  }
0x14b: {  	v6 =	vmul.f32 v6, v3  }
0x14c: {  	v9 =	vld [tilespmem:s10+$0x50];
	v5 =	vmul.f32 v5, v3  }
0x14d: {  	v1 =	vmul.f32 v1, v3;
	[tilespmem:s10+$0x0] =	vst v6  }
0x14e: {  	[tilespmem:s10+$0x20] =	vst v5;
	v5 =	vmul.f32 v8, v3  }
0x14f: {  	v2 =	vmul.f32 v2, v3;
	[tilespmem:s10+$0x40] =	vst v1  }
0x150: {  	v7 =	vmul.f32 v7, v3;
	[tilespmem:s10+$0x60] =	vst v5;
	v5 =	vmov s12  }
0x151: {  	[tilespmem:s10+$0x70] =	vst v2;
	v6 =	vmul.f32 v9, v3  }
0x152: {  	v3 =	vmul.f32 v4, v3;
	[tilespmem:s10+$0x30] =	vst v7  }
0x153: {  	[tilespmem:s10+$0x50] =	vst v6  }
0x154: {  	v7 =	vld [tilespmem:s10+$0x80];
	[tilespmem:s10+$0x10] =	vst v3  }
0x155: {  	v1 =	vld.idx.msk [tilespmem:v5+s31+$0x0], $0xffff  }
0x156: {  	v2 =	vld [tilespmem:s10+$0x90]  }
0x157: {  	v3 =	vld [tilespmem:s10+$0xA0]  }
0x158: {  	v4 =	vld [tilespmem:s10+$0xD0]  }
0x159: {  	v5 =	vld [tilespmem:s10+$0xB0]  }
0x15a: {  	v6 =	vld [tilespmem:s10+$0xC0];
	v7 =	vmul.f32 v7, v1  }
0x15b: {  	v8 =	vld [tilespmem:s10+$0xE0];
	v2 =	vmul.f32 v2, v1  }
0x15c: {  	v61 =	vld [tilespmem:s10+$0xF0];
	v3 =	vmul.f32 v3, v1;
	[tilespmem:s10+$0x80] =	vst v7  }
0x15d: {  	v4 =	vmul.f32 v4, v1;
	[tilespmem:s10+$0x90] =	vst v2  }
0x15e: {  	v2 =	vmul.f32 v5, v1;
	[tilespmem:s10+$0xA0] =	vst v3  }
0x15f: {  	v3 =	vmul.f32 v6, v1;
	[tilespmem:s10+$0xD0] =	vst v4  }
0x160: {  	v4 =	vmul.f32 v8, v1;
	[tilespmem:s10+$0xB0] =	vst v2  }
0x161: {  	v1 =	vmul.f32 v61, v1;
	[tilespmem:s10+$0xC0] =	vst v3  }
0x162: {  	[tilespmem:s10+$0xE0] =	vst v4  }
0x163: {  	[tilespmem:s10+$0xF0] =	vst v1  }
0x164: {  	[spmem:s1] =	stream.indirect.scatter.add.f32 [tilespmem:s26], [sflag:$0x5], $0x80, s0, s23, $0xb8;
	[tilespmem:$0x1F680] =	vst v63  }
0x165: {  	_ =	swait.ge [sflag:s25], $0x2800  }
0x166: {  	[sflag:s25] =	ssyncset.done $0x0  }
0x167: {  	[sflag:s25] =	ssyncadd.s32 $0xFFFFD800  }
0x168: {  	v1 =	vld [tilespmem:$0x18900]  }
0x169: {  	v2 =	vld [tilespmem:$0x18980]  }
0x16a: {  	v3 =	vld [tilespmem:$0x18910]  }
0x16b: {  	v4 =	vld [tilespmem:$0x18990]  }
0x16c: {  	v5 =	vld [tilespmem:$0x18920]  }
0x16d: {  	[tilespmem:$0x18C80] =	vst v1;
	v1 =	vld [tilespmem:$0x189A0]  }
0x16e: {  	[tilespmem:$0x18D80] =	vst v2;
	v2 =	vld [tilespmem:$0x18930]  }
0x16f: {  	[tilespmem:$0x18C90] =	vst v3;
	v3 =	vld [tilespmem:$0x189B0]  }
0x170: {  	[tilespmem:$0x18D90] =	vst v4;
	v4 =	vld [tilespmem:$0x18940]  }
0x171: {  	[tilespmem:$0x18CA0] =	vst v5;
	v5 =	vld [tilespmem:$0x189C0]  }
0x172: {  	[tilespmem:$0x18DA0] =	vst v1  }
0x173: {  	[tilespmem:$0x18CB0] =	vst v2  }
0x174: {  	s9 =	sadd.s32 @!p1 s9, s14;
	[tilespmem:$0x18DB0] =	vst v3  }
0x175: {  	s9 =	sshrl.u32 @!p1 s9, $0x3;
	[tilespmem:$0x18CC0] =	vst v4  }
0x176: {  	s9 =	sadd.s32 @!p1 s5, s9;
	s12 =	simm.s32 @!p1 $0x18880;
	s10 =	simm.s32 @!p1 $0x0;
	[tilespmem:$0x18DC0] =	vst v5  }
0x177: {  	[tilespmem:s12], [sflag:$0x2] =	stream.linear.gather @!p1 [hbm4b:s9+s10], $0x180, $0x38;
	[tilespmem:$0x1F680] =	vst v63  }
0x178: {  	s9 =	simm.s32 @!p1 $0x3  }
0x179: {  	s15 =	simm.s32 $0x0;
	_ =	swait.ge @!p1 [sflag:s9], $0x180  }
0x17a: {  	v1 =	vmov s15;
	[sflag:s9] =	ssyncset.done @!p1 $0x0  }
0x17b: {  	v1 =	vand.u32 $0xFFFFFFFC, v1;
	[sflag:s9] =	ssyncadd.s32 @!p1 $0xFFFFFE80;
	s9 =	simm.s32 @!p1 $0x5  }
0x17c: {  	v1 =	vbroadcast v1, $0x0;
	_ =	swait.ge @!p1 [sflag:s9], $0x2800  }
0x17d: {  	s10 =	simm.s32 @!p1 $0x18A80;
	[sflag:s9] =	ssyncset.done @!p1 $0x0  }
0x17e: {  	s12 =	simm.s32 @!p1 $0x16080;
	[sflag:s9] =	ssyncadd.s32 @!p1 $0xFFFFD800;
	s9 =	simm.s32 @!p1 $0x50  }
0x17f: {  	[tilespmem:s12], [sflag:$0x1] =	stream.indirect.gather @!p1 [hbm4b:s4+s9], $0x80, s10, s9, $0xb8;
	[tilespmem:$0x1F680] =	vst v63  }
0x180: {  	s9 =	simm.s32 $0x13980  }
0x181: {  	v3 =	vld [tilespmem:s9+$0xFFFFFF70]  }
0x182: {  	v1 =	vld.idx.msk [tilespmem:v1+s28+$0x0], $0xffff  }
0x183: {  	v4 =	vld [tilespmem:s9+$0xFFFFFF00]  }
0x184: {  	v5 =	vld [tilespmem:s9+$0xFFFFFF20]  }
0x185: {  	v6 =	vld [tilespmem:s9+$0xFFFFFF30]  }
0x186: {  	v2 =	vld [tilespmem:s9+$0xFFFFFF50]  }
0x187: {  	v8 =	vld [tilespmem:s9+$0xFFFFFF10];
	v3 =	vmul.f32 v3, v1  }
0x188: {  	s16 =	simm.s32 $0x1;
	v7 =	vld [tilespmem:s9+$0xFFFFFF60];
	v4 =	vmul.f32 v4, v1  }
0x189: {  	v62 =	vld [tilespmem:s9+$0xFFFFFF40];
	v5 =	vmul.f32 v5, v1;
	[tilespmem:s9+$0xFFFFFF70] =	vst v3;
	v3 =	vmov s16  }
0x18a: {  	v6 =	vmul.f32 v6, v1;
	[tilespmem:s9+$0xFFFFFF00] =	vst v4;
	v3 =	vand.u32 $0xFFFFFFFD, v3  }
0x18b: {  	v2 =	vmul.f32 v2, v1;
	[tilespmem:s9+$0xFFFFFF20] =	vst v5;
	v3 =	vbroadcast v3, $0x0  }
0x18c: {  	v4 =	vmul.f32 v8, v1;
	[tilespmem:s9+$0xFFFFFF30] =	vst v6  }
0x18d: {  	v5 =	vmul.f32 v7, v1;
	[tilespmem:s9+$0xFFFFFF50] =	vst v2  }
0x18e: {  	v1 =	vmul.f32 v62, v1;
	[tilespmem:s9+$0xFFFFFF10] =	vst v4  }
0x18f: {  	[tilespmem:s9+$0xFFFFFF60] =	vst v5  }
0x190: {  	[tilespmem:s9+$0xFFFFFF40] =	vst v1;
	v1 =	vld [tilespmem:s9+$0xFFFFFF80]  }
0x191: {  	v3 =	vld.idx.msk [tilespmem:v3+s28+$0x0], $0xffff  }
0x192: {  	v2 =	vld [tilespmem:s9+$0xFFFFFFA0]  }
0x193: {  	v4 =	vld [tilespmem:s9+$0xFFFFFF90]  }
0x194: {  	v5 =	vld [tilespmem:s9+$0xFFFFFFD0]  }
0x195: {  	v6 =	vld [tilespmem:s9+$0xFFFFFFE0]  }
0x196: {  	v7 =	vld [tilespmem:s9+$0xFFFFFFF0];
	v1 =	vmul.f32 v1, v3  }
0x197: {  	s17 =	simm.s32 $0x2;
	v8 =	vld [tilespmem:s9+$0xFFFFFFB0];
	v2 =	vmul.f32 v2, v3  }
0x198: {  	v63 =	vld [tilespmem:s9+$0xFFFFFFC0];
	v4 =	vmul.f32 v4, v3;
	[tilespmem:s9+$0xFFFFFF80] =	vst v1;
	v1 =	vmov s17  }
0x199: {  	v5 =	vmul.f32 v5, v3;
	[tilespmem:s9+$0xFFFFFFA0] =	vst v2;
	v1 =	vand.u32 $0xFFFFFFFE, v1  }
0x19a: {  	v2 =	vmul.f32 v6, v3;
	[tilespmem:s9+$0xFFFFFF90] =	vst v4;
	v4 =	vbroadcast v1, $0x0  }
0x19b: {  	v6 =	vmul.f32 v7, v3;
	[tilespmem:s9+$0xFFFFFFD0] =	vst v5;
	v7 =	vld [tilespmem:s9+$0x30]  }
0x19c: {  	v5 =	vmul.f32 v8, v3;
	v1 =	vld [tilespmem:s9+$0x40];
	[tilespmem:s9+$0xFFFFFFE0] =	vst v2  }
0x19d: {  	v3 =	vmul.f32 v63, v3;
	v2 =	vld [tilespmem:s9+$0x70];
	[tilespmem:s9+$0xFFFFFFF0] =	vst v6  }
0x19e: {  	[tilespmem:s9+$0xFFFFFFB0] =	vst v5;
	v5 =	vld [tilespmem:s9+$0x20]  }
0x19f: {  	[tilespmem:s9+$0xFFFFFFC0] =	vst v3;
	v6 =	vld [tilespmem:s9+$0x0]  }
0x1a0: {  	v3 =	vld.idx.msk [tilespmem:v4+s28+$0x0], $0xffff  }
0x1a1: {  	s15 =	simm.s32 $0x13980;
	s10 =	simm.s32 $0x3;
	s12 =	simm.s32 $0x7;
	v4 =	vld [tilespmem:s9+$0x10]  }
.LBB2_9:
0x1a2: {  	p1 =	sne.s32 s12, $0x4F  }
0x1a3: {  	v8 =	vld [tilespmem:s9+$0x50];
	s15 =	sadd.s32 $0x200, s15;
	s16 =	smov.u32 s12;
	s12 =	sadd.s32 $0x4, s12  }
0x1a4: {  	v9 =	vld [tilespmem:s9+$0x60];
	_ =	sdelay $0x1  }
0x1a5: {  	v6 =	vmul.f32 v6, v3;
	v4 =	vmul.f32 v4, v3  }
0x1a6: {  	v5 =	vmul.f32 v5, v3;
	v7 =	vmul.f32 v7, v3  }
0x1a7: {  	v1 =	vmul.f32 v1, v3;
	v2 =	vmul.f32 v2, v3;
	[tilespmem:s9+$0x0] =	vst v6  }
0x1a8: {  	[tilespmem:s9+$0x20] =	vst v5;
	v5 =	vmul.f32 v8, v3;
	v3 =	vmul.f32 v9, v3  }
0x1a9: {  	[tilespmem:s9+$0x30] =	vst v7;
	v6 =	vld [tilespmem:s9+$0x80]  }
0x1aa: {  	[tilespmem:s9+$0x60] =	vst v3;
	v3 =	vmov s10;
	v7 =	vld [tilespmem:s9+$0xD0];
	s10 =	smov.u32 s16  }
0x1ab: {  	[tilespmem:s9+$0x50] =	vst v5;
	v5 =	vld [tilespmem:s9+$0xE0]  }
0x1ac: {  	[tilespmem:s9+$0x40] =	vst v1;
	v8 =	vld [tilespmem:s9+$0xB0]  }
0x1ad: {  	v1 =	vld [tilespmem:s15+$0x40];
	[tilespmem:s9+$0x70] =	vst v2  }
0x1ae: {  	v2 =	vld [tilespmem:s15+$0x70];
	[tilespmem:s9+$0x10] =	vst v4  }
0x1af: {  	v3 =	vld.idx.msk [tilespmem:v3+s28+$0x0], $0xffff  }
0x1b0: {  	v4 =	vld [tilespmem:s9+$0x90]  }
0x1b1: {  	v9 =	vld [tilespmem:s9+$0xA0]  }
0x1b2: {  	v10 =	vld [tilespmem:s9+$0xC0]  }
0x1b3: {  	v11 =	vld [tilespmem:s9+$0xF0];
	_ =	sdelay $0x1  }
0x1b4: {  	v6 =	vmul.f32 v6, v3;
	v4 =	vmul.f32 v4, v3  }
0x1b5: {  	s16 =	sadd.s32 $0xFFFFFFFD, s10;
	v8 =	vmul.f32 v8, v3;
	v9 =	vmul.f32 v9, v3  }
0x1b6: {  	v12 =	vmov s16;
	v7 =	vmul.f32 v7, v3;
	[tilespmem:s9+$0x80] =	vst v6;
	v6 =	vmul.f32 v10, v3  }
0x1b7: {  	v10 =	vand.u32 $0xFFFFFFFC, v12;
	[tilespmem:s9+$0x90] =	vst v4;
	v4 =	vmul.f32 v5, v3;
	v3 =	vmul.f32 v11, v3  }
0x1b8: {  	v5 =	vbroadcast v10, $0x0;
	[tilespmem:s9+$0xA0] =	vst v9  }
0x1b9: {  	[tilespmem:s9+$0xD0] =	vst v7  }
0x1ba: {  	v7 =	vld [tilespmem:s15+$0xFFFFFF50];
	[tilespmem:s9+$0xB0] =	vst v8  }
0x1bb: {  	v8 =	vld [tilespmem:s15+$0xFFFFFF30];
	[tilespmem:s9+$0xC0] =	vst v6  }
0x1bc: {  	v6 =	vld [tilespmem:s15+$0xFFFFFF60];
	[tilespmem:s9+$0xE0] =	vst v4  }
0x1bd: {  	v4 =	vld [tilespmem:s15+$0xFFFFFF70];
	[tilespmem:s9+$0xF0] =	vst v3;
	s9 =	smov.u32 s15  }
0x1be: {  	v3 =	vld.idx.msk [tilespmem:v5+s28+$0x0], $0xffff  }
0x1bf: {  	v5 =	vld [tilespmem:s15+$0xFFFFFF00]  }
0x1c0: {  	v9 =	vld [tilespmem:s15+$0xFFFFFF20]  }
0x1c1: {  	v10 =	vld [tilespmem:s15+$0xFFFFFF10]  }
0x1c2: {  	v11 =	vld [tilespmem:s15+$0xFFFFFF40];
	_ =	sdelay $0x1  }
0x1c3: {  	v4 =	vmul.f32 v4, v3;
	v5 =	vmul.f32 v5, v3  }
0x1c4: {  	s16 =	sadd.s32 $0xFFFFFFFE, s10;
	v6 =	vmul.f32 v6, v3;
	v9 =	vmul.f32 v9, v3  }
0x1c5: {  	v8 =	vmul.f32 v8, v3;
	v10 =	vmul.f32 v10, v3;
	[tilespmem:s15+$0xFFFFFF70] =	vst v4;
	v4 =	vmov s16  }
0x1c6: {  	[tilespmem:s15+$0xFFFFFF00] =	vst v5;
	v5 =	vmul.f32 v11, v3;
	v3 =	vmul.f32 v7, v3;
	v4 =	vand.u32 $0xFFFFFFFD, v4  }
0x1c7: {  	[tilespmem:s15+$0xFFFFFF20] =	vst v9;
	v4 =	vbroadcast v4, $0x0  }
0x1c8: {  	[tilespmem:s15+$0xFFFFFF30] =	vst v8  }
0x1c9: {  	[tilespmem:s15+$0xFFFFFF50] =	vst v3;
	v3 =	vld [tilespmem:s15+$0xFFFFFFF0]  }
0x1ca: {  	[tilespmem:s15+$0xFFFFFF10] =	vst v10;
	v7 =	vld [tilespmem:s15+$0xFFFFFFD0]  }
0x1cb: {  	[tilespmem:s15+$0xFFFFFF60] =	vst v6;
	v6 =	vld [tilespmem:s15+$0xFFFFFFB0]  }
0x1cc: {  	[tilespmem:s15+$0xFFFFFF40] =	vst v5;
	v5 =	vld [tilespmem:s15+$0xFFFFFF90]  }
0x1cd: {  	v4 =	vld.idx.msk [tilespmem:v4+s28+$0x0], $0xffff  }
0x1ce: {  	v8 =	vld [tilespmem:s15+$0xFFFFFF80]  }
0x1cf: {  	v9 =	vld [tilespmem:s15+$0xFFFFFFA0]  }
0x1d0: {  	v10 =	vld [tilespmem:s15+$0xFFFFFFC0]  }
0x1d1: {  	v11 =	vld [tilespmem:s15+$0xFFFFFFE0];
	_ =	sdelay $0x1  }
0x1d2: {  	v5 =	vmul.f32 v5, v4;
	v8 =	vmul.f32 v8, v4  }
0x1d3: {  	s16 =	sadd.s32 $0xFFFFFFFF, s10;
	v6 =	vmul.f32 v6, v4;
	v9 =	vmul.f32 v9, v4  }
0x1d4: {  	v7 =	vmul.f32 v7, v4;
	[tilespmem:s15+$0xFFFFFF80] =	vst v8;
	v8 =	vmul.f32 v10, v4;
	v10 =	vmov s16  }
0x1d5: {  	v3 =	vmul.f32 v3, v4;
	[tilespmem:s15+$0xFFFFFFA0] =	vst v9;
	v9 =	vmul.f32 v11, v4;
	v4 =	vand.u32 $0xFFFFFFFE, v10  }
0x1d6: {  	[tilespmem:s15+$0xFFFFFF90] =	vst v5;
	v4 =	vbroadcast v4, $0x0  }
0x1d7: {  	[tilespmem:s15+$0xFFFFFFD0] =	vst v7  }
0x1d8: {  	[tilespmem:s15+$0xFFFFFFE0] =	vst v9  }
0x1d9: {  	[tilespmem:s15+$0xFFFFFFB0] =	vst v6  }
.Ltmp3:
0x1da: {  	[tilespmem:s15+$0xFFFFFFF0] =	vst v3;
	v5 =	vld [tilespmem:s15+$0x20];
	(pc) =	sbr.rel @p1 .LBB2_9-.Ltmp3, $4  }
0x1db: {  	[tilespmem:s15+$0xFFFFFFC0] =	vst v8;
	v6 =	vld [tilespmem:s15+$0x0]  }
0x1dc: {  	v3 =	vld.idx.msk [tilespmem:v4+s28+$0x0], $0xffff  }
0x1dd: {  	v4 =	vld [tilespmem:s15+$0x10]  }
0x1de: {  	v7 =	vld [tilespmem:s15+$0x30]  }
0x1df: {  	_ =	sdelay $0x1  }
0x1e0: {  	v8 =	vld [tilespmem:s9+$0x60];
	v6 =	vmul.f32 v6, v3  }
0x1e1: {  	v9 =	vld [tilespmem:s9+$0x50];
	v5 =	vmul.f32 v5, v3  }
0x1e2: {  	v1 =	vmul.f32 v1, v3;
	[tilespmem:s9+$0x0] =	vst v6  }
0x1e3: {  	v2 =	vmul.f32 v2, v3;
	[tilespmem:s9+$0x20] =	vst v5  }
0x1e4: {  	v7 =	vmul.f32 v7, v3;
	[tilespmem:s9+$0x40] =	vst v1  }
0x1e5: {  	v57 =	vmov s10;
	[tilespmem:s9+$0x70] =	vst v2;
	v54 =	vmul.f32 v8, v3  }
0x1e6: {  	v55 =	vmul.f32 v9, v3;
	[tilespmem:s9+$0x30] =	vst v7  }
0x1e7: {  	v3 =	vmul.f32 v4, v3;
	[tilespmem:s9+$0x60] =	vst v54  }
0x1e8: {  	[tilespmem:s9+$0x50] =	vst v55  }
0x1e9: {  	v56 =	vld [tilespmem:s9+$0x80];
	[tilespmem:s9+$0x10] =	vst v3  }
0x1ea: {  	v1 =	vld.idx.msk [tilespmem:v57+s28+$0x0], $0xffff  }
0x1eb: {  	v2 =	vld [tilespmem:s9+$0x90]  }
0x1ec: {  	v3 =	vld [tilespmem:s9+$0xA0]  }
0x1ed: {  	v58 =	vld [tilespmem:s9+$0xD0]  }
0x1ee: {  	v61 =	vld [tilespmem:s9+$0xE0]  }
0x1ef: {  	v59 =	vld [tilespmem:s9+$0xB0];
	v7 =	vmul.f32 v56, v1  }
0x1f0: {  	v60 =	vld [tilespmem:s9+$0xC0];
	v2 =	vmul.f32 v2, v1  }
0x1f1: {  	v62 =	vld [tilespmem:s9+$0xF0];
	v3 =	vmul.f32 v3, v1;
	[tilespmem:s9+$0x80] =	vst v7  }
0x1f2: {  	v4 =	vmul.f32 v58, v1;
	[tilespmem:s9+$0x90] =	vst v2  }
0x1f3: {  	s7 =	sadd.s32 $0x1, s7;
	v63 =	vmul.f32 v61, v1;
	[tilespmem:s9+$0xA0] =	vst v3  }
0x1f4: {  	p1 =	sne.s32 s7, $0x3E;
	v2 =	vmul.f32 v59, v1;
	[tilespmem:s9+$0xD0] =	vst v4  }
.Ltmp4:
0x1f5: {  	v3 =	vmul.f32 v60, v1;
	[tilespmem:s9+$0xE0] =	vst v63;
	(pc) =	sbr.rel @p1 .LBB2_6-.Ltmp4, $4  }
0x1f6: {  	v1 =	vmul.f32 v62, v1;
	[tilespmem:s9+$0xB0] =	vst v2  }
0x1f7: {  	[tilespmem:s9+$0xC0] =	vst v3  }
0x1f8: {  	[tilespmem:s9+$0xF0] =	vst v1  }
0x1f9: {  	[spmem:s1] =	stream.indirect.scatter.add.f32 [tilespmem:s24], [sflag:$0x4], $0x80, s29, s23, $0xb8;
	[tilespmem:$0x1F680] =	vst v63  }
0x1fa: {  	_ =	swait.ge [sflag:s2], $0x2800  }
0x1fb: {  	[sflag:s2] =	ssyncset.done $0x0  }
0x1fc: {  	[sflag:s2] =	ssyncadd.s32 $0xFFFFD800  }
0x1fd: {  	_ =	swait.ge [sflag:s30], $0x2800  }
0x1fe: {  	[sflag:s30] =	ssyncset.done $0x0  }
0x1ff: {  	s7 =	stileid.u32;
	[sflag:s30] =	ssyncadd.s32 $0xFFFFD800  }
0x200: {  	s7 =	sshll.u32 s7, $0x6;
	[bflag:$0x0] =	sbarrier.arrive $0xFFFF  }
0x201: {  	s9 =	sshrl.u32 s8, $0x3;
	s7 =	sor.u32 $0x1C06, s7;
	s10 =	rddreg [dreg:$0x7]  }
0x202: {  	[hbm:s10], [sflag:s7] =	dma.local [spmem:s9], $0x2700  }
0x203: {  	_ =	swait.ge [sflag:s21], $0x2700  }
0x204: {  	[sflag:s21] =	ssyncset.done $0x0  }
0x205: {  	s9 =	sshrl.u32 @!p0 s11, $0x3;
	s10 =	rddreg [dreg:$0x8];
	[sflag:s21] =	ssyncadd.s32 $0xFFFFD900  }
0x206: {  	[hbm:s10], [sflag:s7] =	dma.local @!p0 [spmem:s9], $0x100  }
0x207: {  	s7 =	simm.s32 @!p0 $0x6  }
0x208: {  	_ =	swait.ge @!p0 [sflag:s7], $0x100  }
0x209: {  	s19 =	sadd.s32 $0x1, s19;
	s17 =	rddreg [dreg:$0x9]  }
0x20a: {  	p1 =	sne.s32 s19, s17  }
.Ltmp5:
0x20b: {  	_ = 	snop;
	(pc) =	sbr.rel @p1 .LBB2_1-.Ltmp5, $3  }
0x20c: {  	_ =	sdelay $0x1  }
0x20d: {  	[sflag:s7] =	ssyncset.done @!p0 $0x0  }
0x20e: {  	s10 =	simm.s32 $0x18A80;
	[sflag:s7] =	ssyncadd.s32 @!p0 $0xFFFFFF00  }
0x20f: {  	_ =	sfence.sel $0x180000  }
0x210: {  	[bflag:$0x0] =	sbarrier.arrive $0xFFFF  }
0x211: {  	_ =	strace $0x90000047  }
0x212: {  	s0 =	stileid.u32;
	[bflag:$0x2] =	sbarrier.arrive $0xFFFF  }
0x213: {  	p0 =	sne.s32 s0, $0x0;
	s0 =	rddreg [dreg:$0x2]  }
0x214: {  	s0 =	sadd.s32 @!p0 $0x100000, s0  }
0x215: {  	[sflag:s0] =	ssyncadd.tile.s32 @!p0 $0x1;
	_ =	shalt  }
.Lfunc_end2:
_tile_overlayer_lowered:
.L_overlay_start_2:
0x216: {  	(tag) =	ssettag $0x2  }
0x217: {  	s0 =	rddreg [dreg:$0x0];
	s2 =	stileid.u32  }
0x218: {  	s1 =	rddreg [dreg:$0x1];
	p0 =	sne.s32 s2, $0x0  }
0x219: {  	s3 =	rddreg [dreg:$0x2];
	[bflag:$0x3] =	sbarrier.arrive $0xFFFF;
	s2 =	simm.s32 @!p0 $0x1C06  }
0x21a: {  	[timem:s3], [sflag:s2] =	dma.local @!p0 [hbm:s0], s1  }
0x21b: {  	s0 =	simm.s32 @!p0 $0x6  }
0x21c: {  	_ =	swait.ge @!p0 [sflag:s0], s1  }
0x21d: {  	s1 =	ssub.s32 @!p0 $0x0, s1;
	[sflag:s0] =	ssyncset.done @!p0 $0x0  }
0x21e: {  	[sflag:s0] =	ssyncadd.s32 @!p0 s1  }
0x21f: {  	[bflag:$0x3] =	sbarrier.arrive $0xFFFF  }
0x220: {  	_ =	shalt  }

</sc_bundles>
